<compile_context>
chip_gen: v7x
topology: tpu7x:2x2x1
jax: 0.10.2.dev20260603
libtpu: 0.0.44.dev20260713+nightly
codegen_flags: <defaults>
</compile_context>

<pallas_src>
import jax
import jax.numpy as jnp
from jax import lax
from jax.experimental import pallas as pl
from jax.experimental.pallas import tpu as pltpu
from jax.experimental.pallas import tpu_sc as plsc

B = 16384
D = 32
V = 1000000
NC = 2
NS = 16
L = 16
NW = NC * NS
BPW = B // NW
OCT = 8
NOCT = BPW // OCT

IDXPAD = BPW + L


def _sc_kernel(users_hbm, items_hbm, utab_hbm, itab_hbm, out_hbm,
               uidx_v, iidx_v, ubuf_v, ibuf_v, out_v,
               sem0, sem1, sem2, sem3, sem4, sem5, sem6, sem7):
    sems = [sem0, sem1, sem2, sem3, sem4, sem5, sem6, sem7]
    lanes = lax.iota(jnp.int32, L)
    a_lo = lanes >> 3
    a_hi = a_lo + 2
    k_sel = lanes & 7
    wid = lax.axis_index("s") * NC + lax.axis_index("c")
    base = wid * BPW
    pltpu.sync_copy(users_hbm.at[pl.ds(base, BPW)],
                    uidx_v.at[pl.ds(0, BPW)])
    pltpu.sync_copy(items_hbm.at[pl.ds(base, BPW)],
                    iidx_v.at[pl.ds(0, BPW)])

    def fire(j, ru, ri):
        qu = pl.multiple_of((ru >> 7) << 7, 128)
        qi = pl.multiple_of((ri >> 7) << 7, 128)
        pltpu.async_copy(
            utab_hbm.at[:, :, pl.ds(qu, 128)], ubuf_v.at[j], sems[j])
        pltpu.async_copy(
            itab_hbm.at[:, :, pl.ds(qi, 128)], ibuf_v.at[j], sems[j])

    def wait_slot(j):
        dummy = utab_hbm.at[:, :, pl.ds(0, 128)]
        pltpu.make_async_copy(dummy, ubuf_v.at[j], sems[j]).wait()
        pltpu.make_async_copy(dummy, ibuf_v.at[j], sems[j]).wait()

    uvec0 = uidx_v[pl.ds(0, L)]
    ivec0 = iidx_v[pl.ds(0, L)]
    for j in range(OCT):
        fire(j, uvec0[j], ivec0[j])

    @pl.loop(0, NOCT)
    def _(o):
        uvec = uidx_v[pl.ds(o * OCT, L)]
        ivec = iidx_v[pl.ds(o * OCT, L)]
        uvn = uidx_v[pl.ds(o * OCT + OCT, L)]
        ivn = iidx_v[pl.ds(o * OCT + OCT, L)]

        res = jnp.zeros((L,), jnp.float32)
        for j in range(OCT):
            wait_slot(j)
            mu = jnp.full((L,), uvec[j] & 127, jnp.int32)
            mi = jnp.full((L,), ivec[j] & 127, jnp.int32)
            uv0 = plsc.load_gather(ubuf_v.at[j], [a_lo, k_sel, mu])
            uv1 = plsc.load_gather(ubuf_v.at[j], [a_hi, k_sel, mu])
            iv0 = plsc.load_gather(ibuf_v.at[j], [a_lo, k_sel, mi])
            iv1 = plsc.load_gather(ibuf_v.at[j], [a_hi, k_sel, mi])
            s = jnp.sum(uv0 * iv0 + uv1 * iv1)
            res = jnp.where(lanes == j, s, res)

            @pl.when(o + 1 < NOCT)
            def _():
                fire(j, uvn[j], ivn[j])

        out_v[pl.ds(o * OCT, L)] = res

    @pl.loop(0, BPW // L)
    def _(g):
        sl = pl.ds(g * L, L)
        x = out_v[sl]
        out_v[sl] = 1.0 / (1.0 + jnp.exp(-x))

    pltpu.sync_copy(out_v.at[pl.ds(0, BPW)], out_hbm.at[pl.ds(base, BPW)])


@jax.jit
def _run(users, items, user_table, item_table):
    mesh = plsc.VectorSubcoreMesh(core_axis_name="c", subcore_axis_name="s")
    cp = pltpu.CompilerParams(
        needs_layout_passes=False, use_tc_tiling_on_sc=True)
    k = pl.kernel(
        _sc_kernel,
        out_type=jax.ShapeDtypeStruct((B,), jnp.float32),
        mesh=mesh,
        scratch_types=[
            pltpu.VMEM((IDXPAD,), jnp.int32),
            pltpu.VMEM((IDXPAD,), jnp.int32),
            pltpu.VMEM((OCT, 4, 8, 128), jnp.float32),
            pltpu.VMEM((OCT, 4, 8, 128), jnp.float32),
            pltpu.VMEM((IDXPAD,), jnp.float32),
        ] + [pltpu.SemaphoreType.DMA] * OCT,
        compiler_params=cp,
    )
    ut = user_table.T.reshape(4, 8, V)
    it = item_table.T.reshape(4, 8, V)
    return k(users, items, ut, it)


def kernel(users, items, user_table, item_table):
    return _run(users, items, user_table, item_table)

# --- scband reference (transcript-rebuilt; emitter-appended) ---
"""Pipeline reference for scband-matrix-factorization-model-29317446762682 (READ-ONLY COPY).

The authoritative reference and input builder live on the scoring server;
editing this copy changes nothing except your own understanding.
"""

import jax, jax.numpy as jnp
import numpy as np

N_USERS = 1000000
N_MOVIES = 1000000
EMBED_DIM = 32
BATCH = 16384


def setup_inputs(seed: int = 0) -> dict:
    key = jax.random.key(seed)
    k1, k2, k3, k4 = jax.random.split(key, 4)
    users = jax.random.randint(k1, (BATCH,), 0, N_USERS, dtype=jnp.int64 if jax.config.jax_enable_x64 else jnp.int32)
    items = jax.random.randint(k2, (BATCH,), 0, N_MOVIES, dtype=jnp.int64 if jax.config.jax_enable_x64 else jnp.int32)
    user_table = jax.random.normal(k3, (N_USERS, EMBED_DIM), dtype=jnp.float32)
    item_table = jax.random.normal(k4, (N_MOVIES, EMBED_DIM), dtype=jnp.float32)
    return {"users": users, "items": items, "user_table": user_table, "item_table": item_table}


def reference(users, items, user_table, item_table):
    user_emb = jnp.take(user_table, users, axis=0)
    item_emb = jnp.take(item_table, items, axis=0)
    interaction = jnp.sum(user_emb * item_emb, axis=1)
    interaction = jax.nn.sigmoid(interaction)
    return interaction

if __name__ == "__main__":
    import jax
    _d = setup_inputs()
    print(jax.jit(kernel)(*tuple(_d.values())))

</pallas_src>

<mosaic_0001>
#map = affine_map<(d0, d1) -> (0)>
#map1 = affine_map<(d0, d1) -> (0, 0, 0)>
module attributes {stable_mosaic.version = 14 : i64} {
  func.func @_sc_kernel(%arg0: i32, %arg1: i32, %arg2: memref<16384xi32, #tpu.memory_space<hbm>>, %arg3: memref<16384xi32, #tpu.memory_space<hbm>>, %arg4: memref<4x8x1000000xf32, #tpu.memory_space<hbm>>, %arg5: memref<4x8x1000000xf32, #tpu.memory_space<hbm>>, %arg6: memref<16384xf32, #tpu.memory_space<hbm>>, %arg7: memref<528xi32, #tpu.memory_space<vmem>>, %arg8: memref<528xi32, #tpu.memory_space<vmem>>, %arg9: memref<8x4x8x128xf32, #tpu.memory_space<vmem>>, %arg10: memref<8x4x8x128xf32, #tpu.memory_space<vmem>>, %arg11: memref<528xf32, #tpu.memory_space<vmem>>, %arg12: memref<!tpu.dma_semaphore, #tpu.memory_space<semaphore_mem>>, %arg13: memref<!tpu.dma_semaphore, #tpu.memory_space<semaphore_mem>>, %arg14: memref<!tpu.dma_semaphore, #tpu.memory_space<semaphore_mem>>, %arg15: memref<!tpu.dma_semaphore, #tpu.memory_space<semaphore_mem>>, %arg16: memref<!tpu.dma_semaphore, #tpu.memory_space<semaphore_mem>>, %arg17: memref<!tpu.dma_semaphore, #tpu.memory_space<semaphore_mem>>, %arg18: memref<!tpu.dma_semaphore, #tpu.memory_space<semaphore_mem>>, %arg19: memref<!tpu.dma_semaphore, #tpu.memory_space<semaphore_mem>>) attributes {dimension_semantics = [#tpu.dimension_semantics<core_parallel>, #tpu.dimension_semantics<subcore_parallel>], iteration_bounds = array<i64: 2, 16>, scalar_prefetch = 0 : i64, scratch_operands = 13 : i64, tpu.core_type = #tpu.core_type<sc_vector_subcore>, window_params = [{transform_indices = #map}, {transform_indices = #map}, {transform_indices = #map1}, {transform_indices = #map1}, {transform_indices = #map}]} {
    %iota3A = tpu.iota {dimensions = array<i32: 0>} : vector<16xi32>
    %shift_right_arithmetic3A = arith.constant 3 : i32
    %shift_right_arithmetic3A_0 = vector.broadcast %shift_right_arithmetic3A : i32 to vector<16xi32>
    %shift_right_arithmetic3A_1 = arith.shrsi %iota3A, %shift_right_arithmetic3A_0 : vector<16xi32>
    %add3A = arith.constant 2 : i32
    %add3A_2 = vector.broadcast %add3A : i32 to vector<16xi32>
    %add3A_3 = arith.addi %shift_right_arithmetic3A_1, %add3A_2 : vector<16xi32>
    %and3A = arith.constant 7 : i32
    %and3A_4 = vector.broadcast %and3A : i32 to vector<16xi32>
    %and3A_5 = arith.andi %iota3A, %and3A_4 : vector<16xi32>
    %mul3A = arith.constant 2 : i32
    %mul3A_6 = arith.muli %arg1, %mul3A : i32
    %add3A_7 = arith.addi %mul3A_6, %arg0 : i32
    %mul3A_8 = arith.constant 512 : i32
    %mul3A_9 = arith.muli %add3A_7, %mul3A_8 : i32
    "tpu.region"() ({
      %run_scoped3A = tpu.sem_alloc : memref<!tpu.dma_semaphore, #tpu.memory_space<semaphore_mem>>
      %dma_start3A_401 = arith.constant 0 : i32
      %dma_start3A_402 = tpu.memref_slice %arg7[%dma_start3A_401] : memref<528xi32, #tpu.memory_space<vmem>> -> memref<512xi32, #tpu.memory_space<vmem>>
      %dma_start3A_403 = tpu.memref_slice %arg2[%mul3A_9] : memref<16384xi32, #tpu.memory_space<hbm>> -> memref<512xi32, #tpu.memory_space<hbm>>
      %dma_start3A_404 = arith.constant 0 : i32
      %dma_start3A_405 = tpu.memref_slice %arg7[%dma_start3A_404] : memref<528xi32, #tpu.memory_space<vmem>> -> memref<512xi32, #tpu.memory_space<vmem>>
      %dma_start3A_406 = tpu.memref_slice %arg2[%mul3A_9] : memref<16384xi32, #tpu.memory_space<hbm>> -> memref<512xi32, #tpu.memory_space<hbm>>
      tpu.enqueue_dma source(%dma_start3A_406 : memref<512xi32, #tpu.memory_space<hbm>>) target(%dma_start3A_405 : memref<512xi32, #tpu.memory_space<vmem>>) target_semaphore(%run_scoped3A : memref<!tpu.dma_semaphore, #tpu.memory_space<semaphore_mem>>)
      %dma_wait3A = arith.constant 0 : i32
      %dma_wait3A_407 = tpu.memref_slice %arg7[%dma_wait3A] : memref<528xi32, #tpu.memory_space<vmem>> -> memref<512xi32, #tpu.memory_space<vmem>>
      %dma_wait3A_408 = tpu.memref_slice %arg2[%mul3A_9] : memref<16384xi32, #tpu.memory_space<hbm>> -> memref<512xi32, #tpu.memory_space<hbm>>
      %dma_wait3A_409 = arith.constant 0 : i32
      %dma_wait3A_410 = tpu.memref_slice %arg7[%dma_wait3A_409] : memref<528xi32, #tpu.memory_space<vmem>> -> memref<512xi32, #tpu.memory_space<vmem>>
      %dma_wait3A_411 = tpu.memref_slice %arg2[%mul3A_9] : memref<16384xi32, #tpu.memory_space<hbm>> -> memref<512xi32, #tpu.memory_space<hbm>>
      tpu.wait_dma2 semaphore(%run_scoped3A : memref<!tpu.dma_semaphore, #tpu.memory_space<semaphore_mem>>) src(%dma_wait3A_411 : memref<512xi32, #tpu.memory_space<hbm>>) dst(%dma_wait3A_410 : memref<512xi32, #tpu.memory_space<vmem>>)
      tpu.yield
    }) : () -> ()
    "tpu.region"() ({
      %run_scoped3A = tpu.sem_alloc : memref<!tpu.dma_semaphore, #tpu.memory_space<semaphore_mem>>
      %dma_start3A_401 = arith.constant 0 : i32
      %dma_start3A_402 = tpu.memref_slice %arg8[%dma_start3A_401] : memref<528xi32, #tpu.memory_space<vmem>> -> memref<512xi32, #tpu.memory_space<vmem>>
      %dma_start3A_403 = tpu.memref_slice %arg3[%mul3A_9] : memref<16384xi32, #tpu.memory_space<hbm>> -> memref<512xi32, #tpu.memory_space<hbm>>
      %dma_start3A_404 = arith.constant 0 : i32
      %dma_start3A_405 = tpu.memref_slice %arg8[%dma_start3A_404] : memref<528xi32, #tpu.memory_space<vmem>> -> memref<512xi32, #tpu.memory_space<vmem>>
      %dma_start3A_406 = tpu.memref_slice %arg3[%mul3A_9] : memref<16384xi32, #tpu.memory_space<hbm>> -> memref<512xi32, #tpu.memory_space<hbm>>
      tpu.enqueue_dma source(%dma_start3A_406 : memref<512xi32, #tpu.memory_space<hbm>>) target(%dma_start3A_405 : memref<512xi32, #tpu.memory_space<vmem>>) target_semaphore(%run_scoped3A : memref<!tpu.dma_semaphore, #tpu.memory_space<semaphore_mem>>)
      %dma_wait3A = arith.constant 0 : i32
      %dma_wait3A_407 = tpu.memref_slice %arg8[%dma_wait3A] : memref<528xi32, #tpu.memory_space<vmem>> -> memref<512xi32, #tpu.memory_space<vmem>>
      %dma_wait3A_408 = tpu.memref_slice %arg3[%mul3A_9] : memref<16384xi32, #tpu.memory_space<hbm>> -> memref<512xi32, #tpu.memory_space<hbm>>
      %dma_wait3A_409 = arith.constant 0 : i32
      %dma_wait3A_410 = tpu.memref_slice %arg8[%dma_wait3A_409] : memref<528xi32, #tpu.memory_space<vmem>> -> memref<512xi32, #tpu.memory_space<vmem>>
      %dma_wait3A_411 = tpu.memref_slice %arg3[%mul3A_9] : memref<16384xi32, #tpu.memory_space<hbm>> -> memref<512xi32, #tpu.memory_space<hbm>>
      tpu.wait_dma2 semaphore(%run_scoped3A : memref<!tpu.dma_semaphore, #tpu.memory_space<semaphore_mem>>) src(%dma_wait3A_411 : memref<512xi32, #tpu.memory_space<hbm>>) dst(%dma_wait3A_410 : memref<512xi32, #tpu.memory_space<vmem>>)
      tpu.yield
    }) : () -> ()
    %get3A = arith.constant 0 : index
    %get3A_10 = tpu.vector_load %arg7[%get3A] {strides = array<i32>} : memref<528xi32, #tpu.memory_space<vmem>>, vector<16xi32>,
    %get3A_11 = arith.constant 0 : index
    %get3A_12 = tpu.vector_load %arg8[%get3A_11] {strides = array<i32>} : memref<528xi32, #tpu.memory_space<vmem>>, vector<16xi32>,
    %slice3A = vector.extract_strided_slice %get3A_10 {offsets = [0], sizes = [1], strides = [1]} : vector<16xi32> to vector<1xi32>
    %squeeze3A = vector.extract %slice3A[0] : i32 from vector<1xi32>
    %slice3A_13 = vector.extract_strided_slice %get3A_12 {offsets = [0], sizes = [1], strides = [1]} : vector<16xi32> to vector<1xi32>
    %squeeze3A_14 = vector.extract %slice3A_13[0] : i32 from vector<1xi32>
    %shift_right_arithmetic3A_15 = arith.constant 7 : i32
    %shift_right_arithmetic3A_16 = arith.shrsi %squeeze3A, %shift_right_arithmetic3A_15 : i32
    %shift_left3A = arith.constant 7 : i32
    %shift_left3A_17 = arith.shli %shift_right_arithmetic3A_16, %shift_left3A : i32
    %multiple_of3A = tpu.assume_multiple %shift_left3A_17, 128 : i32
    %shift_right_arithmetic3A_18 = arith.constant 7 : i32
    %shift_right_arithmetic3A_19 = arith.shrsi %squeeze3A_14, %shift_right_arithmetic3A_18 : i32
    %shift_left3A_20 = arith.constant 7 : i32
    %shift_left3A_21 = arith.shli %shift_right_arithmetic3A_19, %shift_left3A_20 : i32
    %multiple_of3A_22 = tpu.assume_multiple %shift_left3A_21, 128 : i32
    %dma_start3A = arith.constant 0 : i32
    %dma_start3A_23 = arith.constant 0 : i32
    %dma_start3A_24 = arith.constant 0 : i32
    %dma_start3A_25 = arith.constant 0 : i32
    %dma_start3A_26 = tpu.memref_slice %arg9[%dma_start3A, %dma_start3A_23, %dma_start3A_24, %dma_start3A_25] : memref<8x4x8x128xf32, #tpu.memory_space<vmem>> -> memref<1x4x8x128xf32, #tpu.memory_space<vmem>>
    %dma_start3A_27 = tpu.memref_squeeze %dma_start3A_26 : memref<1x4x8x128xf32, #tpu.memory_space<vmem>> -> memref<4x8x128xf32, #tpu.memory_space<vmem>>
    %dma_start3A_28 = arith.constant 0 : i32
    %dma_start3A_29 = arith.constant 0 : i32
    %dma_start3A_30 = tpu.memref_slice %arg4[%dma_start3A_28, %dma_start3A_29, %multiple_of3A] : memref<4x8x1000000xf32, #tpu.memory_space<hbm>> -> memref<4x8x128xf32, #tpu.memory_space<hbm>>
    %dma_start3A_31 = arith.constant 0 : i32
    %dma_start3A_32 = arith.constant 0 : i32
    %dma_start3A_33 = arith.constant 0 : i32
    %dma_start3A_34 = tpu.memref_slice %arg9[%dma_start3A, %dma_start3A_31, %dma_start3A_32, %dma_start3A_33] : memref<8x4x8x128xf32, #tpu.memory_space<vmem>> -> memref<1x4x8x128xf32, #tpu.memory_space<vmem>>
    %dma_start3A_35 = tpu.memref_squeeze %dma_start3A_34 : memref<1x4x8x128xf32, #tpu.memory_space<vmem>> -> memref<4x8x128xf32, #tpu.memory_space<vmem>>
    %dma_start3A_36 = arith.constant 0 : i32
    %dma_start3A_37 = arith.constant 0 : i32
    %dma_start3A_38 = tpu.memref_slice %arg4[%dma_start3A_36, %dma_start3A_37, %multiple_of3A] : memref<4x8x1000000xf32, #tpu.memory_space<hbm>> -> memref<4x8x128xf32, #tpu.memory_space<hbm>>
    tpu.enqueue_dma source(%dma_start3A_38 : memref<4x8x128xf32, #tpu.memory_space<hbm>>) target(%dma_start3A_35 : memref<4x8x128xf32, #tpu.memory_space<vmem>>) target_semaphore(%arg12 : memref<!tpu.dma_semaphore, #tpu.memory_space<semaphore_mem>>)
    %dma_start3A_39 = arith.constant 0 : i32
    %dma_start3A_40 = arith.constant 0 : i32
    %dma_start3A_41 = arith.constant 0 : i32
    %dma_start3A_42 = arith.constant 0 : i32
    %dma_start3A_43 = tpu.memref_slice %arg10[%dma_start3A_39, %dma_start3A_40, %dma_start3A_41, %dma_start3A_42] : memref<8x4x8x128xf32, #tpu.memory_space<vmem>> -> memref<1x4x8x128xf32, #tpu.memory_space<vmem>>
    %dma_start3A_44 = tpu.memref_squeeze %dma_start3A_43 : memref<1x4x8x128xf32, #tpu.memory_space<vmem>> -> memref<4x8x128xf32, #tpu.memory_space<vmem>>
    %dma_start3A_45 = arith.constant 0 : i32
    %dma_start3A_46 = arith.constant 0 : i32
    %dma_start3A_47 = tpu.memref_slice %arg5[%dma_start3A_45, %dma_start3A_46, %multiple_of3A_22] : memref<4x8x1000000xf32, #tpu.memory_space<hbm>> -> memref<4x8x128xf32, #tpu.memory_space<hbm>>
    %dma_start3A_48 = arith.constant 0 : i32
    %dma_start3A_49 = arith.constant 0 : i32
    %dma_start3A_50 = arith.constant 0 : i32
    %dma_start3A_51 = tpu.memref_slice %arg10[%dma_start3A_39, %dma_start3A_48, %dma_start3A_49, %dma_start3A_50] : memref<8x4x8x128xf32, #tpu.memory_space<vmem>> -> memref<1x4x8x128xf32, #tpu.memory_space<vmem>>
    %dma_start3A_52 = tpu.memref_squeeze %dma_start3A_51 : memref<1x4x8x128xf32, #tpu.memory_space<vmem>> -> memref<4x8x128xf32, #tpu.memory_space<vmem>>
    %dma_start3A_53 = arith.constant 0 : i32
    %dma_start3A_54 = arith.constant 0 : i32
    %dma_start3A_55 = tpu.memref_slice %arg5[%dma_start3A_53, %dma_start3A_54, %multiple_of3A_22] : memref<4x8x1000000xf32, #tpu.memory_space<hbm>> -> memref<4x8x128xf32, #tpu.memory_space<hbm>>
    tpu.enqueue_dma source(%dma_start3A_55 : memref<4x8x128xf32, #tpu.memory_space<hbm>>) target(%dma_start3A_52 : memref<4x8x128xf32, #tpu.memory_space<vmem>>) target_semaphore(%arg12 : memref<!tpu.dma_semaphore, #tpu.memory_space<semaphore_mem>>)
    %slice3A_56 = vector.extract_strided_slice %get3A_10 {offsets = [1], sizes = [1], strides = [1]} : vector<16xi32> to vector<1xi32>
    %squeeze3A_57 = vector.extract %slice3A_56[0] : i32 from vector<1xi32>
    %slice3A_58 = vector.extract_strided_slice %get3A_12 {offsets = [1], sizes = [1], strides = [1]} : vector<16xi32> to vector<1xi32>
    %squeeze3A_59 = vector.extract %slice3A_58[0] : i32 from vector<1xi32>
    %shift_right_arithmetic3A_60 = arith.constant 7 : i32
    %shift_right_arithmetic3A_61 = arith.shrsi %squeeze3A_57, %shift_right_arithmetic3A_60 : i32
    %shift_left3A_62 = arith.constant 7 : i32
    %shift_left3A_63 = arith.shli %shift_right_arithmetic3A_61, %shift_left3A_62 : i32
    %multiple_of3A_64 = tpu.assume_multiple %shift_left3A_63, 128 : i32
    %shift_right_arithmetic3A_65 = arith.constant 7 : i32
    %shift_right_arithmetic3A_66 = arith.shrsi %squeeze3A_59, %shift_right_arithmetic3A_65 : i32
    %shift_left3A_67 = arith.constant 7 : i32
    %shift_left3A_68 = arith.shli %shift_right_arithmetic3A_66, %shift_left3A_67 : i32
    %multiple_of3A_69 = tpu.assume_multiple %shift_left3A_68, 128 : i32
    %dma_start3A_70 = arith.constant 1 : i32
    %dma_start3A_71 = arith.constant 0 : i32
    %dma_start3A_72 = arith.constant 0 : i32
    %dma_start3A_73 = arith.constant 0 : i32
    %dma_start3A_74 = tpu.memref_slice %arg9[%dma_start3A_70, %dma_start3A_71, %dma_start3A_72, %dma_start3A_73] : memref<8x4x8x128xf32, #tpu.memory_space<vmem>> -> memref<1x4x8x128xf32, #tpu.memory_space<vmem>>
    %dma_start3A_75 = tpu.memref_squeeze %dma_start3A_74 : memref<1x4x8x128xf32, #tpu.memory_space<vmem>> -> memref<4x8x128xf32, #tpu.memory_space<vmem>>
    %dma_start3A_76 = arith.constant 0 : i32
    %dma_start3A_77 = arith.constant 0 : i32
    %dma_start3A_78 = tpu.memref_slice %arg4[%dma_start3A_76, %dma_start3A_77, %multiple_of3A_64] : memref<4x8x1000000xf32, #tpu.memory_space<hbm>> -> memref<4x8x128xf32, #tpu.memory_space<hbm>>
    %dma_start3A_79 = arith.constant 0 : i32
    %dma_start3A_80 = arith.constant 0 : i32
    %dma_start3A_81 = arith.constant 0 : i32
    %dma_start3A_82 = tpu.memref_slice %arg9[%dma_start3A_70, %dma_start3A_79, %dma_start3A_80, %dma_start3A_81] : memref<8x4x8x128xf32, #tpu.memory_space<vmem>> -> memref<1x4x8x128xf32, #tpu.memory_space<vmem>>
    %dma_start3A_83 = tpu.memref_squeeze %dma_start3A_82 : memref<1x4x8x128xf32, #tpu.memory_space<vmem>> -> memref<4x8x128xf32, #tpu.memory_space<vmem>>
    %dma_start3A_84 = arith.constant 0 : i32
    %dma_start3A_85 = arith.constant 0 : i32
    %dma_start3A_86 = tpu.memref_slice %arg4[%dma_start3A_84, %dma_start3A_85, %multiple_of3A_64] : memref<4x8x1000000xf32, #tpu.memory_space<hbm>> -> memref<4x8x128xf32, #tpu.memory_space<hbm>>
    tpu.enqueue_dma source(%dma_start3A_86 : memref<4x8x128xf32, #tpu.memory_space<hbm>>) target(%dma_start3A_83 : memref<4x8x128xf32, #tpu.memory_space<vmem>>) target_semaphore(%arg13 : memref<!tpu.dma_semaphore, #tpu.memory_space<semaphore_mem>>)
    %dma_start3A_87 = arith.constant 1 : i32
    %dma_start3A_88 = arith.constant 0 : i32
    %dma_start3A_89 = arith.constant 0 : i32
    %dma_start3A_90 = arith.constant 0 : i32
    %dma_start3A_91 = tpu.memref_slice %arg10[%dma_start3A_87, %dma_start3A_88, %dma_start3A_89, %dma_start3A_90] : memref<8x4x8x128xf32, #tpu.memory_space<vmem>> -> memref<1x4x8x128xf32, #tpu.memory_space<vmem>>
    %dma_start3A_92 = tpu.memref_squeeze %dma_start3A_91 : memref<1x4x8x128xf32, #tpu.memory_space<vmem>> -> memref<4x8x128xf32, #tpu.memory_space<vmem>>
    %dma_start3A_93 = arith.constant 0 : i32
    %dma_start3A_94 = arith.constant 0 : i32
    %dma_start3A_95 = tpu.memref_slice %arg5[%dma_start3A_93, %dma_start3A_94, %multiple_of3A_69] : memref<4x8x1000000xf32, #tpu.memory_space<hbm>> -> memref<4x8x128xf32, #tpu.memory_space<hbm>>
    %dma_start3A_96 = arith.constant 0 : i32
    %dma_start3A_97 = arith.constant 0 : i32
    %dma_start3A_98 = arith.constant 0 : i32
    %dma_start3A_99 = tpu.memref_slice %arg10[%dma_start3A_87, %dma_start3A_96, %dma_start3A_97, %dma_start3A_98] : memref<8x4x8x128xf32, #tpu.memory_space<vmem>> -> memref<1x4x8x128xf32, #tpu.memory_space<vmem>>
    %dma_start3A_100 = tpu.memref_squeeze %dma_start3A_99 : memref<1x4x8x128xf32, #tpu.memory_space<vmem>> -> memref<4x8x128xf32, #tpu.memory_space<vmem>>
    %dma_start3A_101 = arith.constant 0 : i32
    %dma_start3A_102 = arith.constant 0 : i32
    %dma_start3A_103 = tpu.memref_slice %arg5[%dma_start3A_101, %dma_start3A_102, %multiple_of3A_69] : memref<4x8x1000000xf32, #tpu.memory_space<hbm>> -> memref<4x8x128xf32, #tpu.memory_space<hbm>>
    tpu.enqueue_dma source(%dma_start3A_103 : memref<4x8x128xf32, #tpu.memory_space<hbm>>) target(%dma_start3A_100 : memref<4x8x128xf32, #tpu.memory_space<vmem>>) target_semaphore(%arg13 : memref<!tpu.dma_semaphore, #tpu.memory_space<semaphore_mem>>)
    %slice3A_104 = vector.extract_strided_slice %get3A_10 {offsets = [2], sizes = [1], strides = [1]} : vector<16xi32> to vector<1xi32>
    %squeeze3A_105 = vector.extract %slice3A_104[0] : i32 from vector<1xi32>
    %slice3A_106 = vector.extract_strided_slice %get3A_12 {offsets = [2], sizes = [1], strides = [1]} : vector<16xi32> to vector<1xi32>
    %squeeze3A_107 = vector.extract %slice3A_106[0] : i32 from vector<1xi32>
    %shift_right_arithmetic3A_108 = arith.constant 7 : i32
    %shift_right_arithmetic3A_109 = arith.shrsi %squeeze3A_105, %shift_right_arithmetic3A_108 : i32
    %shift_left3A_110 = arith.constant 7 : i32
    %shift_left3A_111 = arith.shli %shift_right_arithmetic3A_109, %shift_left3A_110 : i32
    %multiple_of3A_112 = tpu.assume_multiple %shift_left3A_111, 128 : i32
    %shift_right_arithmetic3A_113 = arith.constant 7 : i32
    %shift_right_arithmetic3A_114 = arith.shrsi %squeeze3A_107, %shift_right_arithmetic3A_113 : i32
    %shift_left3A_115 = arith.constant 7 : i32
    %shift_left3A_116 = arith.shli %shift_right_arithmetic3A_114, %shift_left3A_115 : i32
    %multiple_of3A_117 = tpu.assume_multiple %shift_left3A_116, 128 : i32
    %dma_start3A_118 = arith.constant 2 : i32
    %dma_start3A_119 = arith.constant 0 : i32
    %dma_start3A_120 = arith.constant 0 : i32
    %dma_start3A_121 = arith.constant 0 : i32
    %dma_start3A_122 = tpu.memref_slice %arg9[%dma_start3A_118, %dma_start3A_119, %dma_start3A_120, %dma_start3A_121] : memref<8x4x8x128xf32, #tpu.memory_space<vmem>> -> memref<1x4x8x128xf32, #tpu.memory_space<vmem>>
    %dma_start3A_123 = tpu.memref_squeeze %dma_start3A_122 : memref<1x4x8x128xf32, #tpu.memory_space<vmem>> -> memref<4x8x128xf32, #tpu.memory_space<vmem>>
    %dma_start3A_124 = arith.constant 0 : i32
    %dma_start3A_125 = arith.constant 0 : i32
    %dma_start3A_126 = tpu.memref_slice %arg4[%dma_start3A_124, %dma_start3A_125, %multiple_of3A_112] : memref<4x8x1000000xf32, #tpu.memory_space<hbm>> -> memref<4x8x128xf32, #tpu.memory_space<hbm>>
    %dma_start3A_127 = arith.constant 0 : i32
    %dma_start3A_128 = arith.constant 0 : i32
    %dma_start3A_129 = arith.constant 0 : i32
    %dma_start3A_130 = tpu.memref_slice %arg9[%dma_start3A_118, %dma_start3A_127, %dma_start3A_128, %dma_start3A_129] : memref<8x4x8x128xf32, #tpu.memory_space<vmem>> -> memref<1x4x8x128xf32, #tpu.memory_space<vmem>>
    %dma_start3A_131 = tpu.memref_squeeze %dma_start3A_130 : memref<1x4x8x128xf32, #tpu.memory_space<vmem>> -> memref<4x8x128xf32, #tpu.memory_space<vmem>>
    %dma_start3A_132 = arith.constant 0 : i32
    %dma_start3A_133 = arith.constant 0 : i32
    %dma_start3A_134 = tpu.memref_slice %arg4[%dma_start3A_132, %dma_start3A_133, %multiple_of3A_112] : memref<4x8x1000000xf32, #tpu.memory_space<hbm>> -> memref<4x8x128xf32, #tpu.memory_space<hbm>>
    tpu.enqueue_dma source(%dma_start3A_134 : memref<4x8x128xf32, #tpu.memory_space<hbm>>) target(%dma_start3A_131 : memref<4x8x128xf32, #tpu.memory_space<vmem>>) target_semaphore(%arg14 : memref<!tpu.dma_semaphore, #tpu.memory_space<semaphore_mem>>)
    %dma_start3A_135 = arith.constant 2 : i32
    %dma_start3A_136 = arith.constant 0 : i32
    %dma_start3A_137 = arith.constant 0 : i32
    %dma_start3A_138 = arith.constant 0 : i32
    %dma_start3A_139 = tpu.memref_slice %arg10[%dma_start3A_135, %dma_start3A_136, %dma_start3A_137, %dma_start3A_138] : memref<8x4x8x128xf32, #tpu.memory_space<vmem>> -> memref<1x4x8x128xf32, #tpu.memory_space<vmem>>
    %dma_start3A_140 = tpu.memref_squeeze %dma_start3A_139 : memref<1x4x8x128xf32, #tpu.memory_space<vmem>> -> memref<4x8x128xf32, #tpu.memory_space<vmem>>
    %dma_start3A_141 = arith.constant 0 : i32
    %dma_start3A_142 = arith.constant 0 : i32
    %dma_start3A_143 = tpu.memref_slice %arg5[%dma_start3A_141, %dma_start3A_142, %multiple_of3A_117] : memref<4x8x1000000xf32, #tpu.memory_space<hbm>> -> memref<4x8x128xf32, #tpu.memory_space<hbm>>
    %dma_start3A_144 = arith.constant 0 : i32
    %dma_start3A_145 = arith.constant 0 : i32
    %dma_start3A_146 = arith.constant 0 : i32
    %dma_start3A_147 = tpu.memref_slice %arg10[%dma_start3A_135, %dma_start3A_144, %dma_start3A_145, %dma_start3A_146] : memref<8x4x8x128xf32, #tpu.memory_space<vmem>> -> memref<1x4x8x128xf32, #tpu.memory_space<vmem>>
    %dma_start3A_148 = tpu.memref_squeeze %dma_start3A_147 : memref<1x4x8x128xf32, #tpu.memory_space<vmem>> -> memref<4x8x128xf32, #tpu.memory_space<vmem>>
    %dma_start3A_149 = arith.constant 0 : i32
    %dma_start3A_150 = arith.constant 0 : i32
    %dma_start3A_151 = tpu.memref_slice %arg5[%dma_start3A_149, %dma_start3A_150, %multiple_of3A_117] : memref<4x8x1000000xf32, #tpu.memory_space<hbm>> -> memref<4x8x128xf32, #tpu.memory_space<hbm>>
    tpu.enqueue_dma source(%dma_start3A_151 : memref<4x8x128xf32, #tpu.memory_space<hbm>>) target(%dma_start3A_148 : memref<4x8x128xf32, #tpu.memory_space<vmem>>) target_semaphore(%arg14 : memref<!tpu.dma_semaphore, #tpu.memory_space<semaphore_mem>>)
    %slice3A_152 = vector.extract_strided_slice %get3A_10 {offsets = [3], sizes = [1], strides = [1]} : vector<16xi32> to vector<1xi32>
    %squeeze3A_153 = vector.extract %slice3A_152[0] : i32 from vector<1xi32>
    %slice3A_154 = vector.extract_strided_slice %get3A_12 {offsets = [3], sizes = [1], strides = [1]} : vector<16xi32> to vector<1xi32>
    %squeeze3A_155 = vector.extract %slice3A_154[0] : i32 from vector<1xi32>
    %shift_right_arithmetic3A_156 = arith.constant 7 : i32
    %shift_right_arithmetic3A_157 = arith.shrsi %squeeze3A_153, %shift_right_arithmetic3A_156 : i32
    %shift_left3A_158 = arith.constant 7 : i32
    %shift_left3A_159 = arith.shli %shift_right_arithmetic3A_157, %shift_left3A_158 : i32
    %multiple_of3A_160 = tpu.assume_multiple %shift_left3A_159, 128 : i32
    %shift_right_arithmetic3A_161 = arith.constant 7 : i32
    %shift_right_arithmetic3A_162 = arith.shrsi %squeeze3A_155, %shift_right_arithmetic3A_161 : i32
    %shift_left3A_163 = arith.constant 7 : i32
    %shift_left3A_164 = arith.shli %shift_right_arithmetic3A_162, %shift_left3A_163 : i32
    %multiple_of3A_165 = tpu.assume_multiple %shift_left3A_164, 128 : i32
    %dma_start3A_166 = arith.constant 3 : i32
    %dma_start3A_167 = arith.constant 0 : i32
    %dma_start3A_168 = arith.constant 0 : i32
    %dma_start3A_169 = arith.constant 0 : i32
    %dma_start3A_170 = tpu.memref_slice %arg9[%dma_start3A_166, %dma_start3A_167, %dma_start3A_168, %dma_start3A_169] : memref<8x4x8x128xf32, #tpu.memory_space<vmem>> -> memref<1x4x8x128xf32, #tpu.memory_space<vmem>>
    %dma_start3A_171 = tpu.memref_squeeze %dma_start3A_170 : memref<1x4x8x128xf32, #tpu.memory_space<vmem>> -> memref<4x8x128xf32, #tpu.memory_space<vmem>>
    %dma_start3A_172 = arith.constant 0 : i32
    %dma_start3A_173 = arith.constant 0 : i32
    %dma_start3A_174 = tpu.memref_slice %arg4[%dma_start3A_172, %dma_start3A_173, %multiple_of3A_160] : memref<4x8x1000000xf32, #tpu.memory_space<hbm>> -> memref<4x8x128xf32, #tpu.memory_space<hbm>>
    %dma_start3A_175 = arith.constant 0 : i32
    %dma_start3A_176 = arith.constant 0 : i32
    %dma_start3A_177 = arith.constant 0 : i32
    %dma_start3A_178 = tpu.memref_slice %arg9[%dma_start3A_166, %dma_start3A_175, %dma_start3A_176, %dma_start3A_177] : memref<8x4x8x128xf32, #tpu.memory_space<vmem>> -> memref<1x4x8x128xf32, #tpu.memory_space<vmem>>
    %dma_start3A_179 = tpu.memref_squeeze %dma_start3A_178 : memref<1x4x8x128xf32, #tpu.memory_space<vmem>> -> memref<4x8x128xf32, #tpu.memory_space<vmem>>
    %dma_start3A_180 = arith.constant 0 : i32
    %dma_start3A_181 = arith.constant 0 : i32
    %dma_start3A_182 = tpu.memref_slice %arg4[%dma_start3A_180, %dma_start3A_181, %multiple_of3A_160] : memref<4x8x1000000xf32, #tpu.memory_space<hbm>> -> memref<4x8x128xf32, #tpu.memory_space<hbm>>
    tpu.enqueue_dma source(%dma_start3A_182 : memref<4x8x128xf32, #tpu.memory_space<hbm>>) target(%dma_start3A_179 : memref<4x8x128xf32, #tpu.memory_space<vmem>>) target_semaphore(%arg15 : memref<!tpu.dma_semaphore, #tpu.memory_space<semaphore_mem>>)
    %dma_start3A_183 = arith.constant 3 : i32
    %dma_start3A_184 = arith.constant 0 : i32
    %dma_start3A_185 = arith.constant 0 : i32
    %dma_start3A_186 = arith.constant 0 : i32
    %dma_start3A_187 = tpu.memref_slice %arg10[%dma_start3A_183, %dma_start3A_184, %dma_start3A_185, %dma_start3A_186] : memref<8x4x8x128xf32, #tpu.memory_space<vmem>> -> memref<1x4x8x128xf32, #tpu.memory_space<vmem>>
    %dma_start3A_188 = tpu.memref_squeeze %dma_start3A_187 : memref<1x4x8x128xf32, #tpu.memory_space<vmem>> -> memref<4x8x128xf32, #tpu.memory_space<vmem>>
    %dma_start3A_189 = arith.constant 0 : i32
    %dma_start3A_190 = arith.constant 0 : i32
    %dma_start3A_191 = tpu.memref_slice %arg5[%dma_start3A_189, %dma_start3A_190, %multiple_of3A_165] : memref<4x8x1000000xf32, #tpu.memory_space<hbm>> -> memref<4x8x128xf32, #tpu.memory_space<hbm>>
    %dma_start3A_192 = arith.constant 0 : i32
    %dma_start3A_193 = arith.constant 0 : i32
    %dma_start3A_194 = arith.constant 0 : i32
    %dma_start3A_195 = tpu.memref_slice %arg10[%dma_start3A_183, %dma_start3A_192, %dma_start3A_193, %dma_start3A_194] : memref<8x4x8x128xf32, #tpu.memory_space<vmem>> -> memref<1x4x8x128xf32, #tpu.memory_space<vmem>>
    %dma_start3A_196 = tpu.memref_squeeze %dma_start3A_195 : memref<1x4x8x128xf32, #tpu.memory_space<vmem>> -> memref<4x8x128xf32, #tpu.memory_space<vmem>>
    %dma_start3A_197 = arith.constant 0 : i32
    %dma_start3A_198 = arith.constant 0 : i32
    %dma_start3A_199 = tpu.memref_slice %arg5[%dma_start3A_197, %dma_start3A_198, %multiple_of3A_165] : memref<4x8x1000000xf32, #tpu.memory_space<hbm>> -> memref<4x8x128xf32, #tpu.memory_space<hbm>>
    tpu.enqueue_dma source(%dma_start3A_199 : memref<4x8x128xf32, #tpu.memory_space<hbm>>) target(%dma_start3A_196 : memref<4x8x128xf32, #tpu.memory_space<vmem>>) target_semaphore(%arg15 : memref<!tpu.dma_semaphore, #tpu.memory_space<semaphore_mem>>)
    %slice3A_200 = vector.extract_strided_slice %get3A_10 {offsets = [4], sizes = [1], strides = [1]} : vector<16xi32> to vector<1xi32>
    %squeeze3A_201 = vector.extract %slice3A_200[0] : i32 from vector<1xi32>
    %slice3A_202 = vector.extract_strided_slice %get3A_12 {offsets = [4], sizes = [1], strides = [1]} : vector<16xi32> to vector<1xi32>
    %squeeze3A_203 = vector.extract %slice3A_202[0] : i32 from vector<1xi32>
    %shift_right_arithmetic3A_204 = arith.constant 7 : i32
    %shift_right_arithmetic3A_205 = arith.shrsi %squeeze3A_201, %shift_right_arithmetic3A_204 : i32
    %shift_left3A_206 = arith.constant 7 : i32
    %shift_left3A_207 = arith.shli %shift_right_arithmetic3A_205, %shift_left3A_206 : i32
    %multiple_of3A_208 = tpu.assume_multiple %shift_left3A_207, 128 : i32
    %shift_right_arithmetic3A_209 = arith.constant 7 : i32
    %shift_right_arithmetic3A_210 = arith.shrsi %squeeze3A_203, %shift_right_arithmetic3A_209 : i32
    %shift_left3A_211 = arith.constant 7 : i32
    %shift_left3A_212 = arith.shli %shift_right_arithmetic3A_210, %shift_left3A_211 : i32
    %multiple_of3A_213 = tpu.assume_multiple %shift_left3A_212, 128 : i32
    %dma_start3A_214 = arith.constant 4 : i32
    %dma_start3A_215 = arith.constant 0 : i32
    %dma_start3A_216 = arith.constant 0 : i32
    %dma_start3A_217 = arith.constant 0 : i32
    %dma_start3A_218 = tpu.memref_slice %arg9[%dma_start3A_214, %dma_start3A_215, %dma_start3A_216, %dma_start3A_217] : memref<8x4x8x128xf32, #tpu.memory_space<vmem>> -> memref<1x4x8x128xf32, #tpu.memory_space<vmem>>
    %dma_start3A_219 = tpu.memref_squeeze %dma_start3A_218 : memref<1x4x8x128xf32, #tpu.memory_space<vmem>> -> memref<4x8x128xf32, #tpu.memory_space<vmem>>
    %dma_start3A_220 = arith.constant 0 : i32
    %dma_start3A_221 = arith.constant 0 : i32
    %dma_start3A_222 = tpu.memref_slice %arg4[%dma_start3A_220, %dma_start3A_221, %multiple_of3A_208] : memref<4x8x1000000xf32, #tpu.memory_space<hbm>> -> memref<4x8x128xf32, #tpu.memory_space<hbm>>
    %dma_start3A_223 = arith.constant 0 : i32
    %dma_start3A_224 = arith.constant 0 : i32
    %dma_start3A_225 = arith.constant 0 : i32
    %dma_start3A_226 = tpu.memref_slice %arg9[%dma_start3A_214, %dma_start3A_223, %dma_start3A_224, %dma_start3A_225] : memref<8x4x8x128xf32, #tpu.memory_space<vmem>> -> memref<1x4x8x128xf32, #tpu.memory_space<vmem>>
    %dma_start3A_227 = tpu.memref_squeeze %dma_start3A_226 : memref<1x4x8x128xf32, #tpu.memory_space<vmem>> -> memref<4x8x128xf32, #tpu.memory_space<vmem>>
    %dma_start3A_228 = arith.constant 0 : i32
    %dma_start3A_229 = arith.constant 0 : i32
    %dma_start3A_230 = tpu.memref_slice %arg4[%dma_start3A_228, %dma_start3A_229, %multiple_of3A_208] : memref<4x8x1000000xf32, #tpu.memory_space<hbm>> -> memref<4x8x128xf32, #tpu.memory_space<hbm>>
    tpu.enqueue_dma source(%dma_start3A_230 : memref<4x8x128xf32, #tpu.memory_space<hbm>>) target(%dma_start3A_227 : memref<4x8x128xf32, #tpu.memory_space<vmem>>) target_semaphore(%arg16 : memref<!tpu.dma_semaphore, #tpu.memory_space<semaphore_mem>>)
    %dma_start3A_231 = arith.constant 4 : i32
    %dma_start3A_232 = arith.constant 0 : i32
    %dma_start3A_233 = arith.constant 0 : i32
    %dma_start3A_234 = arith.constant 0 : i32
    %dma_start3A_235 = tpu.memref_slice %arg10[%dma_start3A_231, %dma_start3A_232, %dma_start3A_233, %dma_start3A_234] : memref<8x4x8x128xf32, #tpu.memory_space<vmem>> -> memref<1x4x8x128xf32, #tpu.memory_space<vmem>>
    %dma_start3A_236 = tpu.memref_squeeze %dma_start3A_235 : memref<1x4x8x128xf32, #tpu.memory_space<vmem>> -> memref<4x8x128xf32, #tpu.memory_space<vmem>>
    %dma_start3A_237 = arith.constant 0 : i32
    %dma_start3A_238 = arith.constant 0 : i32
    %dma_start3A_239 = tpu.memref_slice %arg5[%dma_start3A_237, %dma_start3A_238, %multiple_of3A_213] : memref<4x8x1000000xf32, #tpu.memory_space<hbm>> -> memref<4x8x128xf32, #tpu.memory_space<hbm>>
    %dma_start3A_240 = arith.constant 0 : i32
    %dma_start3A_241 = arith.constant 0 : i32
    %dma_start3A_242 = arith.constant 0 : i32
    %dma_start3A_243 = tpu.memref_slice %arg10[%dma_start3A_231, %dma_start3A_240, %dma_start3A_241, %dma_start3A_242] : memref<8x4x8x128xf32, #tpu.memory_space<vmem>> -> memref<1x4x8x128xf32, #tpu.memory_space<vmem>>
    %dma_start3A_244 = tpu.memref_squeeze %dma_start3A_243 : memref<1x4x8x128xf32, #tpu.memory_space<vmem>> -> memref<4x8x128xf32, #tpu.memory_space<vmem>>
    %dma_start3A_245 = arith.constant 0 : i32
    %dma_start3A_246 = arith.constant 0 : i32
    %dma_start3A_247 = tpu.memref_slice %arg5[%dma_start3A_245, %dma_start3A_246, %multiple_of3A_213] : memref<4x8x1000000xf32, #tpu.memory_space<hbm>> -> memref<4x8x128xf32, #tpu.memory_space<hbm>>
    tpu.enqueue_dma source(%dma_start3A_247 : memref<4x8x128xf32, #tpu.memory_space<hbm>>) target(%dma_start3A_244 : memref<4x8x128xf32, #tpu.memory_space<vmem>>) target_semaphore(%arg16 : memref<!tpu.dma_semaphore, #tpu.memory_space<semaphore_mem>>)
    %slice3A_248 = vector.extract_strided_slice %get3A_10 {offsets = [5], sizes = [1], strides = [1]} : vector<16xi32> to vector<1xi32>
    %squeeze3A_249 = vector.extract %slice3A_248[0] : i32 from vector<1xi32>
    %slice3A_250 = vector.extract_strided_slice %get3A_12 {offsets = [5], sizes = [1], strides = [1]} : vector<16xi32> to vector<1xi32>
    %squeeze3A_251 = vector.extract %slice3A_250[0] : i32 from vector<1xi32>
    %shift_right_arithmetic3A_252 = arith.constant 7 : i32
    %shift_right_arithmetic3A_253 = arith.shrsi %squeeze3A_249, %shift_right_arithmetic3A_252 : i32
    %shift_left3A_254 = arith.constant 7 : i32
    %shift_left3A_255 = arith.shli %shift_right_arithmetic3A_253, %shift_left3A_254 : i32
    %multiple_of3A_256 = tpu.assume_multiple %shift_left3A_255, 128 : i32
    %shift_right_arithmetic3A_257 = arith.constant 7 : i32
    %shift_right_arithmetic3A_258 = arith.shrsi %squeeze3A_251, %shift_right_arithmetic3A_257 : i32
    %shift_left3A_259 = arith.constant 7 : i32
    %shift_left3A_260 = arith.shli %shift_right_arithmetic3A_258, %shift_left3A_259 : i32
    %multiple_of3A_261 = tpu.assume_multiple %shift_left3A_260, 128 : i32
    %dma_start3A_262 = arith.constant 5 : i32
    %dma_start3A_263 = arith.constant 0 : i32
    %dma_start3A_264 = arith.constant 0 : i32
    %dma_start3A_265 = arith.constant 0 : i32
    %dma_start3A_266 = tpu.memref_slice %arg9[%dma_start3A_262, %dma_start3A_263, %dma_start3A_264, %dma_start3A_265] : memref<8x4x8x128xf32, #tpu.memory_space<vmem>> -> memref<1x4x8x128xf32, #tpu.memory_space<vmem>>
    %dma_start3A_267 = tpu.memref_squeeze %dma_start3A_266 : memref<1x4x8x128xf32, #tpu.memory_space<vmem>> -> memref<4x8x128xf32, #tpu.memory_space<vmem>>
    %dma_start3A_268 = arith.constant 0 : i32
    %dma_start3A_269 = arith.constant 0 : i32
    %dma_start3A_270 = tpu.memref_slice %arg4[%dma_start3A_268, %dma_start3A_269, %multiple_of3A_256] : memref<4x8x1000000xf32, #tpu.memory_space<hbm>> -> memref<4x8x128xf32, #tpu.memory_space<hbm>>
    %dma_start3A_271 = arith.constant 0 : i32
    %dma_start3A_272 = arith.constant 0 : i32
    %dma_start3A_273 = arith.constant 0 : i32
    %dma_start3A_274 = tpu.memref_slice %arg9[%dma_start3A_262, %dma_start3A_271, %dma_start3A_272, %dma_start3A_273] : memref<8x4x8x128xf32, #tpu.memory_space<vmem>> -> memref<1x4x8x128xf32, #tpu.memory_space<vmem>>
    %dma_start3A_275 = tpu.memref_squeeze %dma_start3A_274 : memref<1x4x8x128xf32, #tpu.memory_space<vmem>> -> memref<4x8x128xf32, #tpu.memory_space<vmem>>
    %dma_start3A_276 = arith.constant 0 : i32
    %dma_start3A_277 = arith.constant 0 : i32
    %dma_start3A_278 = tpu.memref_slice %arg4[%dma_start3A_276, %dma_start3A_277, %multiple_of3A_256] : memref<4x8x1000000xf32, #tpu.memory_space<hbm>> -> memref<4x8x128xf32, #tpu.memory_space<hbm>>
    tpu.enqueue_dma source(%dma_start3A_278 : memref<4x8x128xf32, #tpu.memory_space<hbm>>) target(%dma_start3A_275 : memref<4x8x128xf32, #tpu.memory_space<vmem>>) target_semaphore(%arg17 : memref<!tpu.dma_semaphore, #tpu.memory_space<semaphore_mem>>)
    %dma_start3A_279 = arith.constant 5 : i32
    %dma_start3A_280 = arith.constant 0 : i32
    %dma_start3A_281 = arith.constant 0 : i32
    %dma_start3A_282 = arith.constant 0 : i32
    %dma_start3A_283 = tpu.memref_slice %arg10[%dma_start3A_279, %dma_start3A_280, %dma_start3A_281, %dma_start3A_282] : memref<8x4x8x128xf32, #tpu.memory_space<vmem>> -> memref<1x4x8x128xf32, #tpu.memory_space<vmem>>
    %dma_start3A_284 = tpu.memref_squeeze %dma_start3A_283 : memref<1x4x8x128xf32, #tpu.memory_space<vmem>> -> memref<4x8x128xf32, #tpu.memory_space<vmem>>
    %dma_start3A_285 = arith.constant 0 : i32
    %dma_start3A_286 = arith.constant 0 : i32
    %dma_start3A_287 = tpu.memref_slice %arg5[%dma_start3A_285, %dma_start3A_286, %multiple_of3A_261] : memref<4x8x1000000xf32, #tpu.memory_space<hbm>> -> memref<4x8x128xf32, #tpu.memory_space<hbm>>
    %dma_start3A_288 = arith.constant 0 : i32
    %dma_start3A_289 = arith.constant 0 : i32
    %dma_start3A_290 = arith.constant 0 : i32
    %dma_start3A_291 = tpu.memref_slice %arg10[%dma_start3A_279, %dma_start3A_288, %dma_start3A_289, %dma_start3A_290] : memref<8x4x8x128xf32, #tpu.memory_space<vmem>> -> memref<1x4x8x128xf32, #tpu.memory_space<vmem>>
    %dma_start3A_292 = tpu.memref_squeeze %dma_start3A_291 : memref<1x4x8x128xf32, #tpu.memory_space<vmem>> -> memref<4x8x128xf32, #tpu.memory_space<vmem>>
    %dma_start3A_293 = arith.constant 0 : i32
    %dma_start3A_294 = arith.constant 0 : i32
    %dma_start3A_295 = tpu.memref_slice %arg5[%dma_start3A_293, %dma_start3A_294, %multiple_of3A_261] : memref<4x8x1000000xf32, #tpu.memory_space<hbm>> -> memref<4x8x128xf32, #tpu.memory_space<hbm>>
    tpu.enqueue_dma source(%dma_start3A_295 : memref<4x8x128xf32, #tpu.memory_space<hbm>>) target(%dma_start3A_292 : memref<4x8x128xf32, #tpu.memory_space<vmem>>) target_semaphore(%arg17 : memref<!tpu.dma_semaphore, #tpu.memory_space<semaphore_mem>>)
    %slice3A_296 = vector.extract_strided_slice %get3A_10 {offsets = [6], sizes = [1], strides = [1]} : vector<16xi32> to vector<1xi32>
    %squeeze3A_297 = vector.extract %slice3A_296[0] : i32 from vector<1xi32>
    %slice3A_298 = vector.extract_strided_slice %get3A_12 {offsets = [6], sizes = [1], strides = [1]} : vector<16xi32> to vector<1xi32>
    %squeeze3A_299 = vector.extract %slice3A_298[0] : i32 from vector<1xi32>
    %shift_right_arithmetic3A_300 = arith.constant 7 : i32
    %shift_right_arithmetic3A_301 = arith.shrsi %squeeze3A_297, %shift_right_arithmetic3A_300 : i32
    %shift_left3A_302 = arith.constant 7 : i32
    %shift_left3A_303 = arith.shli %shift_right_arithmetic3A_301, %shift_left3A_302 : i32
    %multiple_of3A_304 = tpu.assume_multiple %shift_left3A_303, 128 : i32
    %shift_right_arithmetic3A_305 = arith.constant 7 : i32
    %shift_right_arithmetic3A_306 = arith.shrsi %squeeze3A_299, %shift_right_arithmetic3A_305 : i32
    %shift_left3A_307 = arith.constant 7 : i32
    %shift_left3A_308 = arith.shli %shift_right_arithmetic3A_306, %shift_left3A_307 : i32
    %multiple_of3A_309 = tpu.assume_multiple %shift_left3A_308, 128 : i32
    %dma_start3A_310 = arith.constant 6 : i32
    %dma_start3A_311 = arith.constant 0 : i32
    %dma_start3A_312 = arith.constant 0 : i32
    %dma_start3A_313 = arith.constant 0 : i32
    %dma_start3A_314 = tpu.memref_slice %arg9[%dma_start3A_310, %dma_start3A_311, %dma_start3A_312, %dma_start3A_313] : memref<8x4x8x128xf32, #tpu.memory_space<vmem>> -> memref<1x4x8x128xf32, #tpu.memory_space<vmem>>
    %dma_start3A_315 = tpu.memref_squeeze %dma_start3A_314 : memref<1x4x8x128xf32, #tpu.memory_space<vmem>> -> memref<4x8x128xf32, #tpu.memory_space<vmem>>
    %dma_start3A_316 = arith.constant 0 : i32
    %dma_start3A_317 = arith.constant 0 : i32
    %dma_start3A_318 = tpu.memref_slice %arg4[%dma_start3A_316, %dma_start3A_317, %multiple_of3A_304] : memref<4x8x1000000xf32, #tpu.memory_space<hbm>> -> memref<4x8x128xf32, #tpu.memory_space<hbm>>
    %dma_start3A_319 = arith.constant 0 : i32
    %dma_start3A_320 = arith.constant 0 : i32
    %dma_start3A_321 = arith.constant 0 : i32
    %dma_start3A_322 = tpu.memref_slice %arg9[%dma_start3A_310, %dma_start3A_319, %dma_start3A_320, %dma_start3A_321] : memref<8x4x8x128xf32, #tpu.memory_space<vmem>> -> memref<1x4x8x128xf32, #tpu.memory_space<vmem>>
    %dma_start3A_323 = tpu.memref_squeeze %dma_start3A_322 : memref<1x4x8x128xf32, #tpu.memory_space<vmem>> -> memref<4x8x128xf32, #tpu.memory_space<vmem>>
    %dma_start3A_324 = arith.constant 0 : i32
    %dma_start3A_325 = arith.constant 0 : i32
    %dma_start3A_326 = tpu.memref_slice %arg4[%dma_start3A_324, %dma_start3A_325, %multiple_of3A_304] : memref<4x8x1000000xf32, #tpu.memory_space<hbm>> -> memref<4x8x128xf32, #tpu.memory_space<hbm>>
    tpu.enqueue_dma source(%dma_start3A_326 : memref<4x8x128xf32, #tpu.memory_space<hbm>>) target(%dma_start3A_323 : memref<4x8x128xf32, #tpu.memory_space<vmem>>) target_semaphore(%arg18 : memref<!tpu.dma_semaphore, #tpu.memory_space<semaphore_mem>>)
    %dma_start3A_327 = arith.constant 6 : i32
    %dma_start3A_328 = arith.constant 0 : i32
    %dma_start3A_329 = arith.constant 0 : i32
    %dma_start3A_330 = arith.constant 0 : i32
    %dma_start3A_331 = tpu.memref_slice %arg10[%dma_start3A_327, %dma_start3A_328, %dma_start3A_329, %dma_start3A_330] : memref<8x4x8x128xf32, #tpu.memory_space<vmem>> -> memref<1x4x8x128xf32, #tpu.memory_space<vmem>>
    %dma_start3A_332 = tpu.memref_squeeze %dma_start3A_331 : memref<1x4x8x128xf32, #tpu.memory_space<vmem>> -> memref<4x8x128xf32, #tpu.memory_space<vmem>>
    %dma_start3A_333 = arith.constant 0 : i32
    %dma_start3A_334 = arith.constant 0 : i32
    %dma_start3A_335 = tpu.memref_slice %arg5[%dma_start3A_333, %dma_start3A_334, %multiple_of3A_309] : memref<4x8x1000000xf32, #tpu.memory_space<hbm>> -> memref<4x8x128xf32, #tpu.memory_space<hbm>>
    %dma_start3A_336 = arith.constant 0 : i32
    %dma_start3A_337 = arith.constant 0 : i32
    %dma_start3A_338 = arith.constant 0 : i32
    %dma_start3A_339 = tpu.memref_slice %arg10[%dma_start3A_327, %dma_start3A_336, %dma_start3A_337, %dma_start3A_338] : memref<8x4x8x128xf32, #tpu.memory_space<vmem>> -> memref<1x4x8x128xf32, #tpu.memory_space<vmem>>
    %dma_start3A_340 = tpu.memref_squeeze %dma_start3A_339 : memref<1x4x8x128xf32, #tpu.memory_space<vmem>> -> memref<4x8x128xf32, #tpu.memory_space<vmem>>
    %dma_start3A_341 = arith.constant 0 : i32
    %dma_start3A_342 = arith.constant 0 : i32
    %dma_start3A_343 = tpu.memref_slice %arg5[%dma_start3A_341, %dma_start3A_342, %multiple_of3A_309] : memref<4x8x1000000xf32, #tpu.memory_space<hbm>> -> memref<4x8x128xf32, #tpu.memory_space<hbm>>
    tpu.enqueue_dma source(%dma_start3A_343 : memref<4x8x128xf32, #tpu.memory_space<hbm>>) target(%dma_start3A_340 : memref<4x8x128xf32, #tpu.memory_space<vmem>>) target_semaphore(%arg18 : memref<!tpu.dma_semaphore, #tpu.memory_space<semaphore_mem>>)
    %slice3A_344 = vector.extract_strided_slice %get3A_10 {offsets = [7], sizes = [1], strides = [1]} : vector<16xi32> to vector<1xi32>
    %squeeze3A_345 = vector.extract %slice3A_344[0] : i32 from vector<1xi32>
    %slice3A_346 = vector.extract_strided_slice %get3A_12 {offsets = [7], sizes = [1], strides = [1]} : vector<16xi32> to vector<1xi32>
    %squeeze3A_347 = vector.extract %slice3A_346[0] : i32 from vector<1xi32>
    %shift_right_arithmetic3A_348 = arith.constant 7 : i32
    %shift_right_arithmetic3A_349 = arith.shrsi %squeeze3A_345, %shift_right_arithmetic3A_348 : i32
    %shift_left3A_350 = arith.constant 7 : i32
    %shift_left3A_351 = arith.shli %shift_right_arithmetic3A_349, %shift_left3A_350 : i32
    %multiple_of3A_352 = tpu.assume_multiple %shift_left3A_351, 128 : i32
    %shift_right_arithmetic3A_353 = arith.constant 7 : i32
    %shift_right_arithmetic3A_354 = arith.shrsi %squeeze3A_347, %shift_right_arithmetic3A_353 : i32
    %shift_left3A_355 = arith.constant 7 : i32
    %shift_left3A_356 = arith.shli %shift_right_arithmetic3A_354, %shift_left3A_355 : i32
    %multiple_of3A_357 = tpu.assume_multiple %shift_left3A_356, 128 : i32
    %dma_start3A_358 = arith.constant 7 : i32
    %dma_start3A_359 = arith.constant 0 : i32
    %dma_start3A_360 = arith.constant 0 : i32
    %dma_start3A_361 = arith.constant 0 : i32
    %dma_start3A_362 = tpu.memref_slice %arg9[%dma_start3A_358, %dma_start3A_359, %dma_start3A_360, %dma_start3A_361] : memref<8x4x8x128xf32, #tpu.memory_space<vmem>> -> memref<1x4x8x128xf32, #tpu.memory_space<vmem>>
    %dma_start3A_363 = tpu.memref_squeeze %dma_start3A_362 : memref<1x4x8x128xf32, #tpu.memory_space<vmem>> -> memref<4x8x128xf32, #tpu.memory_space<vmem>>
    %dma_start3A_364 = arith.constant 0 : i32
    %dma_start3A_365 = arith.constant 0 : i32
    %dma_start3A_366 = tpu.memref_slice %arg4[%dma_start3A_364, %dma_start3A_365, %multiple_of3A_352] : memref<4x8x1000000xf32, #tpu.memory_space<hbm>> -> memref<4x8x128xf32, #tpu.memory_space<hbm>>
    %dma_start3A_367 = arith.constant 0 : i32
    %dma_start3A_368 = arith.constant 0 : i32
    %dma_start3A_369 = arith.constant 0 : i32
    %dma_start3A_370 = tpu.memref_slice %arg9[%dma_start3A_358, %dma_start3A_367, %dma_start3A_368, %dma_start3A_369] : memref<8x4x8x128xf32, #tpu.memory_space<vmem>> -> memref<1x4x8x128xf32, #tpu.memory_space<vmem>>
    %dma_start3A_371 = tpu.memref_squeeze %dma_start3A_370 : memref<1x4x8x128xf32, #tpu.memory_space<vmem>> -> memref<4x8x128xf32, #tpu.memory_space<vmem>>
    %dma_start3A_372 = arith.constant 0 : i32
    %dma_start3A_373 = arith.constant 0 : i32
    %dma_start3A_374 = tpu.memref_slice %arg4[%dma_start3A_372, %dma_start3A_373, %multiple_of3A_352] : memref<4x8x1000000xf32, #tpu.memory_space<hbm>> -> memref<4x8x128xf32, #tpu.memory_space<hbm>>
    tpu.enqueue_dma source(%dma_start3A_374 : memref<4x8x128xf32, #tpu.memory_space<hbm>>) target(%dma_start3A_371 : memref<4x8x128xf32, #tpu.memory_space<vmem>>) target_semaphore(%arg19 : memref<!tpu.dma_semaphore, #tpu.memory_space<semaphore_mem>>)
    %dma_start3A_375 = arith.constant 7 : i32
    %dma_start3A_376 = arith.constant 0 : i32
    %dma_start3A_377 = arith.constant 0 : i32
    %dma_start3A_378 = arith.constant 0 : i32
    %dma_start3A_379 = tpu.memref_slice %arg10[%dma_start3A_375, %dma_start3A_376, %dma_start3A_377, %dma_start3A_378] : memref<8x4x8x128xf32, #tpu.memory_space<vmem>> -> memref<1x4x8x128xf32, #tpu.memory_space<vmem>>
    %dma_start3A_380 = tpu.memref_squeeze %dma_start3A_379 : memref<1x4x8x128xf32, #tpu.memory_space<vmem>> -> memref<4x8x128xf32, #tpu.memory_space<vmem>>
    %dma_start3A_381 = arith.constant 0 : i32
    %dma_start3A_382 = arith.constant 0 : i32
    %dma_start3A_383 = tpu.memref_slice %arg5[%dma_start3A_381, %dma_start3A_382, %multiple_of3A_357] : memref<4x8x1000000xf32, #tpu.memory_space<hbm>> -> memref<4x8x128xf32, #tpu.memory_space<hbm>>
    %dma_start3A_384 = arith.constant 0 : i32
    %dma_start3A_385 = arith.constant 0 : i32
    %dma_start3A_386 = arith.constant 0 : i32
    %dma_start3A_387 = tpu.memref_slice %arg10[%dma_start3A_375, %dma_start3A_384, %dma_start3A_385, %dma_start3A_386] : memref<8x4x8x128xf32, #tpu.memory_space<vmem>> -> memref<1x4x8x128xf32, #tpu.memory_space<vmem>>
    %dma_start3A_388 = tpu.memref_squeeze %dma_start3A_387 : memref<1x4x8x128xf32, #tpu.memory_space<vmem>> -> memref<4x8x128xf32, #tpu.memory_space<vmem>>
    %dma_start3A_389 = arith.constant 0 : i32
    %dma_start3A_390 = arith.constant 0 : i32
    %dma_start3A_391 = tpu.memref_slice %arg5[%dma_start3A_389, %dma_start3A_390, %multiple_of3A_357] : memref<4x8x1000000xf32, #tpu.memory_space<hbm>> -> memref<4x8x128xf32, #tpu.memory_space<hbm>>
    tpu.enqueue_dma source(%dma_start3A_391 : memref<4x8x128xf32, #tpu.memory_space<hbm>>) target(%dma_start3A_388 : memref<4x8x128xf32, #tpu.memory_space<vmem>>) target_semaphore(%arg19 : memref<!tpu.dma_semaphore, #tpu.memory_space<semaphore_mem>>)
    %scan3A = arith.constant 0 : i32
    %scan3A_392 = arith.constant 64 : i32
    %scan3A_393 = arith.addi %scan3A, %scan3A_392 : i32
    %scan3A_394 = arith.constant 1 : i32
    scf.for %scan3A_401 = %scan3A to %scan3A_393 step %scan3A_394  : i32 {
      %mul3A_402 = arith.constant 1 : i32
      %mul3A_403 = arith.muli %scan3A_401, %mul3A_402 : i32
      %add3A_404 = arith.constant 0 : i32
      %add3A_405 = arith.addi %add3A_404, %mul3A_403 : i32
      %mul3A_406 = arith.constant 8 : i32
      %mul3A_407 = arith.muli %add3A_405, %mul3A_406 : i32
      %get3A_408 = arith.index_cast %mul3A_407 : i32 to index
      %get3A_409 = tpu.vector_load %arg7[%get3A_408] {strides = array<i32>} : memref<528xi32, #tpu.memory_space<vmem>>, vector<16xi32>,
      %mul3A_410 = arith.constant 8 : i32
      %mul3A_411 = arith.muli %add3A_405, %mul3A_410 : i32
      %get3A_412 = arith.index_cast %mul3A_411 : i32 to index
      %get3A_413 = tpu.vector_load %arg8[%get3A_412] {strides = array<i32>} : memref<528xi32, #tpu.memory_space<vmem>>, vector<16xi32>,
      %mul3A_414 = arith.constant 8 : i32
      %mul3A_415 = arith.muli %add3A_405, %mul3A_414 : i32
      %add3A_416 = arith.constant 8 : i32
      %add3A_417 = arith.addi %mul3A_415, %add3A_416 : i32
      %get3A_418 = arith.index_cast %add3A_417 : i32 to index
      %get3A_419 = tpu.vector_load %arg7[%get3A_418] {strides = array<i32>} : memref<528xi32, #tpu.memory_space<vmem>>, vector<16xi32>,
      %mul3A_420 = arith.constant 8 : i32
      %mul3A_421 = arith.muli %add3A_405, %mul3A_420 : i32
      %add3A_422 = arith.constant 8 : i32
      %add3A_423 = arith.addi %mul3A_421, %add3A_422 : i32
      %get3A_424 = arith.index_cast %add3A_423 : i32 to index
      %get3A_425 = tpu.vector_load %arg8[%get3A_424] {strides = array<i32>} : memref<528xi32, #tpu.memory_space<vmem>>, vector<16xi32>,
      %broadcast_in_dim3A = arith.constant 0.000000e+00 : f32
      %broadcast_in_dim3A_426 = vector.broadcast %broadcast_in_dim3A : f32 to vector<16xf32>
      %dma_wait3A = arith.constant 0 : i32
      %dma_wait3A_427 = arith.constant 0 : i32
      %dma_wait3A_428 = arith.constant 0 : i32
      %dma_wait3A_429 = arith.constant 0 : i32
      %dma_wait3A_430 = tpu.memref_slice %arg9[%dma_wait3A, %dma_wait3A_427, %dma_wait3A_428, %dma_wait3A_429] : memref<8x4x8x128xf32, #tpu.memory_space<vmem>> -> memref<1x4x8x128xf32, #tpu.memory_space<vmem>>
      %dma_wait3A_431 = tpu.memref_squeeze %dma_wait3A_430 : memref<1x4x8x128xf32, #tpu.memory_space<vmem>> -> memref<4x8x128xf32, #tpu.memory_space<vmem>>
      %dma_wait3A_432 = arith.constant 0 : i32
      %dma_wait3A_433 = arith.constant 0 : i32
      %dma_wait3A_434 = arith.constant 0 : i32
      %dma_wait3A_435 = tpu.memref_slice %arg4[%dma_wait3A_432, %dma_wait3A_433, %dma_wait3A_434] : memref<4x8x1000000xf32, #tpu.memory_space<hbm>> -> memref<4x8x128xf32, #tpu.memory_space<hbm>>
      %dma_wait3A_436 = arith.constant 0 : i32
      %dma_wait3A_437 = arith.constant 0 : i32
      %dma_wait3A_438 = arith.constant 0 : i32
      %dma_wait3A_439 = tpu.memref_slice %arg9[%dma_wait3A, %dma_wait3A_436, %dma_wait3A_437, %dma_wait3A_438] : memref<8x4x8x128xf32, #tpu.memory_space<vmem>> -> memref<1x4x8x128xf32, #tpu.memory_space<vmem>>
      %dma_wait3A_440 = tpu.memref_squeeze %dma_wait3A_439 : memref<1x4x8x128xf32, #tpu.memory_space<vmem>> -> memref<4x8x128xf32, #tpu.memory_space<vmem>>
      %dma_wait3A_441 = arith.constant 0 : i32
      %dma_wait3A_442 = arith.constant 0 : i32
      %dma_wait3A_443 = arith.constant 0 : i32
      %dma_wait3A_444 = tpu.memref_slice %arg4[%dma_wait3A_441, %dma_wait3A_442, %dma_wait3A_443] : memref<4x8x1000000xf32, #tpu.memory_space<hbm>> -> memref<4x8x128xf32, #tpu.memory_space<hbm>>
      tpu.wait_dma2 semaphore(%arg12 : memref<!tpu.dma_semaphore, #tpu.memory_space<semaphore_mem>>) src(%dma_wait3A_444 : memref<4x8x128xf32, #tpu.memory_space<hbm>>) dst(%dma_wait3A_440 : memref<4x8x128xf32, #tpu.memory_space<vmem>>)
      %dma_wait3A_445 = arith.constant 0 : i32
      %dma_wait3A_446 = arith.constant 0 : i32
      %dma_wait3A_447 = arith.constant 0 : i32
      %dma_wait3A_448 = arith.constant 0 : i32
      %dma_wait3A_449 = tpu.memref_slice %arg10[%dma_wait3A_445, %dma_wait3A_446, %dma_wait3A_447, %dma_wait3A_448] : memref<8x4x8x128xf32, #tpu.memory_space<vmem>> -> memref<1x4x8x128xf32, #tpu.memory_space<vmem>>
      %dma_wait3A_450 = tpu.memref_squeeze %dma_wait3A_449 : memref<1x4x8x128xf32, #tpu.memory_space<vmem>> -> memref<4x8x128xf32, #tpu.memory_space<vmem>>
      %dma_wait3A_451 = arith.constant 0 : i32
      %dma_wait3A_452 = arith.constant 0 : i32
      %dma_wait3A_453 = arith.constant 0 : i32
      %dma_wait3A_454 = tpu.memref_slice %arg4[%dma_wait3A_451, %dma_wait3A_452, %dma_wait3A_453] : memref<4x8x1000000xf32, #tpu.memory_space<hbm>> -> memref<4x8x128xf32, #tpu.memory_space<hbm>>
      %dma_wait3A_455 = arith.constant 0 : i32
      %dma_wait3A_456 = arith.constant 0 : i32
      %dma_wait3A_457 = arith.constant 0 : i32
      %dma_wait3A_458 = tpu.memref_slice %arg10[%dma_wait3A_445, %dma_wait3A_455, %dma_wait3A_456, %dma_wait3A_457] : memref<8x4x8x128xf32, #tpu.memory_space<vmem>> -> memref<1x4x8x128xf32, #tpu.memory_space<vmem>>
      %dma_wait3A_459 = tpu.memref_squeeze %dma_wait3A_458 : memref<1x4x8x128xf32, #tpu.memory_space<vmem>> -> memref<4x8x128xf32, #tpu.memory_space<vmem>>
      %dma_wait3A_460 = arith.constant 0 : i32
      %dma_wait3A_461 = arith.constant 0 : i32
      %dma_wait3A_462 = arith.constant 0 : i32
      %dma_wait3A_463 = tpu.memref_slice %arg4[%dma_wait3A_460, %dma_wait3A_461, %dma_wait3A_462] : memref<4x8x1000000xf32, #tpu.memory_space<hbm>> -> memref<4x8x128xf32, #tpu.memory_space<hbm>>
      tpu.wait_dma2 semaphore(%arg12 : memref<!tpu.dma_semaphore, #tpu.memory_space<semaphore_mem>>) src(%dma_wait3A_463 : memref<4x8x128xf32, #tpu.memory_space<hbm>>) dst(%dma_wait3A_459 : memref<4x8x128xf32, #tpu.memory_space<vmem>>)
      %slice3A_464 = vector.extract_strided_slice %get3A_409 {offsets = [0], sizes = [1], strides = [1]} : vector<16xi32> to vector<1xi32>
      %squeeze3A_465 = vector.extract %slice3A_464[0] : i32 from vector<1xi32>
      %and3A_466 = arith.constant 127 : i32
      %and3A_467 = arith.andi %squeeze3A_465, %and3A_466 : i32
      %broadcast_in_dim3A_468 = vector.broadcast %and3A_467 : i32 to vector<16xi32>
      %slice3A_469 = vector.extract_strided_slice %get3A_413 {offsets = [0], sizes = [1], strides = [1]} : vector<16xi32> to vector<1xi32>
      %squeeze3A_470 = vector.extract %slice3A_469[0] : i32 from vector<1xi32>
      %and3A_471 = arith.constant 127 : i32
      %and3A_472 = arith.andi %squeeze3A_470, %and3A_471 : i32
      %broadcast_in_dim3A_473 = vector.broadcast %and3A_472 : i32 to vector<16xi32>
      %gather3A = arith.constant 0 : i32
      %gather3A_474 = arith.constant 0 : i32
      %gather3A_475 = arith.constant 0 : i32
      %gather3A_476 = arith.constant 0 : i32
      %gather3A_477 = tpu.memref_slice %arg9[%gather3A, %gather3A_474, %gather3A_475, %gather3A_476] : memref<8x4x8x128xf32, #tpu.memory_space<vmem>> -> memref<1x4x8x128xf32, #tpu.memory_space<vmem>>
      %gather3A_478 = tpu.memref_squeeze %gather3A_477 : memref<1x4x8x128xf32, #tpu.memory_space<vmem>> -> memref<4x8x128xf32, #tpu.memory_space<vmem>>
      %gather3A_479 = tpu.vector_load_idx %gather3A_478[%shift_right_arithmetic3A_1, %and3A_5, %broadcast_in_dim3A_468] : memref<4x8x128xf32, #tpu.memory_space<vmem>>[vector<16xi32>, vector<16xi32>, vector<16xi32>], vector<16xf32>,
      %gather3A_480 = arith.constant 0 : i32
      %gather3A_481 = arith.constant 0 : i32
      %gather3A_482 = arith.constant 0 : i32
      %gather3A_483 = arith.constant 0 : i32
      %gather3A_484 = tpu.memref_slice %arg9[%gather3A_480, %gather3A_481, %gather3A_482, %gather3A_483] : memref<8x4x8x128xf32, #tpu.memory_space<vmem>> -> memref<1x4x8x128xf32, #tpu.memory_space<vmem>>
      %gather3A_485 = tpu.memref_squeeze %gather3A_484 : memref<1x4x8x128xf32, #tpu.memory_space<vmem>> -> memref<4x8x128xf32, #tpu.memory_space<vmem>>
      %gather3A_486 = tpu.vector_load_idx %gather3A_485[%add3A_3, %and3A_5, %broadcast_in_dim3A_468] : memref<4x8x128xf32, #tpu.memory_space<vmem>>[vector<16xi32>, vector<16xi32>, vector<16xi32>], vector<16xf32>,
      %gather3A_487 = arith.constant 0 : i32
      %gather3A_488 = arith.constant 0 : i32
      %gather3A_489 = arith.constant 0 : i32
      %gather3A_490 = arith.constant 0 : i32
      %gather3A_491 = tpu.memref_slice %arg10[%gather3A_487, %gather3A_488, %gather3A_489, %gather3A_490] : memref<8x4x8x128xf32, #tpu.memory_space<vmem>> -> memref<1x4x8x128xf32, #tpu.memory_space<vmem>>
      %gather3A_492 = tpu.memref_squeeze %gather3A_491 : memref<1x4x8x128xf32, #tpu.memory_space<vmem>> -> memref<4x8x128xf32, #tpu.memory_space<vmem>>
      %gather3A_493 = tpu.vector_load_idx %gather3A_492[%shift_right_arithmetic3A_1, %and3A_5, %broadcast_in_dim3A_473] : memref<4x8x128xf32, #tpu.memory_space<vmem>>[vector<16xi32>, vector<16xi32>, vector<16xi32>], vector<16xf32>,
      %gather3A_494 = arith.constant 0 : i32
      %gather3A_495 = arith.constant 0 : i32
      %gather3A_496 = arith.constant 0 : i32
      %gather3A_497 = arith.constant 0 : i32
      %gather3A_498 = tpu.memref_slice %arg10[%gather3A_494, %gather3A_495, %gather3A_496, %gather3A_497] : memref<8x4x8x128xf32, #tpu.memory_space<vmem>> -> memref<1x4x8x128xf32, #tpu.memory_space<vmem>>
      %gather3A_499 = tpu.memref_squeeze %gather3A_498 : memref<1x4x8x128xf32, #tpu.memory_space<vmem>> -> memref<4x8x128xf32, #tpu.memory_space<vmem>>
      %gather3A_500 = tpu.vector_load_idx %gather3A_499[%add3A_3, %and3A_5, %broadcast_in_dim3A_473] : memref<4x8x128xf32, #tpu.memory_space<vmem>>[vector<16xi32>, vector<16xi32>, vector<16xi32>], vector<16xf32>,
      %mul3A_501 = arith.mulf %gather3A_479, %gather3A_493 : vector<16xf32>
      %mul3A_502 = arith.mulf %gather3A_486, %gather3A_500 : vector<16xf32>
      %add3A_503 = arith.addf %mul3A_501, %mul3A_502 : vector<16xf32>
      %reduce_sum3A = arith.constant true
      %reduce_sum3A_504 = vector.broadcast %reduce_sum3A : i1 to vector<16xi1>
      %reduce_sum3A_505 = tpu.scan <sum>, %add3A_503 masked %reduce_sum3A_504 : vector<16xf32>, vector<16xi1> -> vector<16xf32>
      %reduce_sum3A_506 = vector.extract %reduce_sum3A_505[15] : f32 from vector<16xf32>
      %eq3A = arith.constant 0 : i32
      %eq3A_507 = vector.broadcast %eq3A : i32 to vector<16xi32>
      %eq3A_508 = arith.cmpi eq, %iota3A, %eq3A_507 : vector<16xi32>
      %broadcast_in_dim3A_509 = vector.broadcast %reduce_sum3A_506 : f32 to vector<16xf32>
      %select_n3A = arith.select %eq3A_508, %broadcast_in_dim3A_509, %broadcast_in_dim3A_426 : vector<16xi1>, vector<16xf32>
      %add3A_510 = arith.constant 1 : i32
      %add3A_511 = arith.addi %add3A_405, %add3A_510 : i32
      %lt3A = arith.constant 64 : i32
      %lt3A_512 = arith.cmpi slt, %add3A_511, %lt3A : i32
      %convert_element_type3A = arith.extui %lt3A_512 : i1 to i32
      %cond3A = arith.constant 0 : i32
      %cond3A_513 = arith.cmpi ne, %convert_element_type3A, %cond3A : i32
      scf.if %cond3A_513 {
        %slice3A_1182 = vector.extract_strided_slice %get3A_419 {offsets = [0], sizes = [1], strides = [1]} : vector<16xi32> to vector<1xi32>
        %squeeze3A_1183 = vector.extract %slice3A_1182[0] : i32 from vector<1xi32>
        %slice3A_1184 = vector.extract_strided_slice %get3A_425 {offsets = [0], sizes = [1], strides = [1]} : vector<16xi32> to vector<1xi32>
        %squeeze3A_1185 = vector.extract %slice3A_1184[0] : i32 from vector<1xi32>
        %shift_right_arithmetic3A_1186 = arith.constant 7 : i32
        %shift_right_arithmetic3A_1187 = arith.shrsi %squeeze3A_1183, %shift_right_arithmetic3A_1186 : i32
        %shift_left3A_1188 = arith.constant 7 : i32
        %shift_left3A_1189 = arith.shli %shift_right_arithmetic3A_1187, %shift_left3A_1188 : i32
        %multiple_of3A_1190 = tpu.assume_multiple %shift_left3A_1189, 128 : i32
        %shift_right_arithmetic3A_1191 = arith.constant 7 : i32
        %shift_right_arithmetic3A_1192 = arith.shrsi %squeeze3A_1185, %shift_right_arithmetic3A_1191 : i32
        %shift_left3A_1193 = arith.constant 7 : i32
        %shift_left3A_1194 = arith.shli %shift_right_arithmetic3A_1192, %shift_left3A_1193 : i32
        %multiple_of3A_1195 = tpu.assume_multiple %shift_left3A_1194, 128 : i32
        %dma_start3A_1196 = arith.constant 0 : i32
        %dma_start3A_1197 = arith.constant 0 : i32
        %dma_start3A_1198 = arith.constant 0 : i32
        %dma_start3A_1199 = arith.constant 0 : i32
        %dma_start3A_1200 = tpu.memref_slice %arg9[%dma_start3A_1196, %dma_start3A_1197, %dma_start3A_1198, %dma_start3A_1199] : memref<8x4x8x128xf32, #tpu.memory_space<vmem>> -> memref<1x4x8x128xf32, #tpu.memory_space<vmem>>
        %dma_start3A_1201 = tpu.memref_squeeze %dma_start3A_1200 : memref<1x4x8x128xf32, #tpu.memory_space<vmem>> -> memref<4x8x128xf32, #tpu.memory_space<vmem>>
        %dma_start3A_1202 = arith.constant 0 : i32
        %dma_start3A_1203 = arith.constant 0 : i32
        %dma_start3A_1204 = tpu.memref_slice %arg4[%dma_start3A_1202, %dma_start3A_1203, %multiple_of3A_1190] : memref<4x8x1000000xf32, #tpu.memory_space<hbm>> -> memref<4x8x128xf32, #tpu.memory_space<hbm>>
        %dma_start3A_1205 = arith.constant 0 : i32
        %dma_start3A_1206 = arith.constant 0 : i32
        %dma_start3A_1207 = arith.constant 0 : i32
        %dma_start3A_1208 = tpu.memref_slice %arg9[%dma_start3A_1196, %dma_start3A_1205, %dma_start3A_1206, %dma_start3A_1207] : memref<8x4x8x128xf32, #tpu.memory_space<vmem>> -> memref<1x4x8x128xf32, #tpu.memory_space<vmem>>
        %dma_start3A_1209 = tpu.memref_squeeze %dma_start3A_1208 : memref<1x4x8x128xf32, #tpu.memory_space<vmem>> -> memref<4x8x128xf32, #tpu.memory_space<vmem>>
        %dma_start3A_1210 = arith.constant 0 : i32
        %dma_start3A_1211 = arith.constant 0 : i32
        %dma_start3A_1212 = tpu.memref_slice %arg4[%dma_start3A_1210, %dma_start3A_1211, %multiple_of3A_1190] : memref<4x8x1000000xf32, #tpu.memory_space<hbm>> -> memref<4x8x128xf32, #tpu.memory_space<hbm>>
        tpu.enqueue_dma source(%dma_start3A_1212 : memref<4x8x128xf32, #tpu.memory_space<hbm>>) target(%dma_start3A_1209 : memref<4x8x128xf32, #tpu.memory_space<vmem>>) target_semaphore(%arg12 : memref<!tpu.dma_semaphore, #tpu.memory_space<semaphore_mem>>)
        %dma_start3A_1213 = arith.constant 0 : i32
        %dma_start3A_1214 = arith.constant 0 : i32
        %dma_start3A_1215 = arith.constant 0 : i32
        %dma_start3A_1216 = arith.constant 0 : i32
        %dma_start3A_1217 = tpu.memref_slice %arg10[%dma_start3A_1213, %dma_start3A_1214, %dma_start3A_1215, %dma_start3A_1216] : memref<8x4x8x128xf32, #tpu.memory_space<vmem>> -> memref<1x4x8x128xf32, #tpu.memory_space<vmem>>
        %dma_start3A_1218 = tpu.memref_squeeze %dma_start3A_1217 : memref<1x4x8x128xf32, #tpu.memory_space<vmem>> -> memref<4x8x128xf32, #tpu.memory_space<vmem>>
        %dma_start3A_1219 = arith.constant 0 : i32
        %dma_start3A_1220 = arith.constant 0 : i32
        %dma_start3A_1221 = tpu.memref_slice %arg5[%dma_start3A_1219, %dma_start3A_1220, %multiple_of3A_1195] : memref<4x8x1000000xf32, #tpu.memory_space<hbm>> -> memref<4x8x128xf32, #tpu.memory_space<hbm>>
        %dma_start3A_1222 = arith.constant 0 : i32
        %dma_start3A_1223 = arith.constant 0 : i32
        %dma_start3A_1224 = arith.constant 0 : i32
        %dma_start3A_1225 = tpu.memref_slice %arg10[%dma_start3A_1213, %dma_start3A_1222, %dma_start3A_1223, %dma_start3A_1224] : memref<8x4x8x128xf32, #tpu.memory_space<vmem>> -> memref<1x4x8x128xf32, #tpu.memory_space<vmem>>
        %dma_start3A_1226 = tpu.memref_squeeze %dma_start3A_1225 : memref<1x4x8x128xf32, #tpu.memory_space<vmem>> -> memref<4x8x128xf32, #tpu.memory_space<vmem>>
        %dma_start3A_1227 = arith.constant 0 : i32
        %dma_start3A_1228 = arith.constant 0 : i32
        %dma_start3A_1229 = tpu.memref_slice %arg5[%dma_start3A_1227, %dma_start3A_1228, %multiple_of3A_1195] : memref<4x8x1000000xf32, #tpu.memory_space<hbm>> -> memref<4x8x128xf32, #tpu.memory_space<hbm>>
        tpu.enqueue_dma source(%dma_start3A_1229 : memref<4x8x128xf32, #tpu.memory_space<hbm>>) target(%dma_start3A_1226 : memref<4x8x128xf32, #tpu.memory_space<vmem>>) target_semaphore(%arg12 : memref<!tpu.dma_semaphore, #tpu.memory_space<semaphore_mem>>)
      } else {
      }
      %dma_wait3A_514 = arith.constant 1 : i32
      %dma_wait3A_515 = arith.constant 0 : i32
      %dma_wait3A_516 = arith.constant 0 : i32
      %dma_wait3A_517 = arith.constant 0 : i32
      %dma_wait3A_518 = tpu.memref_slice %arg9[%dma_wait3A_514, %dma_wait3A_515, %dma_wait3A_516, %dma_wait3A_517] : memref<8x4x8x128xf32, #tpu.memory_space<vmem>> -> memref<1x4x8x128xf32, #tpu.memory_space<vmem>>
      %dma_wait3A_519 = tpu.memref_squeeze %dma_wait3A_518 : memref<1x4x8x128xf32, #tpu.memory_space<vmem>> -> memref<4x8x128xf32, #tpu.memory_space<vmem>>
      %dma_wait3A_520 = arith.constant 0 : i32
      %dma_wait3A_521 = arith.constant 0 : i32
      %dma_wait3A_522 = arith.constant 0 : i32
      %dma_wait3A_523 = tpu.memref_slice %arg4[%dma_wait3A_520, %dma_wait3A_521, %dma_wait3A_522] : memref<4x8x1000000xf32, #tpu.memory_space<hbm>> -> memref<4x8x128xf32, #tpu.memory_space<hbm>>
      %dma_wait3A_524 = arith.constant 0 : i32
      %dma_wait3A_525 = arith.constant 0 : i32
      %dma_wait3A_526 = arith.constant 0 : i32
      %dma_wait3A_527 = tpu.memref_slice %arg9[%dma_wait3A_514, %dma_wait3A_524, %dma_wait3A_525, %dma_wait3A_526] : memref<8x4x8x128xf32, #tpu.memory_space<vmem>> -> memref<1x4x8x128xf32, #tpu.memory_space<vmem>>
      %dma_wait3A_528 = tpu.memref_squeeze %dma_wait3A_527 : memref<1x4x8x128xf32, #tpu.memory_space<vmem>> -> memref<4x8x128xf32, #tpu.memory_space<vmem>>
      %dma_wait3A_529 = arith.constant 0 : i32
      %dma_wait3A_530 = arith.constant 0 : i32
      %dma_wait3A_531 = arith.constant 0 : i32
      %dma_wait3A_532 = tpu.memref_slice %arg4[%dma_wait3A_529, %dma_wait3A_530, %dma_wait3A_531] : memref<4x8x1000000xf32, #tpu.memory_space<hbm>> -> memref<4x8x128xf32, #tpu.memory_space<hbm>>
      tpu.wait_dma2 semaphore(%arg13 : memref<!tpu.dma_semaphore, #tpu.memory_space<semaphore_mem>>) src(%dma_wait3A_532 : memref<4x8x128xf32, #tpu.memory_space<hbm>>) dst(%dma_wait3A_528 : memref<4x8x128xf32, #tpu.memory_space<vmem>>)
      %dma_wait3A_533 = arith.constant 1 : i32
      %dma_wait3A_534 = arith.constant 0 : i32
      %dma_wait3A_535 = arith.constant 0 : i32
      %dma_wait3A_536 = arith.constant 0 : i32
      %dma_wait3A_537 = tpu.memref_slice %arg10[%dma_wait3A_533, %dma_wait3A_534, %dma_wait3A_535, %dma_wait3A_536] : memref<8x4x8x128xf32, #tpu.memory_space<vmem>> -> memref<1x4x8x128xf32, #tpu.memory_space<vmem>>
      %dma_wait3A_538 = tpu.memref_squeeze %dma_wait3A_537 : memref<1x4x8x128xf32, #tpu.memory_space<vmem>> -> memref<4x8x128xf32, #tpu.memory_space<vmem>>
      %dma_wait3A_539 = arith.constant 0 : i32
      %dma_wait3A_540 = arith.constant 0 : i32
      %dma_wait3A_541 = arith.constant 0 : i32
      %dma_wait3A_542 = tpu.memref_slice %arg4[%dma_wait3A_539, %dma_wait3A_540, %dma_wait3A_541] : memref<4x8x1000000xf32, #tpu.memory_space<hbm>> -> memref<4x8x128xf32, #tpu.memory_space<hbm>>
      %dma_wait3A_543 = arith.constant 0 : i32
      %dma_wait3A_544 = arith.constant 0 : i32
      %dma_wait3A_545 = arith.constant 0 : i32
      %dma_wait3A_546 = tpu.memref_slice %arg10[%dma_wait3A_533, %dma_wait3A_543, %dma_wait3A_544, %dma_wait3A_545] : memref<8x4x8x128xf32, #tpu.memory_space<vmem>> -> memref<1x4x8x128xf32, #tpu.memory_space<vmem>>
      %dma_wait3A_547 = tpu.memref_squeeze %dma_wait3A_546 : memref<1x4x8x128xf32, #tpu.memory_space<vmem>> -> memref<4x8x128xf32, #tpu.memory_space<vmem>>
      %dma_wait3A_548 = arith.constant 0 : i32
      %dma_wait3A_549 = arith.constant 0 : i32
      %dma_wait3A_550 = arith.constant 0 : i32
      %dma_wait3A_551 = tpu.memref_slice %arg4[%dma_wait3A_548, %dma_wait3A_549, %dma_wait3A_550] : memref<4x8x1000000xf32, #tpu.memory_space<hbm>> -> memref<4x8x128xf32, #tpu.memory_space<hbm>>
      tpu.wait_dma2 semaphore(%arg13 : memref<!tpu.dma_semaphore, #tpu.memory_space<semaphore_mem>>) src(%dma_wait3A_551 : memref<4x8x128xf32, #tpu.memory_space<hbm>>) dst(%dma_wait3A_547 : memref<4x8x128xf32, #tpu.memory_space<vmem>>)
      %slice3A_552 = vector.extract_strided_slice %get3A_409 {offsets = [1], sizes = [1], strides = [1]} : vector<16xi32> to vector<1xi32>
      %squeeze3A_553 = vector.extract %slice3A_552[0] : i32 from vector<1xi32>
      %and3A_554 = arith.constant 127 : i32
      %and3A_555 = arith.andi %squeeze3A_553, %and3A_554 : i32
      %broadcast_in_dim3A_556 = vector.broadcast %and3A_555 : i32 to vector<16xi32>
      %slice3A_557 = vector.extract_strided_slice %get3A_413 {offsets = [1], sizes = [1], strides = [1]} : vector<16xi32> to vector<1xi32>
      %squeeze3A_558 = vector.extract %slice3A_557[0] : i32 from vector<1xi32>
      %and3A_559 = arith.constant 127 : i32
      %and3A_560 = arith.andi %squeeze3A_558, %and3A_559 : i32
      %broadcast_in_dim3A_561 = vector.broadcast %and3A_560 : i32 to vector<16xi32>
      %gather3A_562 = arith.constant 1 : i32
      %gather3A_563 = arith.constant 0 : i32
      %gather3A_564 = arith.constant 0 : i32
      %gather3A_565 = arith.constant 0 : i32
      %gather3A_566 = tpu.memref_slice %arg9[%gather3A_562, %gather3A_563, %gather3A_564, %gather3A_565] : memref<8x4x8x128xf32, #tpu.memory_space<vmem>> -> memref<1x4x8x128xf32, #tpu.memory_space<vmem>>
      %gather3A_567 = tpu.memref_squeeze %gather3A_566 : memref<1x4x8x128xf32, #tpu.memory_space<vmem>> -> memref<4x8x128xf32, #tpu.memory_space<vmem>>
      %gather3A_568 = tpu.vector_load_idx %gather3A_567[%shift_right_arithmetic3A_1, %and3A_5, %broadcast_in_dim3A_556] : memref<4x8x128xf32, #tpu.memory_space<vmem>>[vector<16xi32>, vector<16xi32>, vector<16xi32>], vector<16xf32>,
      %gather3A_569 = arith.constant 1 : i32
      %gather3A_570 = arith.constant 0 : i32
      %gather3A_571 = arith.constant 0 : i32
      %gather3A_572 = arith.constant 0 : i32
      %gather3A_573 = tpu.memref_slice %arg9[%gather3A_569, %gather3A_570, %gather3A_571, %gather3A_572] : memref<8x4x8x128xf32, #tpu.memory_space<vmem>> -> memref<1x4x8x128xf32, #tpu.memory_space<vmem>>
      %gather3A_574 = tpu.memref_squeeze %gather3A_573 : memref<1x4x8x128xf32, #tpu.memory_space<vmem>> -> memref<4x8x128xf32, #tpu.memory_space<vmem>>
      %gather3A_575 = tpu.vector_load_idx %gather3A_574[%add3A_3, %and3A_5, %broadcast_in_dim3A_556] : memref<4x8x128xf32, #tpu.memory_space<vmem>>[vector<16xi32>, vector<16xi32>, vector<16xi32>], vector<16xf32>,
      %gather3A_576 = arith.constant 1 : i32
      %gather3A_577 = arith.constant 0 : i32
      %gather3A_578 = arith.constant 0 : i32
      %gather3A_579 = arith.constant 0 : i32
      %gather3A_580 = tpu.memref_slice %arg10[%gather3A_576, %gather3A_577, %gather3A_578, %gather3A_579] : memref<8x4x8x128xf32, #tpu.memory_space<vmem>> -> memref<1x4x8x128xf32, #tpu.memory_space<vmem>>
      %gather3A_581 = tpu.memref_squeeze %gather3A_580 : memref<1x4x8x128xf32, #tpu.memory_space<vmem>> -> memref<4x8x128xf32, #tpu.memory_space<vmem>>
      %gather3A_582 = tpu.vector_load_idx %gather3A_581[%shift_right_arithmetic3A_1, %and3A_5, %broadcast_in_dim3A_561] : memref<4x8x128xf32, #tpu.memory_space<vmem>>[vector<16xi32>, vector<16xi32>, vector<16xi32>], vector<16xf32>,
      %gather3A_583 = arith.constant 1 : i32
      %gather3A_584 = arith.constant 0 : i32
      %gather3A_585 = arith.constant 0 : i32
      %gather3A_586 = arith.constant 0 : i32
      %gather3A_587 = tpu.memref_slice %arg10[%gather3A_583, %gather3A_584, %gather3A_585, %gather3A_586] : memref<8x4x8x128xf32, #tpu.memory_space<vmem>> -> memref<1x4x8x128xf32, #tpu.memory_space<vmem>>
      %gather3A_588 = tpu.memref_squeeze %gather3A_587 : memref<1x4x8x128xf32, #tpu.memory_space<vmem>> -> memref<4x8x128xf32, #tpu.memory_space<vmem>>
      %gather3A_589 = tpu.vector_load_idx %gather3A_588[%add3A_3, %and3A_5, %broadcast_in_dim3A_561] : memref<4x8x128xf32, #tpu.memory_space<vmem>>[vector<16xi32>, vector<16xi32>, vector<16xi32>], vector<16xf32>,
      %mul3A_590 = arith.mulf %gather3A_568, %gather3A_582 : vector<16xf32>
      %mul3A_591 = arith.mulf %gather3A_575, %gather3A_589 : vector<16xf32>
      %add3A_592 = arith.addf %mul3A_590, %mul3A_591 : vector<16xf32>
      %reduce_sum3A_593 = arith.constant true
      %reduce_sum3A_594 = vector.broadcast %reduce_sum3A_593 : i1 to vector<16xi1>
      %reduce_sum3A_595 = tpu.scan <sum>, %add3A_592 masked %reduce_sum3A_594 : vector<16xf32>, vector<16xi1> -> vector<16xf32>
      %reduce_sum3A_596 = vector.extract %reduce_sum3A_595[15] : f32 from vector<16xf32>
      %eq3A_597 = arith.constant 1 : i32
      %eq3A_598 = vector.broadcast %eq3A_597 : i32 to vector<16xi32>
      %eq3A_599 = arith.cmpi eq, %iota3A, %eq3A_598 : vector<16xi32>
      %broadcast_in_dim3A_600 = vector.broadcast %reduce_sum3A_596 : f32 to vector<16xf32>
      %select_n3A_601 = arith.select %eq3A_599, %broadcast_in_dim3A_600, %select_n3A : vector<16xi1>, vector<16xf32>
      %add3A_602 = arith.constant 1 : i32
      %add3A_603 = arith.addi %add3A_405, %add3A_602 : i32
      %lt3A_604 = arith.constant 64 : i32
      %lt3A_605 = arith.cmpi slt, %add3A_603, %lt3A_604 : i32
      %convert_element_type3A_606 = arith.extui %lt3A_605 : i1 to i32
      %cond3A_607 = arith.constant 0 : i32
      %cond3A_608 = arith.cmpi ne, %convert_element_type3A_606, %cond3A_607 : i32
      scf.if %cond3A_608 {
        %slice3A_1182 = vector.extract_strided_slice %get3A_419 {offsets = [1], sizes = [1], strides = [1]} : vector<16xi32> to vector<1xi32>
        %squeeze3A_1183 = vector.extract %slice3A_1182[0] : i32 from vector<1xi32>
        %slice3A_1184 = vector.extract_strided_slice %get3A_425 {offsets = [1], sizes = [1], strides = [1]} : vector<16xi32> to vector<1xi32>
        %squeeze3A_1185 = vector.extract %slice3A_1184[0] : i32 from vector<1xi32>
        %shift_right_arithmetic3A_1186 = arith.constant 7 : i32
        %shift_right_arithmetic3A_1187 = arith.shrsi %squeeze3A_1183, %shift_right_arithmetic3A_1186 : i32
        %shift_left3A_1188 = arith.constant 7 : i32
        %shift_left3A_1189 = arith.shli %shift_right_arithmetic3A_1187, %shift_left3A_1188 : i32
        %multiple_of3A_1190 = tpu.assume_multiple %shift_left3A_1189, 128 : i32
        %shift_right_arithmetic3A_1191 = arith.constant 7 : i32
        %shift_right_arithmetic3A_1192 = arith.shrsi %squeeze3A_1185, %shift_right_arithmetic3A_1191 : i32
        %shift_left3A_1193 = arith.constant 7 : i32
        %shift_left3A_1194 = arith.shli %shift_right_arithmetic3A_1192, %shift_left3A_1193 : i32
        %multiple_of3A_1195 = tpu.assume_multiple %shift_left3A_1194, 128 : i32
        %dma_start3A_1196 = arith.constant 1 : i32
        %dma_start3A_1197 = arith.constant 0 : i32
        %dma_start3A_1198 = arith.constant 0 : i32
        %dma_start3A_1199 = arith.constant 0 : i32
        %dma_start3A_1200 = tpu.memref_slice %arg9[%dma_start3A_1196, %dma_start3A_1197, %dma_start3A_1198, %dma_start3A_1199] : memref<8x4x8x128xf32, #tpu.memory_space<vmem>> -> memref<1x4x8x128xf32, #tpu.memory_space<vmem>>
        %dma_start3A_1201 = tpu.memref_squeeze %dma_start3A_1200 : memref<1x4x8x128xf32, #tpu.memory_space<vmem>> -> memref<4x8x128xf32, #tpu.memory_space<vmem>>
        %dma_start3A_1202 = arith.constant 0 : i32
        %dma_start3A_1203 = arith.constant 0 : i32
        %dma_start3A_1204 = tpu.memref_slice %arg4[%dma_start3A_1202, %dma_start3A_1203, %multiple_of3A_1190] : memref<4x8x1000000xf32, #tpu.memory_space<hbm>> -> memref<4x8x128xf32, #tpu.memory_space<hbm>>
        %dma_start3A_1205 = arith.constant 0 : i32
        %dma_start3A_1206 = arith.constant 0 : i32
        %dma_start3A_1207 = arith.constant 0 : i32
        %dma_start3A_1208 = tpu.memref_slice %arg9[%dma_start3A_1196, %dma_start3A_1205, %dma_start3A_1206, %dma_start3A_1207] : memref<8x4x8x128xf32, #tpu.memory_space<vmem>> -> memref<1x4x8x128xf32, #tpu.memory_space<vmem>>
        %dma_start3A_1209 = tpu.memref_squeeze %dma_start3A_1208 : memref<1x4x8x128xf32, #tpu.memory_space<vmem>> -> memref<4x8x128xf32, #tpu.memory_space<vmem>>
        %dma_start3A_1210 = arith.constant 0 : i32
        %dma_start3A_1211 = arith.constant 0 : i32
        %dma_start3A_1212 = tpu.memref_slice %arg4[%dma_start3A_1210, %dma_start3A_1211, %multiple_of3A_1190] : memref<4x8x1000000xf32, #tpu.memory_space<hbm>> -> memref<4x8x128xf32, #tpu.memory_space<hbm>>
        tpu.enqueue_dma source(%dma_start3A_1212 : memref<4x8x128xf32, #tpu.memory_space<hbm>>) target(%dma_start3A_1209 : memref<4x8x128xf32, #tpu.memory_space<vmem>>) target_semaphore(%arg13 : memref<!tpu.dma_semaphore, #tpu.memory_space<semaphore_mem>>)
        %dma_start3A_1213 = arith.constant 1 : i32
        %dma_start3A_1214 = arith.constant 0 : i32
        %dma_start3A_1215 = arith.constant 0 : i32
        %dma_start3A_1216 = arith.constant 0 : i32
        %dma_start3A_1217 = tpu.memref_slice %arg10[%dma_start3A_1213, %dma_start3A_1214, %dma_start3A_1215, %dma_start3A_1216] : memref<8x4x8x128xf32, #tpu.memory_space<vmem>> -> memref<1x4x8x128xf32, #tpu.memory_space<vmem>>
        %dma_start3A_1218 = tpu.memref_squeeze %dma_start3A_1217 : memref<1x4x8x128xf32, #tpu.memory_space<vmem>> -> memref<4x8x128xf32, #tpu.memory_space<vmem>>
        %dma_start3A_1219 = arith.constant 0 : i32
        %dma_start3A_1220 = arith.constant 0 : i32
        %dma_start3A_1221 = tpu.memref_slice %arg5[%dma_start3A_1219, %dma_start3A_1220, %multiple_of3A_1195] : memref<4x8x1000000xf32, #tpu.memory_space<hbm>> -> memref<4x8x128xf32, #tpu.memory_space<hbm>>
        %dma_start3A_1222 = arith.constant 0 : i32
        %dma_start3A_1223 = arith.constant 0 : i32
        %dma_start3A_1224 = arith.constant 0 : i32
        %dma_start3A_1225 = tpu.memref_slice %arg10[%dma_start3A_1213, %dma_start3A_1222, %dma_start3A_1223, %dma_start3A_1224] : memref<8x4x8x128xf32, #tpu.memory_space<vmem>> -> memref<1x4x8x128xf32, #tpu.memory_space<vmem>>
        %dma_start3A_1226 = tpu.memref_squeeze %dma_start3A_1225 : memref<1x4x8x128xf32, #tpu.memory_space<vmem>> -> memref<4x8x128xf32, #tpu.memory_space<vmem>>
        %dma_start3A_1227 = arith.constant 0 : i32
        %dma_start3A_1228 = arith.constant 0 : i32
        %dma_start3A_1229 = tpu.memref_slice %arg5[%dma_start3A_1227, %dma_start3A_1228, %multiple_of3A_1195] : memref<4x8x1000000xf32, #tpu.memory_space<hbm>> -> memref<4x8x128xf32, #tpu.memory_space<hbm>>
        tpu.enqueue_dma source(%dma_start3A_1229 : memref<4x8x128xf32, #tpu.memory_space<hbm>>) target(%dma_start3A_1226 : memref<4x8x128xf32, #tpu.memory_space<vmem>>) target_semaphore(%arg13 : memref<!tpu.dma_semaphore, #tpu.memory_space<semaphore_mem>>)
      } else {
      }
      %dma_wait3A_609 = arith.constant 2 : i32
      %dma_wait3A_610 = arith.constant 0 : i32
      %dma_wait3A_611 = arith.constant 0 : i32
      %dma_wait3A_612 = arith.constant 0 : i32
      %dma_wait3A_613 = tpu.memref_slice %arg9[%dma_wait3A_609, %dma_wait3A_610, %dma_wait3A_611, %dma_wait3A_612] : memref<8x4x8x128xf32, #tpu.memory_space<vmem>> -> memref<1x4x8x128xf32, #tpu.memory_space<vmem>>
      %dma_wait3A_614 = tpu.memref_squeeze %dma_wait3A_613 : memref<1x4x8x128xf32, #tpu.memory_space<vmem>> -> memref<4x8x128xf32, #tpu.memory_space<vmem>>
      %dma_wait3A_615 = arith.constant 0 : i32
      %dma_wait3A_616 = arith.constant 0 : i32
      %dma_wait3A_617 = arith.constant 0 : i32
      %dma_wait3A_618 = tpu.memref_slice %arg4[%dma_wait3A_615, %dma_wait3A_616, %dma_wait3A_617] : memref<4x8x1000000xf32, #tpu.memory_space<hbm>> -> memref<4x8x128xf32, #tpu.memory_space<hbm>>
      %dma_wait3A_619 = arith.constant 0 : i32
      %dma_wait3A_620 = arith.constant 0 : i32
      %dma_wait3A_621 = arith.constant 0 : i32
      %dma_wait3A_622 = tpu.memref_slice %arg9[%dma_wait3A_609, %dma_wait3A_619, %dma_wait3A_620, %dma_wait3A_621] : memref<8x4x8x128xf32, #tpu.memory_space<vmem>> -> memref<1x4x8x128xf32, #tpu.memory_space<vmem>>
      %dma_wait3A_623 = tpu.memref_squeeze %dma_wait3A_622 : memref<1x4x8x128xf32, #tpu.memory_space<vmem>> -> memref<4x8x128xf32, #tpu.memory_space<vmem>>
      %dma_wait3A_624 = arith.constant 0 : i32
      %dma_wait3A_625 = arith.constant 0 : i32
      %dma_wait3A_626 = arith.constant 0 : i32
      %dma_wait3A_627 = tpu.memref_slice %arg4[%dma_wait3A_624, %dma_wait3A_625, %dma_wait3A_626] : memref<4x8x1000000xf32, #tpu.memory_space<hbm>> -> memref<4x8x128xf32, #tpu.memory_space<hbm>>
      tpu.wait_dma2 semaphore(%arg14 : memref<!tpu.dma_semaphore, #tpu.memory_space<semaphore_mem>>) src(%dma_wait3A_627 : memref<4x8x128xf32, #tpu.memory_space<hbm>>) dst(%dma_wait3A_623 : memref<4x8x128xf32, #tpu.memory_space<vmem>>)
      %dma_wait3A_628 = arith.constant 2 : i32
      %dma_wait3A_629 = arith.constant 0 : i32
      %dma_wait3A_630 = arith.constant 0 : i32
      %dma_wait3A_631 = arith.constant 0 : i32
      %dma_wait3A_632 = tpu.memref_slice %arg10[%dma_wait3A_628, %dma_wait3A_629, %dma_wait3A_630, %dma_wait3A_631] : memref<8x4x8x128xf32, #tpu.memory_space<vmem>> -> memref<1x4x8x128xf32, #tpu.memory_space<vmem>>
      %dma_wait3A_633 = tpu.memref_squeeze %dma_wait3A_632 : memref<1x4x8x128xf32, #tpu.memory_space<vmem>> -> memref<4x8x128xf32, #tpu.memory_space<vmem>>
      %dma_wait3A_634 = arith.constant 0 : i32
      %dma_wait3A_635 = arith.constant 0 : i32
      %dma_wait3A_636 = arith.constant 0 : i32
      %dma_wait3A_637 = tpu.memref_slice %arg4[%dma_wait3A_634, %dma_wait3A_635, %dma_wait3A_636] : memref<4x8x1000000xf32, #tpu.memory_space<hbm>> -> memref<4x8x128xf32, #tpu.memory_space<hbm>>
      %dma_wait3A_638 = arith.constant 0 : i32
      %dma_wait3A_639 = arith.constant 0 : i32
      %dma_wait3A_640 = arith.constant 0 : i32
      %dma_wait3A_641 = tpu.memref_slice %arg10[%dma_wait3A_628, %dma_wait3A_638, %dma_wait3A_639, %dma_wait3A_640] : memref<8x4x8x128xf32, #tpu.memory_space<vmem>> -> memref<1x4x8x128xf32, #tpu.memory_space<vmem>>
      %dma_wait3A_642 = tpu.memref_squeeze %dma_wait3A_641 : memref<1x4x8x128xf32, #tpu.memory_space<vmem>> -> memref<4x8x128xf32, #tpu.memory_space<vmem>>
      %dma_wait3A_643 = arith.constant 0 : i32
      %dma_wait3A_644 = arith.constant 0 : i32
      %dma_wait3A_645 = arith.constant 0 : i32
      %dma_wait3A_646 = tpu.memref_slice %arg4[%dma_wait3A_643, %dma_wait3A_644, %dma_wait3A_645] : memref<4x8x1000000xf32, #tpu.memory_space<hbm>> -> memref<4x8x128xf32, #tpu.memory_space<hbm>>
      tpu.wait_dma2 semaphore(%arg14 : memref<!tpu.dma_semaphore, #tpu.memory_space<semaphore_mem>>) src(%dma_wait3A_646 : memref<4x8x128xf32, #tpu.memory_space<hbm>>) dst(%dma_wait3A_642 : memref<4x8x128xf32, #tpu.memory_space<vmem>>)
      %slice3A_647 = vector.extract_strided_slice %get3A_409 {offsets = [2], sizes = [1], strides = [1]} : vector<16xi32> to vector<1xi32>
      %squeeze3A_648 = vector.extract %slice3A_647[0] : i32 from vector<1xi32>
      %and3A_649 = arith.constant 127 : i32
      %and3A_650 = arith.andi %squeeze3A_648, %and3A_649 : i32
      %broadcast_in_dim3A_651 = vector.broadcast %and3A_650 : i32 to vector<16xi32>
      %slice3A_652 = vector.extract_strided_slice %get3A_413 {offsets = [2], sizes = [1], strides = [1]} : vector<16xi32> to vector<1xi32>
      %squeeze3A_653 = vector.extract %slice3A_652[0] : i32 from vector<1xi32>
      %and3A_654 = arith.constant 127 : i32
      %and3A_655 = arith.andi %squeeze3A_653, %and3A_654 : i32
      %broadcast_in_dim3A_656 = vector.broadcast %and3A_655 : i32 to vector<16xi32>
      %gather3A_657 = arith.constant 2 : i32
      %gather3A_658 = arith.constant 0 : i32
      %gather3A_659 = arith.constant 0 : i32
      %gather3A_660 = arith.constant 0 : i32
      %gather3A_661 = tpu.memref_slice %arg9[%gather3A_657, %gather3A_658, %gather3A_659, %gather3A_660] : memref<8x4x8x128xf32, #tpu.memory_space<vmem>> -> memref<1x4x8x128xf32, #tpu.memory_space<vmem>>
      %gather3A_662 = tpu.memref_squeeze %gather3A_661 : memref<1x4x8x128xf32, #tpu.memory_space<vmem>> -> memref<4x8x128xf32, #tpu.memory_space<vmem>>
      %gather3A_663 = tpu.vector_load_idx %gather3A_662[%shift_right_arithmetic3A_1, %and3A_5, %broadcast_in_dim3A_651] : memref<4x8x128xf32, #tpu.memory_space<vmem>>[vector<16xi32>, vector<16xi32>, vector<16xi32>], vector<16xf32>,
      %gather3A_664 = arith.constant 2 : i32
      %gather3A_665 = arith.constant 0 : i32
      %gather3A_666 = arith.constant 0 : i32
      %gather3A_667 = arith.constant 0 : i32
      %gather3A_668 = tpu.memref_slice %arg9[%gather3A_664, %gather3A_665, %gather3A_666, %gather3A_667] : memref<8x4x8x128xf32, #tpu.memory_space<vmem>> -> memref<1x4x8x128xf32, #tpu.memory_space<vmem>>
      %gather3A_669 = tpu.memref_squeeze %gather3A_668 : memref<1x4x8x128xf32, #tpu.memory_space<vmem>> -> memref<4x8x128xf32, #tpu.memory_space<vmem>>
      %gather3A_670 = tpu.vector_load_idx %gather3A_669[%add3A_3, %and3A_5, %broadcast_in_dim3A_651] : memref<4x8x128xf32, #tpu.memory_space<vmem>>[vector<16xi32>, vector<16xi32>, vector<16xi32>], vector<16xf32>,
      %gather3A_671 = arith.constant 2 : i32
      %gather3A_672 = arith.constant 0 : i32
      %gather3A_673 = arith.constant 0 : i32
      %gather3A_674 = arith.constant 0 : i32
      %gather3A_675 = tpu.memref_slice %arg10[%gather3A_671, %gather3A_672, %gather3A_673, %gather3A_674] : memref<8x4x8x128xf32, #tpu.memory_space<vmem>> -> memref<1x4x8x128xf32, #tpu.memory_space<vmem>>
      %gather3A_676 = tpu.memref_squeeze %gather3A_675 : memref<1x4x8x128xf32, #tpu.memory_space<vmem>> -> memref<4x8x128xf32, #tpu.memory_space<vmem>>
      %gather3A_677 = tpu.vector_load_idx %gather3A_676[%shift_right_arithmetic3A_1, %and3A_5, %broadcast_in_dim3A_656] : memref<4x8x128xf32, #tpu.memory_space<vmem>>[vector<16xi32>, vector<16xi32>, vector<16xi32>], vector<16xf32>,
      %gather3A_678 = arith.constant 2 : i32
      %gather3A_679 = arith.constant 0 : i32
      %gather3A_680 = arith.constant 0 : i32
      %gather3A_681 = arith.constant 0 : i32
      %gather3A_682 = tpu.memref_slice %arg10[%gather3A_678, %gather3A_679, %gather3A_680, %gather3A_681] : memref<8x4x8x128xf32, #tpu.memory_space<vmem>> -> memref<1x4x8x128xf32, #tpu.memory_space<vmem>>
      %gather3A_683 = tpu.memref_squeeze %gather3A_682 : memref<1x4x8x128xf32, #tpu.memory_space<vmem>> -> memref<4x8x128xf32, #tpu.memory_space<vmem>>
      %gather3A_684 = tpu.vector_load_idx %gather3A_683[%add3A_3, %and3A_5, %broadcast_in_dim3A_656] : memref<4x8x128xf32, #tpu.memory_space<vmem>>[vector<16xi32>, vector<16xi32>, vector<16xi32>], vector<16xf32>,
      %mul3A_685 = arith.mulf %gather3A_663, %gather3A_677 : vector<16xf32>
      %mul3A_686 = arith.mulf %gather3A_670, %gather3A_684 : vector<16xf32>
      %add3A_687 = arith.addf %mul3A_685, %mul3A_686 : vector<16xf32>
      %reduce_sum3A_688 = arith.constant true
      %reduce_sum3A_689 = vector.broadcast %reduce_sum3A_688 : i1 to vector<16xi1>
      %reduce_sum3A_690 = tpu.scan <sum>, %add3A_687 masked %reduce_sum3A_689 : vector<16xf32>, vector<16xi1> -> vector<16xf32>
      %reduce_sum3A_691 = vector.extract %reduce_sum3A_690[15] : f32 from vector<16xf32>
      %eq3A_692 = arith.constant 2 : i32
      %eq3A_693 = vector.broadcast %eq3A_692 : i32 to vector<16xi32>
      %eq3A_694 = arith.cmpi eq, %iota3A, %eq3A_693 : vector<16xi32>
      %broadcast_in_dim3A_695 = vector.broadcast %reduce_sum3A_691 : f32 to vector<16xf32>
      %select_n3A_696 = arith.select %eq3A_694, %broadcast_in_dim3A_695, %select_n3A_601 : vector<16xi1>, vector<16xf32>
      %add3A_697 = arith.constant 1 : i32
      %add3A_698 = arith.addi %add3A_405, %add3A_697 : i32
      %lt3A_699 = arith.constant 64 : i32
      %lt3A_700 = arith.cmpi slt, %add3A_698, %lt3A_699 : i32
      %convert_element_type3A_701 = arith.extui %lt3A_700 : i1 to i32
      %cond3A_702 = arith.constant 0 : i32
      %cond3A_703 = arith.cmpi ne, %convert_element_type3A_701, %cond3A_702 : i32
      scf.if %cond3A_703 {
        %slice3A_1182 = vector.extract_strided_slice %get3A_419 {offsets = [2], sizes = [1], strides = [1]} : vector<16xi32> to vector<1xi32>
        %squeeze3A_1183 = vector.extract %slice3A_1182[0] : i32 from vector<1xi32>
        %slice3A_1184 = vector.extract_strided_slice %get3A_425 {offsets = [2], sizes = [1], strides = [1]} : vector<16xi32> to vector<1xi32>
        %squeeze3A_1185 = vector.extract %slice3A_1184[0] : i32 from vector<1xi32>
        %shift_right_arithmetic3A_1186 = arith.constant 7 : i32
        %shift_right_arithmetic3A_1187 = arith.shrsi %squeeze3A_1183, %shift_right_arithmetic3A_1186 : i32
        %shift_left3A_1188 = arith.constant 7 : i32
        %shift_left3A_1189 = arith.shli %shift_right_arithmetic3A_1187, %shift_left3A_1188 : i32
        %multiple_of3A_1190 = tpu.assume_multiple %shift_left3A_1189, 128 : i32
        %shift_right_arithmetic3A_1191 = arith.constant 7 : i32
        %shift_right_arithmetic3A_1192 = arith.shrsi %squeeze3A_1185, %shift_right_arithmetic3A_1191 : i32
        %shift_left3A_1193 = arith.constant 7 : i32
        %shift_left3A_1194 = arith.shli %shift_right_arithmetic3A_1192, %shift_left3A_1193 : i32
        %multiple_of3A_1195 = tpu.assume_multiple %shift_left3A_1194, 128 : i32
        %dma_start3A_1196 = arith.constant 2 : i32
        %dma_start3A_1197 = arith.constant 0 : i32
        %dma_start3A_1198 = arith.constant 0 : i32
        %dma_start3A_1199 = arith.constant 0 : i32
        %dma_start3A_1200 = tpu.memref_slice %arg9[%dma_start3A_1196, %dma_start3A_1197, %dma_start3A_1198, %dma_start3A_1199] : memref<8x4x8x128xf32, #tpu.memory_space<vmem>> -> memref<1x4x8x128xf32, #tpu.memory_space<vmem>>
        %dma_start3A_1201 = tpu.memref_squeeze %dma_start3A_1200 : memref<1x4x8x128xf32, #tpu.memory_space<vmem>> -> memref<4x8x128xf32, #tpu.memory_space<vmem>>
        %dma_start3A_1202 = arith.constant 0 : i32
        %dma_start3A_1203 = arith.constant 0 : i32
        %dma_start3A_1204 = tpu.memref_slice %arg4[%dma_start3A_1202, %dma_start3A_1203, %multiple_of3A_1190] : memref<4x8x1000000xf32, #tpu.memory_space<hbm>> -> memref<4x8x128xf32, #tpu.memory_space<hbm>>
        %dma_start3A_1205 = arith.constant 0 : i32
        %dma_start3A_1206 = arith.constant 0 : i32
        %dma_start3A_1207 = arith.constant 0 : i32
        %dma_start3A_1208 = tpu.memref_slice %arg9[%dma_start3A_1196, %dma_start3A_1205, %dma_start3A_1206, %dma_start3A_1207] : memref<8x4x8x128xf32, #tpu.memory_space<vmem>> -> memref<1x4x8x128xf32, #tpu.memory_space<vmem>>
        %dma_start3A_1209 = tpu.memref_squeeze %dma_start3A_1208 : memref<1x4x8x128xf32, #tpu.memory_space<vmem>> -> memref<4x8x128xf32, #tpu.memory_space<vmem>>
        %dma_start3A_1210 = arith.constant 0 : i32
        %dma_start3A_1211 = arith.constant 0 : i32
        %dma_start3A_1212 = tpu.memref_slice %arg4[%dma_start3A_1210, %dma_start3A_1211, %multiple_of3A_1190] : memref<4x8x1000000xf32, #tpu.memory_space<hbm>> -> memref<4x8x128xf32, #tpu.memory_space<hbm>>
        tpu.enqueue_dma source(%dma_start3A_1212 : memref<4x8x128xf32, #tpu.memory_space<hbm>>) target(%dma_start3A_1209 : memref<4x8x128xf32, #tpu.memory_space<vmem>>) target_semaphore(%arg14 : memref<!tpu.dma_semaphore, #tpu.memory_space<semaphore_mem>>)
        %dma_start3A_1213 = arith.constant 2 : i32
        %dma_start3A_1214 = arith.constant 0 : i32
        %dma_start3A_1215 = arith.constant 0 : i32
        %dma_start3A_1216 = arith.constant 0 : i32
        %dma_start3A_1217 = tpu.memref_slice %arg10[%dma_start3A_1213, %dma_start3A_1214, %dma_start3A_1215, %dma_start3A_1216] : memref<8x4x8x128xf32, #tpu.memory_space<vmem>> -> memref<1x4x8x128xf32, #tpu.memory_space<vmem>>
        %dma_start3A_1218 = tpu.memref_squeeze %dma_start3A_1217 : memref<1x4x8x128xf32, #tpu.memory_space<vmem>> -> memref<4x8x128xf32, #tpu.memory_space<vmem>>
        %dma_start3A_1219 = arith.constant 0 : i32
        %dma_start3A_1220 = arith.constant 0 : i32
        %dma_start3A_1221 = tpu.memref_slice %arg5[%dma_start3A_1219, %dma_start3A_1220, %multiple_of3A_1195] : memref<4x8x1000000xf32, #tpu.memory_space<hbm>> -> memref<4x8x128xf32, #tpu.memory_space<hbm>>
        %dma_start3A_1222 = arith.constant 0 : i32
        %dma_start3A_1223 = arith.constant 0 : i32
        %dma_start3A_1224 = arith.constant 0 : i32
        %dma_start3A_1225 = tpu.memref_slice %arg10[%dma_start3A_1213, %dma_start3A_1222, %dma_start3A_1223, %dma_start3A_1224] : memref<8x4x8x128xf32, #tpu.memory_space<vmem>> -> memref<1x4x8x128xf32, #tpu.memory_space<vmem>>
        %dma_start3A_1226 = tpu.memref_squeeze %dma_start3A_1225 : memref<1x4x8x128xf32, #tpu.memory_space<vmem>> -> memref<4x8x128xf32, #tpu.memory_space<vmem>>
        %dma_start3A_1227 = arith.constant 0 : i32
        %dma_start3A_1228 = arith.constant 0 : i32
        %dma_start3A_1229 = tpu.memref_slice %arg5[%dma_start3A_1227, %dma_start3A_1228, %multiple_of3A_1195] : memref<4x8x1000000xf32, #tpu.memory_space<hbm>> -> memref<4x8x128xf32, #tpu.memory_space<hbm>>
        tpu.enqueue_dma source(%dma_start3A_1229 : memref<4x8x128xf32, #tpu.memory_space<hbm>>) target(%dma_start3A_1226 : memref<4x8x128xf32, #tpu.memory_space<vmem>>) target_semaphore(%arg14 : memref<!tpu.dma_semaphore, #tpu.memory_space<semaphore_mem>>)
      } else {
      }
      %dma_wait3A_704 = arith.constant 3 : i32
      %dma_wait3A_705 = arith.constant 0 : i32
      %dma_wait3A_706 = arith.constant 0 : i32
      %dma_wait3A_707 = arith.constant 0 : i32
      %dma_wait3A_708 = tpu.memref_slice %arg9[%dma_wait3A_704, %dma_wait3A_705, %dma_wait3A_706, %dma_wait3A_707] : memref<8x4x8x128xf32, #tpu.memory_space<vmem>> -> memref<1x4x8x128xf32, #tpu.memory_space<vmem>>
      %dma_wait3A_709 = tpu.memref_squeeze %dma_wait3A_708 : memref<1x4x8x128xf32, #tpu.memory_space<vmem>> -> memref<4x8x128xf32, #tpu.memory_space<vmem>>
      %dma_wait3A_710 = arith.constant 0 : i32
      %dma_wait3A_711 = arith.constant 0 : i32
      %dma_wait3A_712 = arith.constant 0 : i32
      %dma_wait3A_713 = tpu.memref_slice %arg4[%dma_wait3A_710, %dma_wait3A_711, %dma_wait3A_712] : memref<4x8x1000000xf32, #tpu.memory_space<hbm>> -> memref<4x8x128xf32, #tpu.memory_space<hbm>>
      %dma_wait3A_714 = arith.constant 0 : i32
      %dma_wait3A_715 = arith.constant 0 : i32
      %dma_wait3A_716 = arith.constant 0 : i32
      %dma_wait3A_717 = tpu.memref_slice %arg9[%dma_wait3A_704, %dma_wait3A_714, %dma_wait3A_715, %dma_wait3A_716] : memref<8x4x8x128xf32, #tpu.memory_space<vmem>> -> memref<1x4x8x128xf32, #tpu.memory_space<vmem>>
      %dma_wait3A_718 = tpu.memref_squeeze %dma_wait3A_717 : memref<1x4x8x128xf32, #tpu.memory_space<vmem>> -> memref<4x8x128xf32, #tpu.memory_space<vmem>>
      %dma_wait3A_719 = arith.constant 0 : i32
      %dma_wait3A_720 = arith.constant 0 : i32
      %dma_wait3A_721 = arith.constant 0 : i32
      %dma_wait3A_722 = tpu.memref_slice %arg4[%dma_wait3A_719, %dma_wait3A_720, %dma_wait3A_721] : memref<4x8x1000000xf32, #tpu.memory_space<hbm>> -> memref<4x8x128xf32, #tpu.memory_space<hbm>>
      tpu.wait_dma2 semaphore(%arg15 : memref<!tpu.dma_semaphore, #tpu.memory_space<semaphore_mem>>) src(%dma_wait3A_722 : memref<4x8x128xf32, #tpu.memory_space<hbm>>) dst(%dma_wait3A_718 : memref<4x8x128xf32, #tpu.memory_space<vmem>>)
      %dma_wait3A_723 = arith.constant 3 : i32
      %dma_wait3A_724 = arith.constant 0 : i32
      %dma_wait3A_725 = arith.constant 0 : i32
      %dma_wait3A_726 = arith.constant 0 : i32
      %dma_wait3A_727 = tpu.memref_slice %arg10[%dma_wait3A_723, %dma_wait3A_724, %dma_wait3A_725, %dma_wait3A_726] : memref<8x4x8x128xf32, #tpu.memory_space<vmem>> -> memref<1x4x8x128xf32, #tpu.memory_space<vmem>>
      %dma_wait3A_728 = tpu.memref_squeeze %dma_wait3A_727 : memref<1x4x8x128xf32, #tpu.memory_space<vmem>> -> memref<4x8x128xf32, #tpu.memory_space<vmem>>
      %dma_wait3A_729 = arith.constant 0 : i32
      %dma_wait3A_730 = arith.constant 0 : i32
      %dma_wait3A_731 = arith.constant 0 : i32
      %dma_wait3A_732 = tpu.memref_slice %arg4[%dma_wait3A_729, %dma_wait3A_730, %dma_wait3A_731] : memref<4x8x1000000xf32, #tpu.memory_space<hbm>> -> memref<4x8x128xf32, #tpu.memory_space<hbm>>
      %dma_wait3A_733 = arith.constant 0 : i32
      %dma_wait3A_734 = arith.constant 0 : i32
      %dma_wait3A_735 = arith.constant 0 : i32
      %dma_wait3A_736 = tpu.memref_slice %arg10[%dma_wait3A_723, %dma_wait3A_733, %dma_wait3A_734, %dma_wait3A_735] : memref<8x4x8x128xf32, #tpu.memory_space<vmem>> -> memref<1x4x8x128xf32, #tpu.memory_space<vmem>>
      %dma_wait3A_737 = tpu.memref_squeeze %dma_wait3A_736 : memref<1x4x8x128xf32, #tpu.memory_space<vmem>> -> memref<4x8x128xf32, #tpu.memory_space<vmem>>
      %dma_wait3A_738 = arith.constant 0 : i32
      %dma_wait3A_739 = arith.constant 0 : i32
      %dma_wait3A_740 = arith.constant 0 : i32
      %dma_wait3A_741 = tpu.memref_slice %arg4[%dma_wait3A_738, %dma_wait3A_739, %dma_wait3A_740] : memref<4x8x1000000xf32, #tpu.memory_space<hbm>> -> memref<4x8x128xf32, #tpu.memory_space<hbm>>
      tpu.wait_dma2 semaphore(%arg15 : memref<!tpu.dma_semaphore, #tpu.memory_space<semaphore_mem>>) src(%dma_wait3A_741 : memref<4x8x128xf32, #tpu.memory_space<hbm>>) dst(%dma_wait3A_737 : memref<4x8x128xf32, #tpu.memory_space<vmem>>)
      %slice3A_742 = vector.extract_strided_slice %get3A_409 {offsets = [3], sizes = [1], strides = [1]} : vector<16xi32> to vector<1xi32>
      %squeeze3A_743 = vector.extract %slice3A_742[0] : i32 from vector<1xi32>
      %and3A_744 = arith.constant 127 : i32
      %and3A_745 = arith.andi %squeeze3A_743, %and3A_744 : i32
      %broadcast_in_dim3A_746 = vector.broadcast %and3A_745 : i32 to vector<16xi32>
      %slice3A_747 = vector.extract_strided_slice %get3A_413 {offsets = [3], sizes = [1], strides = [1]} : vector<16xi32> to vector<1xi32>
      %squeeze3A_748 = vector.extract %slice3A_747[0] : i32 from vector<1xi32>
      %and3A_749 = arith.constant 127 : i32
      %and3A_750 = arith.andi %squeeze3A_748, %and3A_749 : i32
      %broadcast_in_dim3A_751 = vector.broadcast %and3A_750 : i32 to vector<16xi32>
      %gather3A_752 = arith.constant 3 : i32
      %gather3A_753 = arith.constant 0 : i32
      %gather3A_754 = arith.constant 0 : i32
      %gather3A_755 = arith.constant 0 : i32
      %gather3A_756 = tpu.memref_slice %arg9[%gather3A_752, %gather3A_753, %gather3A_754, %gather3A_755] : memref<8x4x8x128xf32, #tpu.memory_space<vmem>> -> memref<1x4x8x128xf32, #tpu.memory_space<vmem>>
      %gather3A_757 = tpu.memref_squeeze %gather3A_756 : memref<1x4x8x128xf32, #tpu.memory_space<vmem>> -> memref<4x8x128xf32, #tpu.memory_space<vmem>>
      %gather3A_758 = tpu.vector_load_idx %gather3A_757[%shift_right_arithmetic3A_1, %and3A_5, %broadcast_in_dim3A_746] : memref<4x8x128xf32, #tpu.memory_space<vmem>>[vector<16xi32>, vector<16xi32>, vector<16xi32>], vector<16xf32>,
      %gather3A_759 = arith.constant 3 : i32
      %gather3A_760 = arith.constant 0 : i32
      %gather3A_761 = arith.constant 0 : i32
      %gather3A_762 = arith.constant 0 : i32
      %gather3A_763 = tpu.memref_slice %arg9[%gather3A_759, %gather3A_760, %gather3A_761, %gather3A_762] : memref<8x4x8x128xf32, #tpu.memory_space<vmem>> -> memref<1x4x8x128xf32, #tpu.memory_space<vmem>>
      %gather3A_764 = tpu.memref_squeeze %gather3A_763 : memref<1x4x8x128xf32, #tpu.memory_space<vmem>> -> memref<4x8x128xf32, #tpu.memory_space<vmem>>
      %gather3A_765 = tpu.vector_load_idx %gather3A_764[%add3A_3, %and3A_5, %broadcast_in_dim3A_746] : memref<4x8x128xf32, #tpu.memory_space<vmem>>[vector<16xi32>, vector<16xi32>, vector<16xi32>], vector<16xf32>,
      %gather3A_766 = arith.constant 3 : i32
      %gather3A_767 = arith.constant 0 : i32
      %gather3A_768 = arith.constant 0 : i32
      %gather3A_769 = arith.constant 0 : i32
      %gather3A_770 = tpu.memref_slice %arg10[%gather3A_766, %gather3A_767, %gather3A_768, %gather3A_769] : memref<8x4x8x128xf32, #tpu.memory_space<vmem>> -> memref<1x4x8x128xf32, #tpu.memory_space<vmem>>
      %gather3A_771 = tpu.memref_squeeze %gather3A_770 : memref<1x4x8x128xf32, #tpu.memory_space<vmem>> -> memref<4x8x128xf32, #tpu.memory_space<vmem>>
      %gather3A_772 = tpu.vector_load_idx %gather3A_771[%shift_right_arithmetic3A_1, %and3A_5, %broadcast_in_dim3A_751] : memref<4x8x128xf32, #tpu.memory_space<vmem>>[vector<16xi32>, vector<16xi32>, vector<16xi32>], vector<16xf32>,
      %gather3A_773 = arith.constant 3 : i32
      %gather3A_774 = arith.constant 0 : i32
      %gather3A_775 = arith.constant 0 : i32
      %gather3A_776 = arith.constant 0 : i32
      %gather3A_777 = tpu.memref_slice %arg10[%gather3A_773, %gather3A_774, %gather3A_775, %gather3A_776] : memref<8x4x8x128xf32, #tpu.memory_space<vmem>> -> memref<1x4x8x128xf32, #tpu.memory_space<vmem>>
      %gather3A_778 = tpu.memref_squeeze %gather3A_777 : memref<1x4x8x128xf32, #tpu.memory_space<vmem>> -> memref<4x8x128xf32, #tpu.memory_space<vmem>>
      %gather3A_779 = tpu.vector_load_idx %gather3A_778[%add3A_3, %and3A_5, %broadcast_in_dim3A_751] : memref<4x8x128xf32, #tpu.memory_space<vmem>>[vector<16xi32>, vector<16xi32>, vector<16xi32>], vector<16xf32>,
      %mul3A_780 = arith.mulf %gather3A_758, %gather3A_772 : vector<16xf32>
      %mul3A_781 = arith.mulf %gather3A_765, %gather3A_779 : vector<16xf32>
      %add3A_782 = arith.addf %mul3A_780, %mul3A_781 : vector<16xf32>
      %reduce_sum3A_783 = arith.constant true
      %reduce_sum3A_784 = vector.broadcast %reduce_sum3A_783 : i1 to vector<16xi1>
      %reduce_sum3A_785 = tpu.scan <sum>, %add3A_782 masked %reduce_sum3A_784 : vector<16xf32>, vector<16xi1> -> vector<16xf32>
      %reduce_sum3A_786 = vector.extract %reduce_sum3A_785[15] : f32 from vector<16xf32>
      %eq3A_787 = arith.constant 3 : i32
      %eq3A_788 = vector.broadcast %eq3A_787 : i32 to vector<16xi32>
      %eq3A_789 = arith.cmpi eq, %iota3A, %eq3A_788 : vector<16xi32>
      %broadcast_in_dim3A_790 = vector.broadcast %reduce_sum3A_786 : f32 to vector<16xf32>
      %select_n3A_791 = arith.select %eq3A_789, %broadcast_in_dim3A_790, %select_n3A_696 : vector<16xi1>, vector<16xf32>
      %add3A_792 = arith.constant 1 : i32
      %add3A_793 = arith.addi %add3A_405, %add3A_792 : i32
      %lt3A_794 = arith.constant 64 : i32
      %lt3A_795 = arith.cmpi slt, %add3A_793, %lt3A_794 : i32
      %convert_element_type3A_796 = arith.extui %lt3A_795 : i1 to i32
      %cond3A_797 = arith.constant 0 : i32
      %cond3A_798 = arith.cmpi ne, %convert_element_type3A_796, %cond3A_797 : i32
      scf.if %cond3A_798 {
        %slice3A_1182 = vector.extract_strided_slice %get3A_419 {offsets = [3], sizes = [1], strides = [1]} : vector<16xi32> to vector<1xi32>
        %squeeze3A_1183 = vector.extract %slice3A_1182[0] : i32 from vector<1xi32>
        %slice3A_1184 = vector.extract_strided_slice %get3A_425 {offsets = [3], sizes = [1], strides = [1]} : vector<16xi32> to vector<1xi32>
        %squeeze3A_1185 = vector.extract %slice3A_1184[0] : i32 from vector<1xi32>
        %shift_right_arithmetic3A_1186 = arith.constant 7 : i32
        %shift_right_arithmetic3A_1187 = arith.shrsi %squeeze3A_1183, %shift_right_arithmetic3A_1186 : i32
        %shift_left3A_1188 = arith.constant 7 : i32
        %shift_left3A_1189 = arith.shli %shift_right_arithmetic3A_1187, %shift_left3A_1188 : i32
        %multiple_of3A_1190 = tpu.assume_multiple %shift_left3A_1189, 128 : i32
        %shift_right_arithmetic3A_1191 = arith.constant 7 : i32
        %shift_right_arithmetic3A_1192 = arith.shrsi %squeeze3A_1185, %shift_right_arithmetic3A_1191 : i32
        %shift_left3A_1193 = arith.constant 7 : i32
        %shift_left3A_1194 = arith.shli %shift_right_arithmetic3A_1192, %shift_left3A_1193 : i32
        %multiple_of3A_1195 = tpu.assume_multiple %shift_left3A_1194, 128 : i32
        %dma_start3A_1196 = arith.constant 3 : i32
        %dma_start3A_1197 = arith.constant 0 : i32
        %dma_start3A_1198 = arith.constant 0 : i32
        %dma_start3A_1199 = arith.constant 0 : i32
        %dma_start3A_1200 = tpu.memref_slice %arg9[%dma_start3A_1196, %dma_start3A_1197, %dma_start3A_1198, %dma_start3A_1199] : memref<8x4x8x128xf32, #tpu.memory_space<vmem>> -> memref<1x4x8x128xf32, #tpu.memory_space<vmem>>
        %dma_start3A_1201 = tpu.memref_squeeze %dma_start3A_1200 : memref<1x4x8x128xf32, #tpu.memory_space<vmem>> -> memref<4x8x128xf32, #tpu.memory_space<vmem>>
        %dma_start3A_1202 = arith.constant 0 : i32
        %dma_start3A_1203 = arith.constant 0 : i32
        %dma_start3A_1204 = tpu.memref_slice %arg4[%dma_start3A_1202, %dma_start3A_1203, %multiple_of3A_1190] : memref<4x8x1000000xf32, #tpu.memory_space<hbm>> -> memref<4x8x128xf32, #tpu.memory_space<hbm>>
        %dma_start3A_1205 = arith.constant 0 : i32
        %dma_start3A_1206 = arith.constant 0 : i32
        %dma_start3A_1207 = arith.constant 0 : i32
        %dma_start3A_1208 = tpu.memref_slice %arg9[%dma_start3A_1196, %dma_start3A_1205, %dma_start3A_1206, %dma_start3A_1207] : memref<8x4x8x128xf32, #tpu.memory_space<vmem>> -> memref<1x4x8x128xf32, #tpu.memory_space<vmem>>
        %dma_start3A_1209 = tpu.memref_squeeze %dma_start3A_1208 : memref<1x4x8x128xf32, #tpu.memory_space<vmem>> -> memref<4x8x128xf32, #tpu.memory_space<vmem>>
        %dma_start3A_1210 = arith.constant 0 : i32
        %dma_start3A_1211 = arith.constant 0 : i32
        %dma_start3A_1212 = tpu.memref_slice %arg4[%dma_start3A_1210, %dma_start3A_1211, %multiple_of3A_1190] : memref<4x8x1000000xf32, #tpu.memory_space<hbm>> -> memref<4x8x128xf32, #tpu.memory_space<hbm>>
        tpu.enqueue_dma source(%dma_start3A_1212 : memref<4x8x128xf32, #tpu.memory_space<hbm>>) target(%dma_start3A_1209 : memref<4x8x128xf32, #tpu.memory_space<vmem>>) target_semaphore(%arg15 : memref<!tpu.dma_semaphore, #tpu.memory_space<semaphore_mem>>)
        %dma_start3A_1213 = arith.constant 3 : i32
        %dma_start3A_1214 = arith.constant 0 : i32
        %dma_start3A_1215 = arith.constant 0 : i32
        %dma_start3A_1216 = arith.constant 0 : i32
        %dma_start3A_1217 = tpu.memref_slice %arg10[%dma_start3A_1213, %dma_start3A_1214, %dma_start3A_1215, %dma_start3A_1216] : memref<8x4x8x128xf32, #tpu.memory_space<vmem>> -> memref<1x4x8x128xf32, #tpu.memory_space<vmem>>
        %dma_start3A_1218 = tpu.memref_squeeze %dma_start3A_1217 : memref<1x4x8x128xf32, #tpu.memory_space<vmem>> -> memref<4x8x128xf32, #tpu.memory_space<vmem>>
        %dma_start3A_1219 = arith.constant 0 : i32
        %dma_start3A_1220 = arith.constant 0 : i32
        %dma_start3A_1221 = tpu.memref_slice %arg5[%dma_start3A_1219, %dma_start3A_1220, %multiple_of3A_1195] : memref<4x8x1000000xf32, #tpu.memory_space<hbm>> -> memref<4x8x128xf32, #tpu.memory_space<hbm>>
        %dma_start3A_1222 = arith.constant 0 : i32
        %dma_start3A_1223 = arith.constant 0 : i32
        %dma_start3A_1224 = arith.constant 0 : i32
        %dma_start3A_1225 = tpu.memref_slice %arg10[%dma_start3A_1213, %dma_start3A_1222, %dma_start3A_1223, %dma_start3A_1224] : memref<8x4x8x128xf32, #tpu.memory_space<vmem>> -> memref<1x4x8x128xf32, #tpu.memory_space<vmem>>
        %dma_start3A_1226 = tpu.memref_squeeze %dma_start3A_1225 : memref<1x4x8x128xf32, #tpu.memory_space<vmem>> -> memref<4x8x128xf32, #tpu.memory_space<vmem>>
        %dma_start3A_1227 = arith.constant 0 : i32
        %dma_start3A_1228 = arith.constant 0 : i32
        %dma_start3A_1229 = tpu.memref_slice %arg5[%dma_start3A_1227, %dma_start3A_1228, %multiple_of3A_1195] : memref<4x8x1000000xf32, #tpu.memory_space<hbm>> -> memref<4x8x128xf32, #tpu.memory_space<hbm>>
        tpu.enqueue_dma source(%dma_start3A_1229 : memref<4x8x128xf32, #tpu.memory_space<hbm>>) target(%dma_start3A_1226 : memref<4x8x128xf32, #tpu.memory_space<vmem>>) target_semaphore(%arg15 : memref<!tpu.dma_semaphore, #tpu.memory_space<semaphore_mem>>)
      } else {
      }
      %dma_wait3A_799 = arith.constant 4 : i32
      %dma_wait3A_800 = arith.constant 0 : i32
      %dma_wait3A_801 = arith.constant 0 : i32
      %dma_wait3A_802 = arith.constant 0 : i32
      %dma_wait3A_803 = tpu.memref_slice %arg9[%dma_wait3A_799, %dma_wait3A_800, %dma_wait3A_801, %dma_wait3A_802] : memref<8x4x8x128xf32, #tpu.memory_space<vmem>> -> memref<1x4x8x128xf32, #tpu.memory_space<vmem>>
      %dma_wait3A_804 = tpu.memref_squeeze %dma_wait3A_803 : memref<1x4x8x128xf32, #tpu.memory_space<vmem>> -> memref<4x8x128xf32, #tpu.memory_space<vmem>>
      %dma_wait3A_805 = arith.constant 0 : i32
      %dma_wait3A_806 = arith.constant 0 : i32
      %dma_wait3A_807 = arith.constant 0 : i32
      %dma_wait3A_808 = tpu.memref_slice %arg4[%dma_wait3A_805, %dma_wait3A_806, %dma_wait3A_807] : memref<4x8x1000000xf32, #tpu.memory_space<hbm>> -> memref<4x8x128xf32, #tpu.memory_space<hbm>>
      %dma_wait3A_809 = arith.constant 0 : i32
      %dma_wait3A_810 = arith.constant 0 : i32
      %dma_wait3A_811 = arith.constant 0 : i32
      %dma_wait3A_812 = tpu.memref_slice %arg9[%dma_wait3A_799, %dma_wait3A_809, %dma_wait3A_810, %dma_wait3A_811] : memref<8x4x8x128xf32, #tpu.memory_space<vmem>> -> memref<1x4x8x128xf32, #tpu.memory_space<vmem>>
      %dma_wait3A_813 = tpu.memref_squeeze %dma_wait3A_812 : memref<1x4x8x128xf32, #tpu.memory_space<vmem>> -> memref<4x8x128xf32, #tpu.memory_space<vmem>>
      %dma_wait3A_814 = arith.constant 0 : i32
      %dma_wait3A_815 = arith.constant 0 : i32
      %dma_wait3A_816 = arith.constant 0 : i32
      %dma_wait3A_817 = tpu.memref_slice %arg4[%dma_wait3A_814, %dma_wait3A_815, %dma_wait3A_816] : memref<4x8x1000000xf32, #tpu.memory_space<hbm>> -> memref<4x8x128xf32, #tpu.memory_space<hbm>>
      tpu.wait_dma2 semaphore(%arg16 : memref<!tpu.dma_semaphore, #tpu.memory_space<semaphore_mem>>) src(%dma_wait3A_817 : memref<4x8x128xf32, #tpu.memory_space<hbm>>) dst(%dma_wait3A_813 : memref<4x8x128xf32, #tpu.memory_space<vmem>>)
      %dma_wait3A_818 = arith.constant 4 : i32
      %dma_wait3A_819 = arith.constant 0 : i32
      %dma_wait3A_820 = arith.constant 0 : i32
      %dma_wait3A_821 = arith.constant 0 : i32
      %dma_wait3A_822 = tpu.memref_slice %arg10[%dma_wait3A_818, %dma_wait3A_819, %dma_wait3A_820, %dma_wait3A_821] : memref<8x4x8x128xf32, #tpu.memory_space<vmem>> -> memref<1x4x8x128xf32, #tpu.memory_space<vmem>>
      %dma_wait3A_823 = tpu.memref_squeeze %dma_wait3A_822 : memref<1x4x8x128xf32, #tpu.memory_space<vmem>> -> memref<4x8x128xf32, #tpu.memory_space<vmem>>
      %dma_wait3A_824 = arith.constant 0 : i32
      %dma_wait3A_825 = arith.constant 0 : i32
      %dma_wait3A_826 = arith.constant 0 : i32
      %dma_wait3A_827 = tpu.memref_slice %arg4[%dma_wait3A_824, %dma_wait3A_825, %dma_wait3A_826] : memref<4x8x1000000xf32, #tpu.memory_space<hbm>> -> memref<4x8x128xf32, #tpu.memory_space<hbm>>
      %dma_wait3A_828 = arith.constant 0 : i32
      %dma_wait3A_829 = arith.constant 0 : i32
      %dma_wait3A_830 = arith.constant 0 : i32
      %dma_wait3A_831 = tpu.memref_slice %arg10[%dma_wait3A_818, %dma_wait3A_828, %dma_wait3A_829, %dma_wait3A_830] : memref<8x4x8x128xf32, #tpu.memory_space<vmem>> -> memref<1x4x8x128xf32, #tpu.memory_space<vmem>>
      %dma_wait3A_832 = tpu.memref_squeeze %dma_wait3A_831 : memref<1x4x8x128xf32, #tpu.memory_space<vmem>> -> memref<4x8x128xf32, #tpu.memory_space<vmem>>
      %dma_wait3A_833 = arith.constant 0 : i32
      %dma_wait3A_834 = arith.constant 0 : i32
      %dma_wait3A_835 = arith.constant 0 : i32
      %dma_wait3A_836 = tpu.memref_slice %arg4[%dma_wait3A_833, %dma_wait3A_834, %dma_wait3A_835] : memref<4x8x1000000xf32, #tpu.memory_space<hbm>> -> memref<4x8x128xf32, #tpu.memory_space<hbm>>
      tpu.wait_dma2 semaphore(%arg16 : memref<!tpu.dma_semaphore, #tpu.memory_space<semaphore_mem>>) src(%dma_wait3A_836 : memref<4x8x128xf32, #tpu.memory_space<hbm>>) dst(%dma_wait3A_832 : memref<4x8x128xf32, #tpu.memory_space<vmem>>)
      %slice3A_837 = vector.extract_strided_slice %get3A_409 {offsets = [4], sizes = [1], strides = [1]} : vector<16xi32> to vector<1xi32>
      %squeeze3A_838 = vector.extract %slice3A_837[0] : i32 from vector<1xi32>
      %and3A_839 = arith.constant 127 : i32
      %and3A_840 = arith.andi %squeeze3A_838, %and3A_839 : i32
      %broadcast_in_dim3A_841 = vector.broadcast %and3A_840 : i32 to vector<16xi32>
      %slice3A_842 = vector.extract_strided_slice %get3A_413 {offsets = [4], sizes = [1], strides = [1]} : vector<16xi32> to vector<1xi32>
      %squeeze3A_843 = vector.extract %slice3A_842[0] : i32 from vector<1xi32>
      %and3A_844 = arith.constant 127 : i32
      %and3A_845 = arith.andi %squeeze3A_843, %and3A_844 : i32
      %broadcast_in_dim3A_846 = vector.broadcast %and3A_845 : i32 to vector<16xi32>
      %gather3A_847 = arith.constant 4 : i32
      %gather3A_848 = arith.constant 0 : i32
      %gather3A_849 = arith.constant 0 : i32
      %gather3A_850 = arith.constant 0 : i32
      %gather3A_851 = tpu.memref_slice %arg9[%gather3A_847, %gather3A_848, %gather3A_849, %gather3A_850] : memref<8x4x8x128xf32, #tpu.memory_space<vmem>> -> memref<1x4x8x128xf32, #tpu.memory_space<vmem>>
      %gather3A_852 = tpu.memref_squeeze %gather3A_851 : memref<1x4x8x128xf32, #tpu.memory_space<vmem>> -> memref<4x8x128xf32, #tpu.memory_space<vmem>>
      %gather3A_853 = tpu.vector_load_idx %gather3A_852[%shift_right_arithmetic3A_1, %and3A_5, %broadcast_in_dim3A_841] : memref<4x8x128xf32, #tpu.memory_space<vmem>>[vector<16xi32>, vector<16xi32>, vector<16xi32>], vector<16xf32>,
      %gather3A_854 = arith.constant 4 : i32
      %gather3A_855 = arith.constant 0 : i32
      %gather3A_856 = arith.constant 0 : i32
      %gather3A_857 = arith.constant 0 : i32
      %gather3A_858 = tpu.memref_slice %arg9[%gather3A_854, %gather3A_855, %gather3A_856, %gather3A_857] : memref<8x4x8x128xf32, #tpu.memory_space<vmem>> -> memref<1x4x8x128xf32, #tpu.memory_space<vmem>>
      %gather3A_859 = tpu.memref_squeeze %gather3A_858 : memref<1x4x8x128xf32, #tpu.memory_space<vmem>> -> memref<4x8x128xf32, #tpu.memory_space<vmem>>
      %gather3A_860 = tpu.vector_load_idx %gather3A_859[%add3A_3, %and3A_5, %broadcast_in_dim3A_841] : memref<4x8x128xf32, #tpu.memory_space<vmem>>[vector<16xi32>, vector<16xi32>, vector<16xi32>], vector<16xf32>,
      %gather3A_861 = arith.constant 4 : i32
      %gather3A_862 = arith.constant 0 : i32
      %gather3A_863 = arith.constant 0 : i32
      %gather3A_864 = arith.constant 0 : i32
      %gather3A_865 = tpu.memref_slice %arg10[%gather3A_861, %gather3A_862, %gather3A_863, %gather3A_864] : memref<8x4x8x128xf32, #tpu.memory_space<vmem>> -> memref<1x4x8x128xf32, #tpu.memory_space<vmem>>
      %gather3A_866 = tpu.memref_squeeze %gather3A_865 : memref<1x4x8x128xf32, #tpu.memory_space<vmem>> -> memref<4x8x128xf32, #tpu.memory_space<vmem>>
      %gather3A_867 = tpu.vector_load_idx %gather3A_866[%shift_right_arithmetic3A_1, %and3A_5, %broadcast_in_dim3A_846] : memref<4x8x128xf32, #tpu.memory_space<vmem>>[vector<16xi32>, vector<16xi32>, vector<16xi32>], vector<16xf32>,
      %gather3A_868 = arith.constant 4 : i32
      %gather3A_869 = arith.constant 0 : i32
      %gather3A_870 = arith.constant 0 : i32
      %gather3A_871 = arith.constant 0 : i32
      %gather3A_872 = tpu.memref_slice %arg10[%gather3A_868, %gather3A_869, %gather3A_870, %gather3A_871] : memref<8x4x8x128xf32, #tpu.memory_space<vmem>> -> memref<1x4x8x128xf32, #tpu.memory_space<vmem>>
      %gather3A_873 = tpu.memref_squeeze %gather3A_872 : memref<1x4x8x128xf32, #tpu.memory_space<vmem>> -> memref<4x8x128xf32, #tpu.memory_space<vmem>>
      %gather3A_874 = tpu.vector_load_idx %gather3A_873[%add3A_3, %and3A_5, %broadcast_in_dim3A_846] : memref<4x8x128xf32, #tpu.memory_space<vmem>>[vector<16xi32>, vector<16xi32>, vector<16xi32>], vector<16xf32>,
      %mul3A_875 = arith.mulf %gather3A_853, %gather3A_867 : vector<16xf32>
      %mul3A_876 = arith.mulf %gather3A_860, %gather3A_874 : vector<16xf32>
      %add3A_877 = arith.addf %mul3A_875, %mul3A_876 : vector<16xf32>
      %reduce_sum3A_878 = arith.constant true
      %reduce_sum3A_879 = vector.broadcast %reduce_sum3A_878 : i1 to vector<16xi1>
      %reduce_sum3A_880 = tpu.scan <sum>, %add3A_877 masked %reduce_sum3A_879 : vector<16xf32>, vector<16xi1> -> vector<16xf32>
      %reduce_sum3A_881 = vector.extract %reduce_sum3A_880[15] : f32 from vector<16xf32>
      %eq3A_882 = arith.constant 4 : i32
      %eq3A_883 = vector.broadcast %eq3A_882 : i32 to vector<16xi32>
      %eq3A_884 = arith.cmpi eq, %iota3A, %eq3A_883 : vector<16xi32>
      %broadcast_in_dim3A_885 = vector.broadcast %reduce_sum3A_881 : f32 to vector<16xf32>
      %select_n3A_886 = arith.select %eq3A_884, %broadcast_in_dim3A_885, %select_n3A_791 : vector<16xi1>, vector<16xf32>
      %add3A_887 = arith.constant 1 : i32
      %add3A_888 = arith.addi %add3A_405, %add3A_887 : i32
      %lt3A_889 = arith.constant 64 : i32
      %lt3A_890 = arith.cmpi slt, %add3A_888, %lt3A_889 : i32
      %convert_element_type3A_891 = arith.extui %lt3A_890 : i1 to i32
      %cond3A_892 = arith.constant 0 : i32
      %cond3A_893 = arith.cmpi ne, %convert_element_type3A_891, %cond3A_892 : i32
      scf.if %cond3A_893 {
        %slice3A_1182 = vector.extract_strided_slice %get3A_419 {offsets = [4], sizes = [1], strides = [1]} : vector<16xi32> to vector<1xi32>
        %squeeze3A_1183 = vector.extract %slice3A_1182[0] : i32 from vector<1xi32>
        %slice3A_1184 = vector.extract_strided_slice %get3A_425 {offsets = [4], sizes = [1], strides = [1]} : vector<16xi32> to vector<1xi32>
        %squeeze3A_1185 = vector.extract %slice3A_1184[0] : i32 from vector<1xi32>
        %shift_right_arithmetic3A_1186 = arith.constant 7 : i32
        %shift_right_arithmetic3A_1187 = arith.shrsi %squeeze3A_1183, %shift_right_arithmetic3A_1186 : i32
        %shift_left3A_1188 = arith.constant 7 : i32
        %shift_left3A_1189 = arith.shli %shift_right_arithmetic3A_1187, %shift_left3A_1188 : i32
        %multiple_of3A_1190 = tpu.assume_multiple %shift_left3A_1189, 128 : i32
        %shift_right_arithmetic3A_1191 = arith.constant 7 : i32
        %shift_right_arithmetic3A_1192 = arith.shrsi %squeeze3A_1185, %shift_right_arithmetic3A_1191 : i32
        %shift_left3A_1193 = arith.constant 7 : i32
        %shift_left3A_1194 = arith.shli %shift_right_arithmetic3A_1192, %shift_left3A_1193 : i32
        %multiple_of3A_1195 = tpu.assume_multiple %shift_left3A_1194, 128 : i32
        %dma_start3A_1196 = arith.constant 4 : i32
        %dma_start3A_1197 = arith.constant 0 : i32
        %dma_start3A_1198 = arith.constant 0 : i32
        %dma_start3A_1199 = arith.constant 0 : i32
        %dma_start3A_1200 = tpu.memref_slice %arg9[%dma_start3A_1196, %dma_start3A_1197, %dma_start3A_1198, %dma_start3A_1199] : memref<8x4x8x128xf32, #tpu.memory_space<vmem>> -> memref<1x4x8x128xf32, #tpu.memory_space<vmem>>
        %dma_start3A_1201 = tpu.memref_squeeze %dma_start3A_1200 : memref<1x4x8x128xf32, #tpu.memory_space<vmem>> -> memref<4x8x128xf32, #tpu.memory_space<vmem>>
        %dma_start3A_1202 = arith.constant 0 : i32
        %dma_start3A_1203 = arith.constant 0 : i32
        %dma_start3A_1204 = tpu.memref_slice %arg4[%dma_start3A_1202, %dma_start3A_1203, %multiple_of3A_1190] : memref<4x8x1000000xf32, #tpu.memory_space<hbm>> -> memref<4x8x128xf32, #tpu.memory_space<hbm>>
        %dma_start3A_1205 = arith.constant 0 : i32
        %dma_start3A_1206 = arith.constant 0 : i32
        %dma_start3A_1207 = arith.constant 0 : i32
        %dma_start3A_1208 = tpu.memref_slice %arg9[%dma_start3A_1196, %dma_start3A_1205, %dma_start3A_1206, %dma_start3A_1207] : memref<8x4x8x128xf32, #tpu.memory_space<vmem>> -> memref<1x4x8x128xf32, #tpu.memory_space<vmem>>
        %dma_start3A_1209 = tpu.memref_squeeze %dma_start3A_1208 : memref<1x4x8x128xf32, #tpu.memory_space<vmem>> -> memref<4x8x128xf32, #tpu.memory_space<vmem>>
        %dma_start3A_1210 = arith.constant 0 : i32
        %dma_start3A_1211 = arith.constant 0 : i32
        %dma_start3A_1212 = tpu.memref_slice %arg4[%dma_start3A_1210, %dma_start3A_1211, %multiple_of3A_1190] : memref<4x8x1000000xf32, #tpu.memory_space<hbm>> -> memref<4x8x128xf32, #tpu.memory_space<hbm>>
        tpu.enqueue_dma source(%dma_start3A_1212 : memref<4x8x128xf32, #tpu.memory_space<hbm>>) target(%dma_start3A_1209 : memref<4x8x128xf32, #tpu.memory_space<vmem>>) target_semaphore(%arg16 : memref<!tpu.dma_semaphore, #tpu.memory_space<semaphore_mem>>)
        %dma_start3A_1213 = arith.constant 4 : i32
        %dma_start3A_1214 = arith.constant 0 : i32
        %dma_start3A_1215 = arith.constant 0 : i32
        %dma_start3A_1216 = arith.constant 0 : i32
        %dma_start3A_1217 = tpu.memref_slice %arg10[%dma_start3A_1213, %dma_start3A_1214, %dma_start3A_1215, %dma_start3A_1216] : memref<8x4x8x128xf32, #tpu.memory_space<vmem>> -> memref<1x4x8x128xf32, #tpu.memory_space<vmem>>
        %dma_start3A_1218 = tpu.memref_squeeze %dma_start3A_1217 : memref<1x4x8x128xf32, #tpu.memory_space<vmem>> -> memref<4x8x128xf32, #tpu.memory_space<vmem>>
        %dma_start3A_1219 = arith.constant 0 : i32
        %dma_start3A_1220 = arith.constant 0 : i32
        %dma_start3A_1221 = tpu.memref_slice %arg5[%dma_start3A_1219, %dma_start3A_1220, %multiple_of3A_1195] : memref<4x8x1000000xf32, #tpu.memory_space<hbm>> -> memref<4x8x128xf32, #tpu.memory_space<hbm>>
        %dma_start3A_1222 = arith.constant 0 : i32
        %dma_start3A_1223 = arith.constant 0 : i32
        %dma_start3A_1224 = arith.constant 0 : i32
        %dma_start3A_1225 = tpu.memref_slice %arg10[%dma_start3A_1213, %dma_start3A_1222, %dma_start3A_1223, %dma_start3A_1224] : memref<8x4x8x128xf32, #tpu.memory_space<vmem>> -> memref<1x4x8x128xf32, #tpu.memory_space<vmem>>
        %dma_start3A_1226 = tpu.memref_squeeze %dma_start3A_1225 : memref<1x4x8x128xf32, #tpu.memory_space<vmem>> -> memref<4x8x128xf32, #tpu.memory_space<vmem>>
        %dma_start3A_1227 = arith.constant 0 : i32
        %dma_start3A_1228 = arith.constant 0 : i32
        %dma_start3A_1229 = tpu.memref_slice %arg5[%dma_start3A_1227, %dma_start3A_1228, %multiple_of3A_1195] : memref<4x8x1000000xf32, #tpu.memory_space<hbm>> -> memref<4x8x128xf32, #tpu.memory_space<hbm>>
        tpu.enqueue_dma source(%dma_start3A_1229 : memref<4x8x128xf32, #tpu.memory_space<hbm>>) target(%dma_start3A_1226 : memref<4x8x128xf32, #tpu.memory_space<vmem>>) target_semaphore(%arg16 : memref<!tpu.dma_semaphore, #tpu.memory_space<semaphore_mem>>)
      } else {
      }
      %dma_wait3A_894 = arith.constant 5 : i32
      %dma_wait3A_895 = arith.constant 0 : i32
      %dma_wait3A_896 = arith.constant 0 : i32
      %dma_wait3A_897 = arith.constant 0 : i32
      %dma_wait3A_898 = tpu.memref_slice %arg9[%dma_wait3A_894, %dma_wait3A_895, %dma_wait3A_896, %dma_wait3A_897] : memref<8x4x8x128xf32, #tpu.memory_space<vmem>> -> memref<1x4x8x128xf32, #tpu.memory_space<vmem>>
      %dma_wait3A_899 = tpu.memref_squeeze %dma_wait3A_898 : memref<1x4x8x128xf32, #tpu.memory_space<vmem>> -> memref<4x8x128xf32, #tpu.memory_space<vmem>>
      %dma_wait3A_900 = arith.constant 0 : i32
      %dma_wait3A_901 = arith.constant 0 : i32
      %dma_wait3A_902 = arith.constant 0 : i32
      %dma_wait3A_903 = tpu.memref_slice %arg4[%dma_wait3A_900, %dma_wait3A_901, %dma_wait3A_902] : memref<4x8x1000000xf32, #tpu.memory_space<hbm>> -> memref<4x8x128xf32, #tpu.memory_space<hbm>>
      %dma_wait3A_904 = arith.constant 0 : i32
      %dma_wait3A_905 = arith.constant 0 : i32
      %dma_wait3A_906 = arith.constant 0 : i32
      %dma_wait3A_907 = tpu.memref_slice %arg9[%dma_wait3A_894, %dma_wait3A_904, %dma_wait3A_905, %dma_wait3A_906] : memref<8x4x8x128xf32, #tpu.memory_space<vmem>> -> memref<1x4x8x128xf32, #tpu.memory_space<vmem>>
      %dma_wait3A_908 = tpu.memref_squeeze %dma_wait3A_907 : memref<1x4x8x128xf32, #tpu.memory_space<vmem>> -> memref<4x8x128xf32, #tpu.memory_space<vmem>>
      %dma_wait3A_909 = arith.constant 0 : i32
      %dma_wait3A_910 = arith.constant 0 : i32
      %dma_wait3A_911 = arith.constant 0 : i32
      %dma_wait3A_912 = tpu.memref_slice %arg4[%dma_wait3A_909, %dma_wait3A_910, %dma_wait3A_911] : memref<4x8x1000000xf32, #tpu.memory_space<hbm>> -> memref<4x8x128xf32, #tpu.memory_space<hbm>>
      tpu.wait_dma2 semaphore(%arg17 : memref<!tpu.dma_semaphore, #tpu.memory_space<semaphore_mem>>) src(%dma_wait3A_912 : memref<4x8x128xf32, #tpu.memory_space<hbm>>) dst(%dma_wait3A_908 : memref<4x8x128xf32, #tpu.memory_space<vmem>>)
      %dma_wait3A_913 = arith.constant 5 : i32
      %dma_wait3A_914 = arith.constant 0 : i32
      %dma_wait3A_915 = arith.constant 0 : i32
      %dma_wait3A_916 = arith.constant 0 : i32
      %dma_wait3A_917 = tpu.memref_slice %arg10[%dma_wait3A_913, %dma_wait3A_914, %dma_wait3A_915, %dma_wait3A_916] : memref<8x4x8x128xf32, #tpu.memory_space<vmem>> -> memref<1x4x8x128xf32, #tpu.memory_space<vmem>>
      %dma_wait3A_918 = tpu.memref_squeeze %dma_wait3A_917 : memref<1x4x8x128xf32, #tpu.memory_space<vmem>> -> memref<4x8x128xf32, #tpu.memory_space<vmem>>
      %dma_wait3A_919 = arith.constant 0 : i32
      %dma_wait3A_920 = arith.constant 0 : i32
      %dma_wait3A_921 = arith.constant 0 : i32
      %dma_wait3A_922 = tpu.memref_slice %arg4[%dma_wait3A_919, %dma_wait3A_920, %dma_wait3A_921] : memref<4x8x1000000xf32, #tpu.memory_space<hbm>> -> memref<4x8x128xf32, #tpu.memory_space<hbm>>
      %dma_wait3A_923 = arith.constant 0 : i32
      %dma_wait3A_924 = arith.constant 0 : i32
      %dma_wait3A_925 = arith.constant 0 : i32
      %dma_wait3A_926 = tpu.memref_slice %arg10[%dma_wait3A_913, %dma_wait3A_923, %dma_wait3A_924, %dma_wait3A_925] : memref<8x4x8x128xf32, #tpu.memory_space<vmem>> -> memref<1x4x8x128xf32, #tpu.memory_space<vmem>>
      %dma_wait3A_927 = tpu.memref_squeeze %dma_wait3A_926 : memref<1x4x8x128xf32, #tpu.memory_space<vmem>> -> memref<4x8x128xf32, #tpu.memory_space<vmem>>
      %dma_wait3A_928 = arith.constant 0 : i32
      %dma_wait3A_929 = arith.constant 0 : i32
      %dma_wait3A_930 = arith.constant 0 : i32
      %dma_wait3A_931 = tpu.memref_slice %arg4[%dma_wait3A_928, %dma_wait3A_929, %dma_wait3A_930] : memref<4x8x1000000xf32, #tpu.memory_space<hbm>> -> memref<4x8x128xf32, #tpu.memory_space<hbm>>
      tpu.wait_dma2 semaphore(%arg17 : memref<!tpu.dma_semaphore, #tpu.memory_space<semaphore_mem>>) src(%dma_wait3A_931 : memref<4x8x128xf32, #tpu.memory_space<hbm>>) dst(%dma_wait3A_927 : memref<4x8x128xf32, #tpu.memory_space<vmem>>)
      %slice3A_932 = vector.extract_strided_slice %get3A_409 {offsets = [5], sizes = [1], strides = [1]} : vector<16xi32> to vector<1xi32>
      %squeeze3A_933 = vector.extract %slice3A_932[0] : i32 from vector<1xi32>
      %and3A_934 = arith.constant 127 : i32
      %and3A_935 = arith.andi %squeeze3A_933, %and3A_934 : i32
      %broadcast_in_dim3A_936 = vector.broadcast %and3A_935 : i32 to vector<16xi32>
      %slice3A_937 = vector.extract_strided_slice %get3A_413 {offsets = [5], sizes = [1], strides = [1]} : vector<16xi32> to vector<1xi32>
      %squeeze3A_938 = vector.extract %slice3A_937[0] : i32 from vector<1xi32>
      %and3A_939 = arith.constant 127 : i32
      %and3A_940 = arith.andi %squeeze3A_938, %and3A_939 : i32
      %broadcast_in_dim3A_941 = vector.broadcast %and3A_940 : i32 to vector<16xi32>
      %gather3A_942 = arith.constant 5 : i32
      %gather3A_943 = arith.constant 0 : i32
      %gather3A_944 = arith.constant 0 : i32
      %gather3A_945 = arith.constant 0 : i32
      %gather3A_946 = tpu.memref_slice %arg9[%gather3A_942, %gather3A_943, %gather3A_944, %gather3A_945] : memref<8x4x8x128xf32, #tpu.memory_space<vmem>> -> memref<1x4x8x128xf32, #tpu.memory_space<vmem>>
      %gather3A_947 = tpu.memref_squeeze %gather3A_946 : memref<1x4x8x128xf32, #tpu.memory_space<vmem>> -> memref<4x8x128xf32, #tpu.memory_space<vmem>>
      %gather3A_948 = tpu.vector_load_idx %gather3A_947[%shift_right_arithmetic3A_1, %and3A_5, %broadcast_in_dim3A_936] : memref<4x8x128xf32, #tpu.memory_space<vmem>>[vector<16xi32>, vector<16xi32>, vector<16xi32>], vector<16xf32>,
      %gather3A_949 = arith.constant 5 : i32
      %gather3A_950 = arith.constant 0 : i32
      %gather3A_951 = arith.constant 0 : i32
      %gather3A_952 = arith.constant 0 : i32
      %gather3A_953 = tpu.memref_slice %arg9[%gather3A_949, %gather3A_950, %gather3A_951, %gather3A_952] : memref<8x4x8x128xf32, #tpu.memory_space<vmem>> -> memref<1x4x8x128xf32, #tpu.memory_space<vmem>>
      %gather3A_954 = tpu.memref_squeeze %gather3A_953 : memref<1x4x8x128xf32, #tpu.memory_space<vmem>> -> memref<4x8x128xf32, #tpu.memory_space<vmem>>
      %gather3A_955 = tpu.vector_load_idx %gather3A_954[%add3A_3, %and3A_5, %broadcast_in_dim3A_936] : memref<4x8x128xf32, #tpu.memory_space<vmem>>[vector<16xi32>, vector<16xi32>, vector<16xi32>], vector<16xf32>,
      %gather3A_956 = arith.constant 5 : i32
      %gather3A_957 = arith.constant 0 : i32
      %gather3A_958 = arith.constant 0 : i32
      %gather3A_959 = arith.constant 0 : i32
      %gather3A_960 = tpu.memref_slice %arg10[%gather3A_956, %gather3A_957, %gather3A_958, %gather3A_959] : memref<8x4x8x128xf32, #tpu.memory_space<vmem>> -> memref<1x4x8x128xf32, #tpu.memory_space<vmem>>
      %gather3A_961 = tpu.memref_squeeze %gather3A_960 : memref<1x4x8x128xf32, #tpu.memory_space<vmem>> -> memref<4x8x128xf32, #tpu.memory_space<vmem>>
      %gather3A_962 = tpu.vector_load_idx %gather3A_961[%shift_right_arithmetic3A_1, %and3A_5, %broadcast_in_dim3A_941] : memref<4x8x128xf32, #tpu.memory_space<vmem>>[vector<16xi32>, vector<16xi32>, vector<16xi32>], vector<16xf32>,
      %gather3A_963 = arith.constant 5 : i32
      %gather3A_964 = arith.constant 0 : i32
      %gather3A_965 = arith.constant 0 : i32
      %gather3A_966 = arith.constant 0 : i32
      %gather3A_967 = tpu.memref_slice %arg10[%gather3A_963, %gather3A_964, %gather3A_965, %gather3A_966] : memref<8x4x8x128xf32, #tpu.memory_space<vmem>> -> memref<1x4x8x128xf32, #tpu.memory_space<vmem>>
      %gather3A_968 = tpu.memref_squeeze %gather3A_967 : memref<1x4x8x128xf32, #tpu.memory_space<vmem>> -> memref<4x8x128xf32, #tpu.memory_space<vmem>>
      %gather3A_969 = tpu.vector_load_idx %gather3A_968[%add3A_3, %and3A_5, %broadcast_in_dim3A_941] : memref<4x8x128xf32, #tpu.memory_space<vmem>>[vector<16xi32>, vector<16xi32>, vector<16xi32>], vector<16xf32>,
      %mul3A_970 = arith.mulf %gather3A_948, %gather3A_962 : vector<16xf32>
      %mul3A_971 = arith.mulf %gather3A_955, %gather3A_969 : vector<16xf32>
      %add3A_972 = arith.addf %mul3A_970, %mul3A_971 : vector<16xf32>
      %reduce_sum3A_973 = arith.constant true
      %reduce_sum3A_974 = vector.broadcast %reduce_sum3A_973 : i1 to vector<16xi1>
      %reduce_sum3A_975 = tpu.scan <sum>, %add3A_972 masked %reduce_sum3A_974 : vector<16xf32>, vector<16xi1> -> vector<16xf32>
      %reduce_sum3A_976 = vector.extract %reduce_sum3A_975[15] : f32 from vector<16xf32>
      %eq3A_977 = arith.constant 5 : i32
      %eq3A_978 = vector.broadcast %eq3A_977 : i32 to vector<16xi32>
      %eq3A_979 = arith.cmpi eq, %iota3A, %eq3A_978 : vector<16xi32>
      %broadcast_in_dim3A_980 = vector.broadcast %reduce_sum3A_976 : f32 to vector<16xf32>
      %select_n3A_981 = arith.select %eq3A_979, %broadcast_in_dim3A_980, %select_n3A_886 : vector<16xi1>, vector<16xf32>
      %add3A_982 = arith.constant 1 : i32
      %add3A_983 = arith.addi %add3A_405, %add3A_982 : i32
      %lt3A_984 = arith.constant 64 : i32
      %lt3A_985 = arith.cmpi slt, %add3A_983, %lt3A_984 : i32
      %convert_element_type3A_986 = arith.extui %lt3A_985 : i1 to i32
      %cond3A_987 = arith.constant 0 : i32
      %cond3A_988 = arith.cmpi ne, %convert_element_type3A_986, %cond3A_987 : i32
      scf.if %cond3A_988 {
        %slice3A_1182 = vector.extract_strided_slice %get3A_419 {offsets = [5], sizes = [1], strides = [1]} : vector<16xi32> to vector<1xi32>
        %squeeze3A_1183 = vector.extract %slice3A_1182[0] : i32 from vector<1xi32>
        %slice3A_1184 = vector.extract_strided_slice %get3A_425 {offsets = [5], sizes = [1], strides = [1]} : vector<16xi32> to vector<1xi32>
        %squeeze3A_1185 = vector.extract %slice3A_1184[0] : i32 from vector<1xi32>
        %shift_right_arithmetic3A_1186 = arith.constant 7 : i32
        %shift_right_arithmetic3A_1187 = arith.shrsi %squeeze3A_1183, %shift_right_arithmetic3A_1186 : i32
        %shift_left3A_1188 = arith.constant 7 : i32
        %shift_left3A_1189 = arith.shli %shift_right_arithmetic3A_1187, %shift_left3A_1188 : i32
        %multiple_of3A_1190 = tpu.assume_multiple %shift_left3A_1189, 128 : i32
        %shift_right_arithmetic3A_1191 = arith.constant 7 : i32
        %shift_right_arithmetic3A_1192 = arith.shrsi %squeeze3A_1185, %shift_right_arithmetic3A_1191 : i32
        %shift_left3A_1193 = arith.constant 7 : i32
        %shift_left3A_1194 = arith.shli %shift_right_arithmetic3A_1192, %shift_left3A_1193 : i32
        %multiple_of3A_1195 = tpu.assume_multiple %shift_left3A_1194, 128 : i32
        %dma_start3A_1196 = arith.constant 5 : i32
        %dma_start3A_1197 = arith.constant 0 : i32
        %dma_start3A_1198 = arith.constant 0 : i32
        %dma_start3A_1199 = arith.constant 0 : i32
        %dma_start3A_1200 = tpu.memref_slice %arg9[%dma_start3A_1196, %dma_start3A_1197, %dma_start3A_1198, %dma_start3A_1199] : memref<8x4x8x128xf32, #tpu.memory_space<vmem>> -> memref<1x4x8x128xf32, #tpu.memory_space<vmem>>
        %dma_start3A_1201 = tpu.memref_squeeze %dma_start3A_1200 : memref<1x4x8x128xf32, #tpu.memory_space<vmem>> -> memref<4x8x128xf32, #tpu.memory_space<vmem>>
        %dma_start3A_1202 = arith.constant 0 : i32
        %dma_start3A_1203 = arith.constant 0 : i32
        %dma_start3A_1204 = tpu.memref_slice %arg4[%dma_start3A_1202, %dma_start3A_1203, %multiple_of3A_1190] : memref<4x8x1000000xf32, #tpu.memory_space<hbm>> -> memref<4x8x128xf32, #tpu.memory_space<hbm>>
        %dma_start3A_1205 = arith.constant 0 : i32
        %dma_start3A_1206 = arith.constant 0 : i32
        %dma_start3A_1207 = arith.constant 0 : i32
        %dma_start3A_1208 = tpu.memref_slice %arg9[%dma_start3A_1196, %dma_start3A_1205, %dma_start3A_1206, %dma_start3A_1207] : memref<8x4x8x128xf32, #tpu.memory_space<vmem>> -> memref<1x4x8x128xf32, #tpu.memory_space<vmem>>
        %dma_start3A_1209 = tpu.memref_squeeze %dma_start3A_1208 : memref<1x4x8x128xf32, #tpu.memory_space<vmem>> -> memref<4x8x128xf32, #tpu.memory_space<vmem>>
        %dma_start3A_1210 = arith.constant 0 : i32
        %dma_start3A_1211 = arith.constant 0 : i32
        %dma_start3A_1212 = tpu.memref_slice %arg4[%dma_start3A_1210, %dma_start3A_1211, %multiple_of3A_1190] : memref<4x8x1000000xf32, #tpu.memory_space<hbm>> -> memref<4x8x128xf32, #tpu.memory_space<hbm>>
        tpu.enqueue_dma source(%dma_start3A_1212 : memref<4x8x128xf32, #tpu.memory_space<hbm>>) target(%dma_start3A_1209 : memref<4x8x128xf32, #tpu.memory_space<vmem>>) target_semaphore(%arg17 : memref<!tpu.dma_semaphore, #tpu.memory_space<semaphore_mem>>)
        %dma_start3A_1213 = arith.constant 5 : i32
        %dma_start3A_1214 = arith.constant 0 : i32
        %dma_start3A_1215 = arith.constant 0 : i32
        %dma_start3A_1216 = arith.constant 0 : i32
        %dma_start3A_1217 = tpu.memref_slice %arg10[%dma_start3A_1213, %dma_start3A_1214, %dma_start3A_1215, %dma_start3A_1216] : memref<8x4x8x128xf32, #tpu.memory_space<vmem>> -> memref<1x4x8x128xf32, #tpu.memory_space<vmem>>
        %dma_start3A_1218 = tpu.memref_squeeze %dma_start3A_1217 : memref<1x4x8x128xf32, #tpu.memory_space<vmem>> -> memref<4x8x128xf32, #tpu.memory_space<vmem>>
        %dma_start3A_1219 = arith.constant 0 : i32
        %dma_start3A_1220 = arith.constant 0 : i32
        %dma_start3A_1221 = tpu.memref_slice %arg5[%dma_start3A_1219, %dma_start3A_1220, %multiple_of3A_1195] : memref<4x8x1000000xf32, #tpu.memory_space<hbm>> -> memref<4x8x128xf32, #tpu.memory_space<hbm>>
        %dma_start3A_1222 = arith.constant 0 : i32
        %dma_start3A_1223 = arith.constant 0 : i32
        %dma_start3A_1224 = arith.constant 0 : i32
        %dma_start3A_1225 = tpu.memref_slice %arg10[%dma_start3A_1213, %dma_start3A_1222, %dma_start3A_1223, %dma_start3A_1224] : memref<8x4x8x128xf32, #tpu.memory_space<vmem>> -> memref<1x4x8x128xf32, #tpu.memory_space<vmem>>
        %dma_start3A_1226 = tpu.memref_squeeze %dma_start3A_1225 : memref<1x4x8x128xf32, #tpu.memory_space<vmem>> -> memref<4x8x128xf32, #tpu.memory_space<vmem>>
        %dma_start3A_1227 = arith.constant 0 : i32
        %dma_start3A_1228 = arith.constant 0 : i32
        %dma_start3A_1229 = tpu.memref_slice %arg5[%dma_start3A_1227, %dma_start3A_1228, %multiple_of3A_1195] : memref<4x8x1000000xf32, #tpu.memory_space<hbm>> -> memref<4x8x128xf32, #tpu.memory_space<hbm>>
        tpu.enqueue_dma source(%dma_start3A_1229 : memref<4x8x128xf32, #tpu.memory_space<hbm>>) target(%dma_start3A_1226 : memref<4x8x128xf32, #tpu.memory_space<vmem>>) target_semaphore(%arg17 : memref<!tpu.dma_semaphore, #tpu.memory_space<semaphore_mem>>)
      } else {
      }
      %dma_wait3A_989 = arith.constant 6 : i32
      %dma_wait3A_990 = arith.constant 0 : i32
      %dma_wait3A_991 = arith.constant 0 : i32
      %dma_wait3A_992 = arith.constant 0 : i32
      %dma_wait3A_993 = tpu.memref_slice %arg9[%dma_wait3A_989, %dma_wait3A_990, %dma_wait3A_991, %dma_wait3A_992] : memref<8x4x8x128xf32, #tpu.memory_space<vmem>> -> memref<1x4x8x128xf32, #tpu.memory_space<vmem>>
      %dma_wait3A_994 = tpu.memref_squeeze %dma_wait3A_993 : memref<1x4x8x128xf32, #tpu.memory_space<vmem>> -> memref<4x8x128xf32, #tpu.memory_space<vmem>>
      %dma_wait3A_995 = arith.constant 0 : i32
      %dma_wait3A_996 = arith.constant 0 : i32
      %dma_wait3A_997 = arith.constant 0 : i32
      %dma_wait3A_998 = tpu.memref_slice %arg4[%dma_wait3A_995, %dma_wait3A_996, %dma_wait3A_997] : memref<4x8x1000000xf32, #tpu.memory_space<hbm>> -> memref<4x8x128xf32, #tpu.memory_space<hbm>>
      %dma_wait3A_999 = arith.constant 0 : i32
      %dma_wait3A_1000 = arith.constant 0 : i32
      %dma_wait3A_1001 = arith.constant 0 : i32
      %dma_wait3A_1002 = tpu.memref_slice %arg9[%dma_wait3A_989, %dma_wait3A_999, %dma_wait3A_1000, %dma_wait3A_1001] : memref<8x4x8x128xf32, #tpu.memory_space<vmem>> -> memref<1x4x8x128xf32, #tpu.memory_space<vmem>>
      %dma_wait3A_1003 = tpu.memref_squeeze %dma_wait3A_1002 : memref<1x4x8x128xf32, #tpu.memory_space<vmem>> -> memref<4x8x128xf32, #tpu.memory_space<vmem>>
      %dma_wait3A_1004 = arith.constant 0 : i32
      %dma_wait3A_1005 = arith.constant 0 : i32
      %dma_wait3A_1006 = arith.constant 0 : i32
      %dma_wait3A_1007 = tpu.memref_slice %arg4[%dma_wait3A_1004, %dma_wait3A_1005, %dma_wait3A_1006] : memref<4x8x1000000xf32, #tpu.memory_space<hbm>> -> memref<4x8x128xf32, #tpu.memory_space<hbm>>
      tpu.wait_dma2 semaphore(%arg18 : memref<!tpu.dma_semaphore, #tpu.memory_space<semaphore_mem>>) src(%dma_wait3A_1007 : memref<4x8x128xf32, #tpu.memory_space<hbm>>) dst(%dma_wait3A_1003 : memref<4x8x128xf32, #tpu.memory_space<vmem>>)
      %dma_wait3A_1008 = arith.constant 6 : i32
      %dma_wait3A_1009 = arith.constant 0 : i32
      %dma_wait3A_1010 = arith.constant 0 : i32
      %dma_wait3A_1011 = arith.constant 0 : i32
      %dma_wait3A_1012 = tpu.memref_slice %arg10[%dma_wait3A_1008, %dma_wait3A_1009, %dma_wait3A_1010, %dma_wait3A_1011] : memref<8x4x8x128xf32, #tpu.memory_space<vmem>> -> memref<1x4x8x128xf32, #tpu.memory_space<vmem>>
      %dma_wait3A_1013 = tpu.memref_squeeze %dma_wait3A_1012 : memref<1x4x8x128xf32, #tpu.memory_space<vmem>> -> memref<4x8x128xf32, #tpu.memory_space<vmem>>
      %dma_wait3A_1014 = arith.constant 0 : i32
      %dma_wait3A_1015 = arith.constant 0 : i32
      %dma_wait3A_1016 = arith.constant 0 : i32
      %dma_wait3A_1017 = tpu.memref_slice %arg4[%dma_wait3A_1014, %dma_wait3A_1015, %dma_wait3A_1016] : memref<4x8x1000000xf32, #tpu.memory_space<hbm>> -> memref<4x8x128xf32, #tpu.memory_space<hbm>>
      %dma_wait3A_1018 = arith.constant 0 : i32
      %dma_wait3A_1019 = arith.constant 0 : i32
      %dma_wait3A_1020 = arith.constant 0 : i32
      %dma_wait3A_1021 = tpu.memref_slice %arg10[%dma_wait3A_1008, %dma_wait3A_1018, %dma_wait3A_1019, %dma_wait3A_1020] : memref<8x4x8x128xf32, #tpu.memory_space<vmem>> -> memref<1x4x8x128xf32, #tpu.memory_space<vmem>>
      %dma_wait3A_1022 = tpu.memref_squeeze %dma_wait3A_1021 : memref<1x4x8x128xf32, #tpu.memory_space<vmem>> -> memref<4x8x128xf32, #tpu.memory_space<vmem>>
      %dma_wait3A_1023 = arith.constant 0 : i32
      %dma_wait3A_1024 = arith.constant 0 : i32
      %dma_wait3A_1025 = arith.constant 0 : i32
      %dma_wait3A_1026 = tpu.memref_slice %arg4[%dma_wait3A_1023, %dma_wait3A_1024, %dma_wait3A_1025] : memref<4x8x1000000xf32, #tpu.memory_space<hbm>> -> memref<4x8x128xf32, #tpu.memory_space<hbm>>
      tpu.wait_dma2 semaphore(%arg18 : memref<!tpu.dma_semaphore, #tpu.memory_space<semaphore_mem>>) src(%dma_wait3A_1026 : memref<4x8x128xf32, #tpu.memory_space<hbm>>) dst(%dma_wait3A_1022 : memref<4x8x128xf32, #tpu.memory_space<vmem>>)
      %slice3A_1027 = vector.extract_strided_slice %get3A_409 {offsets = [6], sizes = [1], strides = [1]} : vector<16xi32> to vector<1xi32>
      %squeeze3A_1028 = vector.extract %slice3A_1027[0] : i32 from vector<1xi32>
      %and3A_1029 = arith.constant 127 : i32
      %and3A_1030 = arith.andi %squeeze3A_1028, %and3A_1029 : i32
      %broadcast_in_dim3A_1031 = vector.broadcast %and3A_1030 : i32 to vector<16xi32>
      %slice3A_1032 = vector.extract_strided_slice %get3A_413 {offsets = [6], sizes = [1], strides = [1]} : vector<16xi32> to vector<1xi32>
      %squeeze3A_1033 = vector.extract %slice3A_1032[0] : i32 from vector<1xi32>
      %and3A_1034 = arith.constant 127 : i32
      %and3A_1035 = arith.andi %squeeze3A_1033, %and3A_1034 : i32
      %broadcast_in_dim3A_1036 = vector.broadcast %and3A_1035 : i32 to vector<16xi32>
      %gather3A_1037 = arith.constant 6 : i32
      %gather3A_1038 = arith.constant 0 : i32
      %gather3A_1039 = arith.constant 0 : i32
      %gather3A_1040 = arith.constant 0 : i32
      %gather3A_1041 = tpu.memref_slice %arg9[%gather3A_1037, %gather3A_1038, %gather3A_1039, %gather3A_1040] : memref<8x4x8x128xf32, #tpu.memory_space<vmem>> -> memref<1x4x8x128xf32, #tpu.memory_space<vmem>>
      %gather3A_1042 = tpu.memref_squeeze %gather3A_1041 : memref<1x4x8x128xf32, #tpu.memory_space<vmem>> -> memref<4x8x128xf32, #tpu.memory_space<vmem>>
      %gather3A_1043 = tpu.vector_load_idx %gather3A_1042[%shift_right_arithmetic3A_1, %and3A_5, %broadcast_in_dim3A_1031] : memref<4x8x128xf32, #tpu.memory_space<vmem>>[vector<16xi32>, vector<16xi32>, vector<16xi32>], vector<16xf32>,
      %gather3A_1044 = arith.constant 6 : i32
      %gather3A_1045 = arith.constant 0 : i32
      %gather3A_1046 = arith.constant 0 : i32
      %gather3A_1047 = arith.constant 0 : i32
      %gather3A_1048 = tpu.memref_slice %arg9[%gather3A_1044, %gather3A_1045, %gather3A_1046, %gather3A_1047] : memref<8x4x8x128xf32, #tpu.memory_space<vmem>> -> memref<1x4x8x128xf32, #tpu.memory_space<vmem>>
      %gather3A_1049 = tpu.memref_squeeze %gather3A_1048 : memref<1x4x8x128xf32, #tpu.memory_space<vmem>> -> memref<4x8x128xf32, #tpu.memory_space<vmem>>
      %gather3A_1050 = tpu.vector_load_idx %gather3A_1049[%add3A_3, %and3A_5, %broadcast_in_dim3A_1031] : memref<4x8x128xf32, #tpu.memory_space<vmem>>[vector<16xi32>, vector<16xi32>, vector<16xi32>], vector<16xf32>,
      %gather3A_1051 = arith.constant 6 : i32
      %gather3A_1052 = arith.constant 0 : i32
      %gather3A_1053 = arith.constant 0 : i32
      %gather3A_1054 = arith.constant 0 : i32
      %gather3A_1055 = tpu.memref_slice %arg10[%gather3A_1051, %gather3A_1052, %gather3A_1053, %gather3A_1054] : memref<8x4x8x128xf32, #tpu.memory_space<vmem>> -> memref<1x4x8x128xf32, #tpu.memory_space<vmem>>
      %gather3A_1056 = tpu.memref_squeeze %gather3A_1055 : memref<1x4x8x128xf32, #tpu.memory_space<vmem>> -> memref<4x8x128xf32, #tpu.memory_space<vmem>>
      %gather3A_1057 = tpu.vector_load_idx %gather3A_1056[%shift_right_arithmetic3A_1, %and3A_5, %broadcast_in_dim3A_1036] : memref<4x8x128xf32, #tpu.memory_space<vmem>>[vector<16xi32>, vector<16xi32>, vector<16xi32>], vector<16xf32>,
      %gather3A_1058 = arith.constant 6 : i32
      %gather3A_1059 = arith.constant 0 : i32
      %gather3A_1060 = arith.constant 0 : i32
      %gather3A_1061 = arith.constant 0 : i32
      %gather3A_1062 = tpu.memref_slice %arg10[%gather3A_1058, %gather3A_1059, %gather3A_1060, %gather3A_1061] : memref<8x4x8x128xf32, #tpu.memory_space<vmem>> -> memref<1x4x8x128xf32, #tpu.memory_space<vmem>>
      %gather3A_1063 = tpu.memref_squeeze %gather3A_1062 : memref<1x4x8x128xf32, #tpu.memory_space<vmem>> -> memref<4x8x128xf32, #tpu.memory_space<vmem>>
      %gather3A_1064 = tpu.vector_load_idx %gather3A_1063[%add3A_3, %and3A_5, %broadcast_in_dim3A_1036] : memref<4x8x128xf32, #tpu.memory_space<vmem>>[vector<16xi32>, vector<16xi32>, vector<16xi32>], vector<16xf32>,
      %mul3A_1065 = arith.mulf %gather3A_1043, %gather3A_1057 : vector<16xf32>
      %mul3A_1066 = arith.mulf %gather3A_1050, %gather3A_1064 : vector<16xf32>
      %add3A_1067 = arith.addf %mul3A_1065, %mul3A_1066 : vector<16xf32>
      %reduce_sum3A_1068 = arith.constant true
      %reduce_sum3A_1069 = vector.broadcast %reduce_sum3A_1068 : i1 to vector<16xi1>
      %reduce_sum3A_1070 = tpu.scan <sum>, %add3A_1067 masked %reduce_sum3A_1069 : vector<16xf32>, vector<16xi1> -> vector<16xf32>
      %reduce_sum3A_1071 = vector.extract %reduce_sum3A_1070[15] : f32 from vector<16xf32>
      %eq3A_1072 = arith.constant 6 : i32
      %eq3A_1073 = vector.broadcast %eq3A_1072 : i32 to vector<16xi32>
      %eq3A_1074 = arith.cmpi eq, %iota3A, %eq3A_1073 : vector<16xi32>
      %broadcast_in_dim3A_1075 = vector.broadcast %reduce_sum3A_1071 : f32 to vector<16xf32>
      %select_n3A_1076 = arith.select %eq3A_1074, %broadcast_in_dim3A_1075, %select_n3A_981 : vector<16xi1>, vector<16xf32>
      %add3A_1077 = arith.constant 1 : i32
      %add3A_1078 = arith.addi %add3A_405, %add3A_1077 : i32
      %lt3A_1079 = arith.constant 64 : i32
      %lt3A_1080 = arith.cmpi slt, %add3A_1078, %lt3A_1079 : i32
      %convert_element_type3A_1081 = arith.extui %lt3A_1080 : i1 to i32
      %cond3A_1082 = arith.constant 0 : i32
      %cond3A_1083 = arith.cmpi ne, %convert_element_type3A_1081, %cond3A_1082 : i32
      scf.if %cond3A_1083 {
        %slice3A_1182 = vector.extract_strided_slice %get3A_419 {offsets = [6], sizes = [1], strides = [1]} : vector<16xi32> to vector<1xi32>
        %squeeze3A_1183 = vector.extract %slice3A_1182[0] : i32 from vector<1xi32>
        %slice3A_1184 = vector.extract_strided_slice %get3A_425 {offsets = [6], sizes = [1], strides = [1]} : vector<16xi32> to vector<1xi32>
        %squeeze3A_1185 = vector.extract %slice3A_1184[0] : i32 from vector<1xi32>
        %shift_right_arithmetic3A_1186 = arith.constant 7 : i32
        %shift_right_arithmetic3A_1187 = arith.shrsi %squeeze3A_1183, %shift_right_arithmetic3A_1186 : i32
        %shift_left3A_1188 = arith.constant 7 : i32
        %shift_left3A_1189 = arith.shli %shift_right_arithmetic3A_1187, %shift_left3A_1188 : i32
        %multiple_of3A_1190 = tpu.assume_multiple %shift_left3A_1189, 128 : i32
        %shift_right_arithmetic3A_1191 = arith.constant 7 : i32
        %shift_right_arithmetic3A_1192 = arith.shrsi %squeeze3A_1185, %shift_right_arithmetic3A_1191 : i32
        %shift_left3A_1193 = arith.constant 7 : i32
        %shift_left3A_1194 = arith.shli %shift_right_arithmetic3A_1192, %shift_left3A_1193 : i32
        %multiple_of3A_1195 = tpu.assume_multiple %shift_left3A_1194, 128 : i32
        %dma_start3A_1196 = arith.constant 6 : i32
        %dma_start3A_1197 = arith.constant 0 : i32
        %dma_start3A_1198 = arith.constant 0 : i32
        %dma_start3A_1199 = arith.constant 0 : i32
        %dma_start3A_1200 = tpu.memref_slice %arg9[%dma_start3A_1196, %dma_start3A_1197, %dma_start3A_1198, %dma_start3A_1199] : memref<8x4x8x128xf32, #tpu.memory_space<vmem>> -> memref<1x4x8x128xf32, #tpu.memory_space<vmem>>
        %dma_start3A_1201 = tpu.memref_squeeze %dma_start3A_1200 : memref<1x4x8x128xf32, #tpu.memory_space<vmem>> -> memref<4x8x128xf32, #tpu.memory_space<vmem>>
        %dma_start3A_1202 = arith.constant 0 : i32
        %dma_start3A_1203 = arith.constant 0 : i32
        %dma_start3A_1204 = tpu.memref_slice %arg4[%dma_start3A_1202, %dma_start3A_1203, %multiple_of3A_1190] : memref<4x8x1000000xf32, #tpu.memory_space<hbm>> -> memref<4x8x128xf32, #tpu.memory_space<hbm>>
        %dma_start3A_1205 = arith.constant 0 : i32
        %dma_start3A_1206 = arith.constant 0 : i32
        %dma_start3A_1207 = arith.constant 0 : i32
        %dma_start3A_1208 = tpu.memref_slice %arg9[%dma_start3A_1196, %dma_start3A_1205, %dma_start3A_1206, %dma_start3A_1207] : memref<8x4x8x128xf32, #tpu.memory_space<vmem>> -> memref<1x4x8x128xf32, #tpu.memory_space<vmem>>
        %dma_start3A_1209 = tpu.memref_squeeze %dma_start3A_1208 : memref<1x4x8x128xf32, #tpu.memory_space<vmem>> -> memref<4x8x128xf32, #tpu.memory_space<vmem>>
        %dma_start3A_1210 = arith.constant 0 : i32
        %dma_start3A_1211 = arith.constant 0 : i32
        %dma_start3A_1212 = tpu.memref_slice %arg4[%dma_start3A_1210, %dma_start3A_1211, %multiple_of3A_1190] : memref<4x8x1000000xf32, #tpu.memory_space<hbm>> -> memref<4x8x128xf32, #tpu.memory_space<hbm>>
        tpu.enqueue_dma source(%dma_start3A_1212 : memref<4x8x128xf32, #tpu.memory_space<hbm>>) target(%dma_start3A_1209 : memref<4x8x128xf32, #tpu.memory_space<vmem>>) target_semaphore(%arg18 : memref<!tpu.dma_semaphore, #tpu.memory_space<semaphore_mem>>)
        %dma_start3A_1213 = arith.constant 6 : i32
        %dma_start3A_1214 = arith.constant 0 : i32
        %dma_start3A_1215 = arith.constant 0 : i32
        %dma_start3A_1216 = arith.constant 0 : i32
        %dma_start3A_1217 = tpu.memref_slice %arg10[%dma_start3A_1213, %dma_start3A_1214, %dma_start3A_1215, %dma_start3A_1216] : memref<8x4x8x128xf32, #tpu.memory_space<vmem>> -> memref<1x4x8x128xf32, #tpu.memory_space<vmem>>
        %dma_start3A_1218 = tpu.memref_squeeze %dma_start3A_1217 : memref<1x4x8x128xf32, #tpu.memory_space<vmem>> -> memref<4x8x128xf32, #tpu.memory_space<vmem>>
        %dma_start3A_1219 = arith.constant 0 : i32
        %dma_start3A_1220 = arith.constant 0 : i32
        %dma_start3A_1221 = tpu.memref_slice %arg5[%dma_start3A_1219, %dma_start3A_1220, %multiple_of3A_1195] : memref<4x8x1000000xf32, #tpu.memory_space<hbm>> -> memref<4x8x128xf32, #tpu.memory_space<hbm>>
        %dma_start3A_1222 = arith.constant 0 : i32
        %dma_start3A_1223 = arith.constant 0 : i32
        %dma_start3A_1224 = arith.constant 0 : i32
        %dma_start3A_1225 = tpu.memref_slice %arg10[%dma_start3A_1213, %dma_start3A_1222, %dma_start3A_1223, %dma_start3A_1224] : memref<8x4x8x128xf32, #tpu.memory_space<vmem>> -> memref<1x4x8x128xf32, #tpu.memory_space<vmem>>
        %dma_start3A_1226 = tpu.memref_squeeze %dma_start3A_1225 : memref<1x4x8x128xf32, #tpu.memory_space<vmem>> -> memref<4x8x128xf32, #tpu.memory_space<vmem>>
        %dma_start3A_1227 = arith.constant 0 : i32
        %dma_start3A_1228 = arith.constant 0 : i32
        %dma_start3A_1229 = tpu.memref_slice %arg5[%dma_start3A_1227, %dma_start3A_1228, %multiple_of3A_1195] : memref<4x8x1000000xf32, #tpu.memory_space<hbm>> -> memref<4x8x128xf32, #tpu.memory_space<hbm>>
        tpu.enqueue_dma source(%dma_start3A_1229 : memref<4x8x128xf32, #tpu.memory_space<hbm>>) target(%dma_start3A_1226 : memref<4x8x128xf32, #tpu.memory_space<vmem>>) target_semaphore(%arg18 : memref<!tpu.dma_semaphore, #tpu.memory_space<semaphore_mem>>)
      } else {
      }
      %dma_wait3A_1084 = arith.constant 7 : i32
      %dma_wait3A_1085 = arith.constant 0 : i32
      %dma_wait3A_1086 = arith.constant 0 : i32
      %dma_wait3A_1087 = arith.constant 0 : i32
      %dma_wait3A_1088 = tpu.memref_slice %arg9[%dma_wait3A_1084, %dma_wait3A_1085, %dma_wait3A_1086, %dma_wait3A_1087] : memref<8x4x8x128xf32, #tpu.memory_space<vmem>> -> memref<1x4x8x128xf32, #tpu.memory_space<vmem>>
      %dma_wait3A_1089 = tpu.memref_squeeze %dma_wait3A_1088 : memref<1x4x8x128xf32, #tpu.memory_space<vmem>> -> memref<4x8x128xf32, #tpu.memory_space<vmem>>
      %dma_wait3A_1090 = arith.constant 0 : i32
      %dma_wait3A_1091 = arith.constant 0 : i32
      %dma_wait3A_1092 = arith.constant 0 : i32
      %dma_wait3A_1093 = tpu.memref_slice %arg4[%dma_wait3A_1090, %dma_wait3A_1091, %dma_wait3A_1092] : memref<4x8x1000000xf32, #tpu.memory_space<hbm>> -> memref<4x8x128xf32, #tpu.memory_space<hbm>>
      %dma_wait3A_1094 = arith.constant 0 : i32
      %dma_wait3A_1095 = arith.constant 0 : i32
      %dma_wait3A_1096 = arith.constant 0 : i32
      %dma_wait3A_1097 = tpu.memref_slice %arg9[%dma_wait3A_1084, %dma_wait3A_1094, %dma_wait3A_1095, %dma_wait3A_1096] : memref<8x4x8x128xf32, #tpu.memory_space<vmem>> -> memref<1x4x8x128xf32, #tpu.memory_space<vmem>>
      %dma_wait3A_1098 = tpu.memref_squeeze %dma_wait3A_1097 : memref<1x4x8x128xf32, #tpu.memory_space<vmem>> -> memref<4x8x128xf32, #tpu.memory_space<vmem>>
      %dma_wait3A_1099 = arith.constant 0 : i32
      %dma_wait3A_1100 = arith.constant 0 : i32
      %dma_wait3A_1101 = arith.constant 0 : i32
      %dma_wait3A_1102 = tpu.memref_slice %arg4[%dma_wait3A_1099, %dma_wait3A_1100, %dma_wait3A_1101] : memref<4x8x1000000xf32, #tpu.memory_space<hbm>> -> memref<4x8x128xf32, #tpu.memory_space<hbm>>
      tpu.wait_dma2 semaphore(%arg19 : memref<!tpu.dma_semaphore, #tpu.memory_space<semaphore_mem>>) src(%dma_wait3A_1102 : memref<4x8x128xf32, #tpu.memory_space<hbm>>) dst(%dma_wait3A_1098 : memref<4x8x128xf32, #tpu.memory_space<vmem>>)
      %dma_wait3A_1103 = arith.constant 7 : i32
      %dma_wait3A_1104 = arith.constant 0 : i32
      %dma_wait3A_1105 = arith.constant 0 : i32
      %dma_wait3A_1106 = arith.constant 0 : i32
      %dma_wait3A_1107 = tpu.memref_slice %arg10[%dma_wait3A_1103, %dma_wait3A_1104, %dma_wait3A_1105, %dma_wait3A_1106] : memref<8x4x8x128xf32, #tpu.memory_space<vmem>> -> memref<1x4x8x128xf32, #tpu.memory_space<vmem>>
      %dma_wait3A_1108 = tpu.memref_squeeze %dma_wait3A_1107 : memref<1x4x8x128xf32, #tpu.memory_space<vmem>> -> memref<4x8x128xf32, #tpu.memory_space<vmem>>
      %dma_wait3A_1109 = arith.constant 0 : i32
      %dma_wait3A_1110 = arith.constant 0 : i32
      %dma_wait3A_1111 = arith.constant 0 : i32
      %dma_wait3A_1112 = tpu.memref_slice %arg4[%dma_wait3A_1109, %dma_wait3A_1110, %dma_wait3A_1111] : memref<4x8x1000000xf32, #tpu.memory_space<hbm>> -> memref<4x8x128xf32, #tpu.memory_space<hbm>>
      %dma_wait3A_1113 = arith.constant 0 : i32
      %dma_wait3A_1114 = arith.constant 0 : i32
      %dma_wait3A_1115 = arith.constant 0 : i32
      %dma_wait3A_1116 = tpu.memref_slice %arg10[%dma_wait3A_1103, %dma_wait3A_1113, %dma_wait3A_1114, %dma_wait3A_1115] : memref<8x4x8x128xf32, #tpu.memory_space<vmem>> -> memref<1x4x8x128xf32, #tpu.memory_space<vmem>>
      %dma_wait3A_1117 = tpu.memref_squeeze %dma_wait3A_1116 : memref<1x4x8x128xf32, #tpu.memory_space<vmem>> -> memref<4x8x128xf32, #tpu.memory_space<vmem>>
      %dma_wait3A_1118 = arith.constant 0 : i32
      %dma_wait3A_1119 = arith.constant 0 : i32
      %dma_wait3A_1120 = arith.constant 0 : i32
      %dma_wait3A_1121 = tpu.memref_slice %arg4[%dma_wait3A_1118, %dma_wait3A_1119, %dma_wait3A_1120] : memref<4x8x1000000xf32, #tpu.memory_space<hbm>> -> memref<4x8x128xf32, #tpu.memory_space<hbm>>
      tpu.wait_dma2 semaphore(%arg19 : memref<!tpu.dma_semaphore, #tpu.memory_space<semaphore_mem>>) src(%dma_wait3A_1121 : memref<4x8x128xf32, #tpu.memory_space<hbm>>) dst(%dma_wait3A_1117 : memref<4x8x128xf32, #tpu.memory_space<vmem>>)
      %slice3A_1122 = vector.extract_strided_slice %get3A_409 {offsets = [7], sizes = [1], strides = [1]} : vector<16xi32> to vector<1xi32>
      %squeeze3A_1123 = vector.extract %slice3A_1122[0] : i32 from vector<1xi32>
      %and3A_1124 = arith.constant 127 : i32
      %and3A_1125 = arith.andi %squeeze3A_1123, %and3A_1124 : i32
      %broadcast_in_dim3A_1126 = vector.broadcast %and3A_1125 : i32 to vector<16xi32>
      %slice3A_1127 = vector.extract_strided_slice %get3A_413 {offsets = [7], sizes = [1], strides = [1]} : vector<16xi32> to vector<1xi32>
      %squeeze3A_1128 = vector.extract %slice3A_1127[0] : i32 from vector<1xi32>
      %and3A_1129 = arith.constant 127 : i32
      %and3A_1130 = arith.andi %squeeze3A_1128, %and3A_1129 : i32
      %broadcast_in_dim3A_1131 = vector.broadcast %and3A_1130 : i32 to vector<16xi32>
      %gather3A_1132 = arith.constant 7 : i32
      %gather3A_1133 = arith.constant 0 : i32
      %gather3A_1134 = arith.constant 0 : i32
      %gather3A_1135 = arith.constant 0 : i32
      %gather3A_1136 = tpu.memref_slice %arg9[%gather3A_1132, %gather3A_1133, %gather3A_1134, %gather3A_1135] : memref<8x4x8x128xf32, #tpu.memory_space<vmem>> -> memref<1x4x8x128xf32, #tpu.memory_space<vmem>>
      %gather3A_1137 = tpu.memref_squeeze %gather3A_1136 : memref<1x4x8x128xf32, #tpu.memory_space<vmem>> -> memref<4x8x128xf32, #tpu.memory_space<vmem>>
      %gather3A_1138 = tpu.vector_load_idx %gather3A_1137[%shift_right_arithmetic3A_1, %and3A_5, %broadcast_in_dim3A_1126] : memref<4x8x128xf32, #tpu.memory_space<vmem>>[vector<16xi32>, vector<16xi32>, vector<16xi32>], vector<16xf32>,
      %gather3A_1139 = arith.constant 7 : i32
      %gather3A_1140 = arith.constant 0 : i32
      %gather3A_1141 = arith.constant 0 : i32
      %gather3A_1142 = arith.constant 0 : i32
      %gather3A_1143 = tpu.memref_slice %arg9[%gather3A_1139, %gather3A_1140, %gather3A_1141, %gather3A_1142] : memref<8x4x8x128xf32, #tpu.memory_space<vmem>> -> memref<1x4x8x128xf32, #tpu.memory_space<vmem>>
      %gather3A_1144 = tpu.memref_squeeze %gather3A_1143 : memref<1x4x8x128xf32, #tpu.memory_space<vmem>> -> memref<4x8x128xf32, #tpu.memory_space<vmem>>
      %gather3A_1145 = tpu.vector_load_idx %gather3A_1144[%add3A_3, %and3A_5, %broadcast_in_dim3A_1126] : memref<4x8x128xf32, #tpu.memory_space<vmem>>[vector<16xi32>, vector<16xi32>, vector<16xi32>], vector<16xf32>,
      %gather3A_1146 = arith.constant 7 : i32
      %gather3A_1147 = arith.constant 0 : i32
      %gather3A_1148 = arith.constant 0 : i32
      %gather3A_1149 = arith.constant 0 : i32
      %gather3A_1150 = tpu.memref_slice %arg10[%gather3A_1146, %gather3A_1147, %gather3A_1148, %gather3A_1149] : memref<8x4x8x128xf32, #tpu.memory_space<vmem>> -> memref<1x4x8x128xf32, #tpu.memory_space<vmem>>
      %gather3A_1151 = tpu.memref_squeeze %gather3A_1150 : memref<1x4x8x128xf32, #tpu.memory_space<vmem>> -> memref<4x8x128xf32, #tpu.memory_space<vmem>>
      %gather3A_1152 = tpu.vector_load_idx %gather3A_1151[%shift_right_arithmetic3A_1, %and3A_5, %broadcast_in_dim3A_1131] : memref<4x8x128xf32, #tpu.memory_space<vmem>>[vector<16xi32>, vector<16xi32>, vector<16xi32>], vector<16xf32>,
      %gather3A_1153 = arith.constant 7 : i32
      %gather3A_1154 = arith.constant 0 : i32
      %gather3A_1155 = arith.constant 0 : i32
      %gather3A_1156 = arith.constant 0 : i32
      %gather3A_1157 = tpu.memref_slice %arg10[%gather3A_1153, %gather3A_1154, %gather3A_1155, %gather3A_1156] : memref<8x4x8x128xf32, #tpu.memory_space<vmem>> -> memref<1x4x8x128xf32, #tpu.memory_space<vmem>>
      %gather3A_1158 = tpu.memref_squeeze %gather3A_1157 : memref<1x4x8x128xf32, #tpu.memory_space<vmem>> -> memref<4x8x128xf32, #tpu.memory_space<vmem>>
      %gather3A_1159 = tpu.vector_load_idx %gather3A_1158[%add3A_3, %and3A_5, %broadcast_in_dim3A_1131] : memref<4x8x128xf32, #tpu.memory_space<vmem>>[vector<16xi32>, vector<16xi32>, vector<16xi32>], vector<16xf32>,
      %mul3A_1160 = arith.mulf %gather3A_1138, %gather3A_1152 : vector<16xf32>
      %mul3A_1161 = arith.mulf %gather3A_1145, %gather3A_1159 : vector<16xf32>
      %add3A_1162 = arith.addf %mul3A_1160, %mul3A_1161 : vector<16xf32>
      %reduce_sum3A_1163 = arith.constant true
      %reduce_sum3A_1164 = vector.broadcast %reduce_sum3A_1163 : i1 to vector<16xi1>
      %reduce_sum3A_1165 = tpu.scan <sum>, %add3A_1162 masked %reduce_sum3A_1164 : vector<16xf32>, vector<16xi1> -> vector<16xf32>
      %reduce_sum3A_1166 = vector.extract %reduce_sum3A_1165[15] : f32 from vector<16xf32>
      %eq3A_1167 = arith.constant 7 : i32
      %eq3A_1168 = vector.broadcast %eq3A_1167 : i32 to vector<16xi32>
      %eq3A_1169 = arith.cmpi eq, %iota3A, %eq3A_1168 : vector<16xi32>
      %broadcast_in_dim3A_1170 = vector.broadcast %reduce_sum3A_1166 : f32 to vector<16xf32>
      %select_n3A_1171 = arith.select %eq3A_1169, %broadcast_in_dim3A_1170, %select_n3A_1076 : vector<16xi1>, vector<16xf32>
      %add3A_1172 = arith.constant 1 : i32
      %add3A_1173 = arith.addi %add3A_405, %add3A_1172 : i32
      %lt3A_1174 = arith.constant 64 : i32
      %lt3A_1175 = arith.cmpi slt, %add3A_1173, %lt3A_1174 : i32
      %convert_element_type3A_1176 = arith.extui %lt3A_1175 : i1 to i32
      %cond3A_1177 = arith.constant 0 : i32
      %cond3A_1178 = arith.cmpi ne, %convert_element_type3A_1176, %cond3A_1177 : i32
      scf.if %cond3A_1178 {
        %slice3A_1182 = vector.extract_strided_slice %get3A_419 {offsets = [7], sizes = [1], strides = [1]} : vector<16xi32> to vector<1xi32>
        %squeeze3A_1183 = vector.extract %slice3A_1182[0] : i32 from vector<1xi32>
        %slice3A_1184 = vector.extract_strided_slice %get3A_425 {offsets = [7], sizes = [1], strides = [1]} : vector<16xi32> to vector<1xi32>
        %squeeze3A_1185 = vector.extract %slice3A_1184[0] : i32 from vector<1xi32>
        %shift_right_arithmetic3A_1186 = arith.constant 7 : i32
        %shift_right_arithmetic3A_1187 = arith.shrsi %squeeze3A_1183, %shift_right_arithmetic3A_1186 : i32
        %shift_left3A_1188 = arith.constant 7 : i32
        %shift_left3A_1189 = arith.shli %shift_right_arithmetic3A_1187, %shift_left3A_1188 : i32
        %multiple_of3A_1190 = tpu.assume_multiple %shift_left3A_1189, 128 : i32
        %shift_right_arithmetic3A_1191 = arith.constant 7 : i32
        %shift_right_arithmetic3A_1192 = arith.shrsi %squeeze3A_1185, %shift_right_arithmetic3A_1191 : i32
        %shift_left3A_1193 = arith.constant 7 : i32
        %shift_left3A_1194 = arith.shli %shift_right_arithmetic3A_1192, %shift_left3A_1193 : i32
        %multiple_of3A_1195 = tpu.assume_multiple %shift_left3A_1194, 128 : i32
        %dma_start3A_1196 = arith.constant 7 : i32
        %dma_start3A_1197 = arith.constant 0 : i32
        %dma_start3A_1198 = arith.constant 0 : i32
        %dma_start3A_1199 = arith.constant 0 : i32
        %dma_start3A_1200 = tpu.memref_slice %arg9[%dma_start3A_1196, %dma_start3A_1197, %dma_start3A_1198, %dma_start3A_1199] : memref<8x4x8x128xf32, #tpu.memory_space<vmem>> -> memref<1x4x8x128xf32, #tpu.memory_space<vmem>>
        %dma_start3A_1201 = tpu.memref_squeeze %dma_start3A_1200 : memref<1x4x8x128xf32, #tpu.memory_space<vmem>> -> memref<4x8x128xf32, #tpu.memory_space<vmem>>
        %dma_start3A_1202 = arith.constant 0 : i32
        %dma_start3A_1203 = arith.constant 0 : i32
        %dma_start3A_1204 = tpu.memref_slice %arg4[%dma_start3A_1202, %dma_start3A_1203, %multiple_of3A_1190] : memref<4x8x1000000xf32, #tpu.memory_space<hbm>> -> memref<4x8x128xf32, #tpu.memory_space<hbm>>
        %dma_start3A_1205 = arith.constant 0 : i32
        %dma_start3A_1206 = arith.constant 0 : i32
        %dma_start3A_1207 = arith.constant 0 : i32
        %dma_start3A_1208 = tpu.memref_slice %arg9[%dma_start3A_1196, %dma_start3A_1205, %dma_start3A_1206, %dma_start3A_1207] : memref<8x4x8x128xf32, #tpu.memory_space<vmem>> -> memref<1x4x8x128xf32, #tpu.memory_space<vmem>>
        %dma_start3A_1209 = tpu.memref_squeeze %dma_start3A_1208 : memref<1x4x8x128xf32, #tpu.memory_space<vmem>> -> memref<4x8x128xf32, #tpu.memory_space<vmem>>
        %dma_start3A_1210 = arith.constant 0 : i32
        %dma_start3A_1211 = arith.constant 0 : i32
        %dma_start3A_1212 = tpu.memref_slice %arg4[%dma_start3A_1210, %dma_start3A_1211, %multiple_of3A_1190] : memref<4x8x1000000xf32, #tpu.memory_space<hbm>> -> memref<4x8x128xf32, #tpu.memory_space<hbm>>
        tpu.enqueue_dma source(%dma_start3A_1212 : memref<4x8x128xf32, #tpu.memory_space<hbm>>) target(%dma_start3A_1209 : memref<4x8x128xf32, #tpu.memory_space<vmem>>) target_semaphore(%arg19 : memref<!tpu.dma_semaphore, #tpu.memory_space<semaphore_mem>>)
        %dma_start3A_1213 = arith.constant 7 : i32
        %dma_start3A_1214 = arith.constant 0 : i32
        %dma_start3A_1215 = arith.constant 0 : i32
        %dma_start3A_1216 = arith.constant 0 : i32
        %dma_start3A_1217 = tpu.memref_slice %arg10[%dma_start3A_1213, %dma_start3A_1214, %dma_start3A_1215, %dma_start3A_1216] : memref<8x4x8x128xf32, #tpu.memory_space<vmem>> -> memref<1x4x8x128xf32, #tpu.memory_space<vmem>>
        %dma_start3A_1218 = tpu.memref_squeeze %dma_start3A_1217 : memref<1x4x8x128xf32, #tpu.memory_space<vmem>> -> memref<4x8x128xf32, #tpu.memory_space<vmem>>
        %dma_start3A_1219 = arith.constant 0 : i32
        %dma_start3A_1220 = arith.constant 0 : i32
        %dma_start3A_1221 = tpu.memref_slice %arg5[%dma_start3A_1219, %dma_start3A_1220, %multiple_of3A_1195] : memref<4x8x1000000xf32, #tpu.memory_space<hbm>> -> memref<4x8x128xf32, #tpu.memory_space<hbm>>
        %dma_start3A_1222 = arith.constant 0 : i32
        %dma_start3A_1223 = arith.constant 0 : i32
        %dma_start3A_1224 = arith.constant 0 : i32
        %dma_start3A_1225 = tpu.memref_slice %arg10[%dma_start3A_1213, %dma_start3A_1222, %dma_start3A_1223, %dma_start3A_1224] : memref<8x4x8x128xf32, #tpu.memory_space<vmem>> -> memref<1x4x8x128xf32, #tpu.memory_space<vmem>>
        %dma_start3A_1226 = tpu.memref_squeeze %dma_start3A_1225 : memref<1x4x8x128xf32, #tpu.memory_space<vmem>> -> memref<4x8x128xf32, #tpu.memory_space<vmem>>
        %dma_start3A_1227 = arith.constant 0 : i32
        %dma_start3A_1228 = arith.constant 0 : i32
        %dma_start3A_1229 = tpu.memref_slice %arg5[%dma_start3A_1227, %dma_start3A_1228, %multiple_of3A_1195] : memref<4x8x1000000xf32, #tpu.memory_space<hbm>> -> memref<4x8x128xf32, #tpu.memory_space<hbm>>
        tpu.enqueue_dma source(%dma_start3A_1229 : memref<4x8x128xf32, #tpu.memory_space<hbm>>) target(%dma_start3A_1226 : memref<4x8x128xf32, #tpu.memory_space<vmem>>) target_semaphore(%arg19 : memref<!tpu.dma_semaphore, #tpu.memory_space<semaphore_mem>>)
      } else {
      }
      %mul3A_1179 = arith.constant 8 : i32
      %mul3A_1180 = arith.muli %add3A_405, %mul3A_1179 : i32
      %swap3A = arith.index_cast %mul3A_1180 : i32 to index
      %swap3A_1181 = tpu.vector_load %arg11[%swap3A] {strides = array<i32>} : memref<528xf32, #tpu.memory_space<vmem>>, vector<16xf32>,
      tpu.vector_store %arg11[%swap3A], %select_n3A_1171 {strides = array<i32>} : memref<528xf32, #tpu.memory_space<vmem>>, vector<16xf32>,
    }
    %scan3A_395 = arith.constant 64 : i32
    %scan3A_396 = arith.constant 0 : i32
    %scan3A_397 = arith.constant 32 : i32
    %scan3A_398 = arith.addi %scan3A_396, %scan3A_397 : i32
    %scan3A_399 = arith.constant 1 : i32
    scf.for %scan3A_401 = %scan3A_396 to %scan3A_398 step %scan3A_399  : i32 {
      %mul3A_402 = arith.constant 1 : i32
      %mul3A_403 = arith.muli %scan3A_401, %mul3A_402 : i32
      %add3A_404 = arith.constant 0 : i32
      %add3A_405 = arith.addi %add3A_404, %mul3A_403 : i32
      %mul3A_406 = arith.constant 16 : i32
      %mul3A_407 = arith.muli %add3A_405, %mul3A_406 : i32
      %get3A_408 = arith.index_cast %mul3A_407 : i32 to index
      %get3A_409 = tpu.vector_load %arg11[%get3A_408] {strides = array<i32>} : memref<528xf32, #tpu.memory_space<vmem>>, vector<16xf32>,
      %neg3A = arith.constant 0.000000e+00 : f32
      %neg3A_410 = vector.broadcast %neg3A : f32 to vector<16xf32>
      %neg3A_411 = arith.subf %neg3A_410, %get3A_409 : vector<16xf32>
      %exp3A = math.exp %neg3A_411 : vector<16xf32>
      %add3A_412 = arith.constant 1.000000e+00 : f32
      %add3A_413 = vector.broadcast %add3A_412 : f32 to vector<16xf32>
      %add3A_414 = arith.addf %add3A_413, %exp3A : vector<16xf32>
      %div3A = arith.constant 1.000000e+00 : f32
      %div3A_415 = vector.broadcast %div3A : f32 to vector<16xf32>
      %div3A_416 = arith.divf %div3A_415, %add3A_414 : vector<16xf32>
      %swap3A = arith.index_cast %mul3A_407 : i32 to index
      %swap3A_417 = tpu.vector_load %arg11[%swap3A] {strides = array<i32>} : memref<528xf32, #tpu.memory_space<vmem>>, vector<16xf32>,
      tpu.vector_store %arg11[%swap3A], %div3A_416 {strides = array<i32>} : memref<528xf32, #tpu.memory_space<vmem>>, vector<16xf32>,
    }
    %scan3A_400 = arith.constant 32 : i32
    "tpu.region"() ({
      %run_scoped3A = tpu.sem_alloc : memref<!tpu.dma_semaphore, #tpu.memory_space<semaphore_mem>>
      %dma_start3A_401 = arith.constant 0 : i32
      %dma_start3A_402 = tpu.memref_slice %arg11[%dma_start3A_401] : memref<528xf32, #tpu.memory_space<vmem>> -> memref<512xf32, #tpu.memory_space<vmem>>
      %dma_start3A_403 = tpu.memref_slice %arg6[%mul3A_9] : memref<16384xf32, #tpu.memory_space<hbm>> -> memref<512xf32, #tpu.memory_space<hbm>>
      %dma_start3A_404 = tpu.memref_slice %arg6[%mul3A_9] : memref<16384xf32, #tpu.memory_space<hbm>> -> memref<512xf32, #tpu.memory_space<hbm>>
      %dma_start3A_405 = arith.constant 0 : i32
      %dma_start3A_406 = tpu.memref_slice %arg11[%dma_start3A_405] : memref<528xf32, #tpu.memory_space<vmem>> -> memref<512xf32, #tpu.memory_space<vmem>>
      tpu.enqueue_dma source(%dma_start3A_406 : memref<512xf32, #tpu.memory_space<vmem>>) target(%dma_start3A_404 : memref<512xf32, #tpu.memory_space<hbm>>) target_semaphore(%run_scoped3A : memref<!tpu.dma_semaphore, #tpu.memory_space<semaphore_mem>>)
      %dma_wait3A = arith.constant 0 : i32
      %dma_wait3A_407 = tpu.memref_slice %arg11[%dma_wait3A] : memref<528xf32, #tpu.memory_space<vmem>> -> memref<512xf32, #tpu.memory_space<vmem>>
      %dma_wait3A_408 = tpu.memref_slice %arg6[%mul3A_9] : memref<16384xf32, #tpu.memory_space<hbm>> -> memref<512xf32, #tpu.memory_space<hbm>>
      %dma_wait3A_409 = tpu.memref_slice %arg6[%mul3A_9] : memref<16384xf32, #tpu.memory_space<hbm>> -> memref<512xf32, #tpu.memory_space<hbm>>
      %dma_wait3A_410 = arith.constant 0 : i32
      %dma_wait3A_411 = tpu.memref_slice %arg11[%dma_wait3A_410] : memref<528xf32, #tpu.memory_space<vmem>> -> memref<512xf32, #tpu.memory_space<vmem>>
      tpu.wait_dma2 semaphore(%run_scoped3A : memref<!tpu.dma_semaphore, #tpu.memory_space<semaphore_mem>>) src(%dma_wait3A_411 : memref<512xf32, #tpu.memory_space<vmem>>) dst(%dma_wait3A_409 : memref<512xf32, #tpu.memory_space<hbm>>)
      tpu.yield
    }) : () -> ()
    return
  }
}

</mosaic_0001>

<sc_bundles>
// kernel: _run.3.cloned.1.call-start
scs
__scs_entry_jumppad:
0x0: {  	(pc) =	sbr.rel $0x88, $3  }
0x1: {  	(tag) =	ssettag $0x0;
	lr =	simm.s32 $0x1  }
0x2: {  	[smem:$0x3F9D] =	sst lr;
	_ =	strace $0xD0000000  }
0x3: {  	_ = 	snop  }
0x4: {  	_ = 	snop  }
0x5: {  	_ = 	snop  }
0x6: {  	_ = 	snop  }
0x7: {  	_ = 	snop  }
__scs_overlays_trampoline_lowered:
0x8: {  	[smem:$0x3FAC] =	sst s0  }
0x9: {  	[smem:$0x3FAD] =	sst s1  }
0xa: {  	[smem:$0x3FAE] =	sst s2  }
0xb: {  	[smem:$0x3FAF] =	sst s3  }
0xc: {  	[smem:$0x3FB0] =	sst s4  }
0xd: {  	[smem:$0x3FB1] =	sst s5  }
0xe: {  	[smem:$0x3FB2] =	sst s6  }
0xf: {  	[smem:$0x3FB3] =	sst s7  }
0x10: {  	[smem:$0x3FB4] =	sst s8  }
0x11: {  	[smem:$0x3FB5] =	sst s9;
	s0 =	simm.s32 @!p0 $0x0  }
0x12: {  	s1 =	sld [smem:$0x3F9B];
	s0 =	simm.s32 @p0 $0x1  }
0x13: {  	[smem:$0x3FB6] =	sst s0;
	s0 =	simm.s32 @!p1 $0x0  }
0x14: {  	s2 =	sld [smem:$0x3F9A];
	s0 =	simm.s32 @p1 $0x1  }
0x15: {  	[smem:$0x3FB7] =	sst s0;
	s0 =	simm.s32 @!p2 $0x0  }
0x16: {  	s3 =	sld [smem:$0x3FDB];
	s0 =	simm.s32 @p2 $0x1  }
0x17: {  	s4 =	simm.s32 $0x1BF5;
	[smem:$0x3FB9] =	sst s0  }
0x18: {  	s0 =	sld [smem:$0x3F9C];
	_ =	swait.ge [sflag:s4], $0x0  }
0x19: {  	s7 =	sld [smem:$0x3F9D]  }
0x1a: {  	s8 =	sadd.s32 $0xFFFFE003, lr  }
0x1b: {  	s9 =	sadd.s32 $0xFFFFFEF7, lr;
	s5 =	simm.s32 $0xFFFFFFFF;
	p2 =	slt.u32 s8, $0xFFFFF086  }
0x1c: {  	p1 =	slt.u32 s9, $0xF7A;
	s5 =	simm.s32 @!p2 $0x0  }
0x1d: {  	s5 =	simm.s32 @p1 $0x1;
	p0 =	seq.s32 s7, s2  }
0x1e: {  	s7 =	smul.u32 @!p0 $0xF7A, s2;
	p2 =	seq.s32 @!p0 s5, $0x0  }
0x1f: {  	s9 =	smul.u32 $0xF7A, s1;
	s8 =	simm.s32 @!p0 $0x1BF5;
	p2 =	por !p2, p0  }
0x20: {  	[sflag:s8] =	ssyncset.s32 @!p0 $0xFFFFF086;
	s6 =	sadd.s32 @!p0 s3, s7;
	s7 =	simm.s32 @!p0 $0x108  }
0x21: {  	s3 =	sadd.s32 s3, s9;
	s6 =	sadd.s32 @!p0 $0x88, s6;
	s7 =	simm.s32 @p2 $0x1082  }
0x22: {  	[simem:s7], [sflag:s8] =	dma.local @!p0 [hbm:s6], $0xF7A  }
0x23: {  	s9 =	sor.u32 $0xD0000000, s2;
	s6 =	simm.s32 $0x108;
	_ =	swait.ge @!p0 [sflag:s8], $0x0  }
0x24: {  	s3 =	sadd.s32 $0x88, s3;
	s6 =	simm.s32 @!p1 $0x1082;
	[sflag:s4] =	ssyncset.s32 $0xFFFFF086  }
0x25: {  	[simem:s6], [sflag:s4] =	dma.local [hbm:s3], $0xF7A  }
0x26: {  	[smem:$0x3F9D] =	sst s1;
	(tag) =	ssettag s2;
	_ =	strace s9  }
0x27: {  	s1 =	sld [smem:$0x3FAD]  }
0x28: {  	s2 =	sld [smem:$0x3FAE]  }
0x29: {  	s4 =	sld [smem:$0x3FB0]  }
0x2a: {  	p0 =	seq.s32 s5, $0x0;
	s5 =	sld [smem:$0x3FB1]  }
0x2b: {  	s6 =	sld [smem:$0x3FB2]  }
0x2c: {  	s7 =	sld [smem:$0x3FB3]  }
0x2d: {  	s3 =	simm.s32 $0x108;
	s8 =	sld [smem:$0x3FB4]  }
0x2e: {  	s3 =	simm.s32 @!p0 $0x1082;
	s9 =	sld [smem:$0x3FB5]  }
0x2f: {  	lr =	sadd.s32 s0, s3;
	s0 =	sld [smem:$0x3FAC]  }
0x30: {  	s3 =	sld [smem:$0x3FAF]  }
0x31: {  	[smem:$0x3FB8] =	sst s10  }
0x32: {  	s10 =	sld [smem:$0x3FB6];
	_ =	sdelay $0x3  }
0x33: {  	p0 =	seq.s32 s10, $0x1;
	s10 =	sld [smem:$0x3FB8];
	_ =	sdelay $0x3  }
0x34: {  	[smem:$0x3FB8] =	sst s10  }
0x35: {  	s10 =	sld [smem:$0x3FB7];
	_ =	sdelay $0x3  }
0x36: {  	p1 =	seq.s32 s10, $0x1;
	s10 =	sld [smem:$0x3FB8];
	_ =	sdelay $0x3  }
0x37: {  	[smem:$0x3FB8] =	sst s10  }
0x38: {  	s10 =	sld [smem:$0x3FB9]  }
0x39: {  	_ = 	snop;
	(pc) =	sbr.ind lr, $3  }
0x3a: {  	_ = 	snop  }
0x3b: {  	_ = 	snop  }
0x3c: {  	p2 =	seq.s32 s10, $0x1;
	s10 =	sld [smem:$0x3FB8]  }
0x3d: {  	_ =	shalt  }
0x3e: {  	_ =	shalt  }
0x3f: {  	_ =	shalt  }
0x40: {  	_ =	shalt  }
0x41: {  	_ =	shalt  }
0x42: {  	_ =	shalt  }
0x43: {  	_ =	shalt  }
0x44: {  	_ =	shalt  }
0x45: {  	_ =	shalt  }
0x46: {  	_ =	shalt  }
0x47: {  	_ =	shalt  }
0x48: {  	_ =	shalt  }
0x49: {  	_ =	shalt  }
0x4a: {  	_ =	shalt  }
0x4b: {  	_ =	shalt  }
0x4c: {  	_ =	shalt  }
0x4d: {  	_ =	shalt  }
0x4e: {  	_ =	shalt  }
0x4f: {  	_ =	shalt  }
0x50: {  	_ =	shalt  }
0x51: {  	_ =	shalt  }
0x52: {  	_ =	shalt  }
0x53: {  	_ =	shalt  }
0x54: {  	_ =	shalt  }
0x55: {  	_ =	shalt  }
0x56: {  	_ =	shalt  }
0x57: {  	_ =	shalt  }
0x58: {  	_ =	shalt  }
0x59: {  	_ =	shalt  }
0x5a: {  	_ =	shalt  }
0x5b: {  	_ =	shalt  }
0x5c: {  	_ =	shalt  }
0x5d: {  	_ =	shalt  }
0x5e: {  	_ =	shalt  }
0x5f: {  	_ =	shalt  }
0x60: {  	_ =	shalt  }
0x61: {  	_ =	shalt  }
0x62: {  	_ =	shalt  }
0x63: {  	_ =	shalt  }
0x64: {  	_ =	shalt  }
0x65: {  	_ =	shalt  }
0x66: {  	_ =	shalt  }
0x67: {  	_ =	shalt  }
0x68: {  	_ =	shalt  }
0x69: {  	_ =	shalt  }
0x6a: {  	_ =	shalt  }
0x6b: {  	_ =	shalt  }
0x6c: {  	_ =	shalt  }
0x6d: {  	_ =	shalt  }
0x6e: {  	_ =	shalt  }
0x6f: {  	_ =	shalt  }
0x70: {  	_ =	shalt  }
0x71: {  	_ =	shalt  }
0x72: {  	_ =	shalt  }
0x73: {  	_ =	shalt  }
0x74: {  	_ =	shalt  }
0x75: {  	_ =	shalt  }
0x76: {  	_ =	shalt  }
0x77: {  	_ =	shalt  }
0x78: {  	_ =	shalt  }
0x79: {  	_ =	shalt  }
0x7a: {  	_ =	shalt  }
0x7b: {  	_ =	shalt  }
0x7c: {  	_ =	shalt  }
0x7d: {  	_ =	shalt  }
0x7e: {  	_ =	shalt  }
0x7f: {  	_ =	shalt  }
0x80: {  	_ =	shalt  }
0x81: {  	_ =	shalt  }
0x82: {  	_ =	shalt  }
0x83: {  	_ =	shalt  }
0x84: {  	_ =	shalt  }
0x85: {  	_ =	shalt  }
0x86: {  	_ =	shalt  }
0x87: {  	_ =	shalt  }
.Lfunc_end0:
.L_simem_size_0:
called_computation_lowered:
.L_overlay_start_0:
0x88: {  	s2 =	sld [smem:$0x3FD9]  }
0x89: {  	s3 =	sld [smem:$0x3FFE];
	_ =	sdelay $0x1  }
0x8a: {  	s1 =	srdreg.scid  }
0x8b: {  	s0 =	sand.u32 $0x1, s1  }
0x8c: {  	s18 =	sshll.u32 s0, $0xA;
	s2 =	sadd.s32 s3, s2  }
0x8d: {  	s2 =	sadd.s32 s2, s18  }
0x8e: {  	[smem:$0x3FC4] =	sst s2  }
0x8f: {  	_ = 	snop  }
0x90: {  	s2 =	sld [smem:$0x3FC9]  }
0x91: {  	s19 =	sld [smem:$0x3FC8]  }
0x92: {  	s4 =	sld [smem:$0x3FC7]  }
0x93: {  	s5 =	sld [smem:$0x3FC6]  }
0x94: {  	s6 =	sld [smem:$0x3FD0];
	(tm) =	ssettm $0x1  }
0x95: {  	s7 =	sld [smem:$0x3FFB];
	_ =	sdelay $0x3  }
0x96: {  	_ =	strace s7  }
0x97: {  	s7 =	sld [smem:$0x3FFC];
	_ =	sdelay $0x3  }
0x98: {  	_ =	strace s7  }
0x99: {  	s7 =	sld [smem:$0x3FFD];
	_ =	sdelay $0x3  }
0x9a: {  	_ =	strace s7  }
0x9b: {  	_ =	strace $0x8FFFFFFF  }
0x9c: {  	s20 =	sld [smem:$0x3FDB];
	_ =	sdelay $0x1  }
0x9d: {  	s8 =	simm.s32 $_scs_section_size  }
0x9e: {  	s9 =	simm.s32 $_size__tile_overlayer_lowered;
	s10 =	simm.s32 $_tile_overlayer_lowered  }
0x9f: {  	s23 =	simm.s32 $0x1BFF;
	s22 =	sshll.u32 s10, $0x1;
	s7 =	sadd.s32 s8, s20  }
0xa0: {  	s11 =	simm.s32 $0x0;
	s21 =	sshll.u32 s9, $0x1;
	s9 =	sadd.s32 s22, s7  }
0xa1: {  	[timem:s11], [sflag:s23] =	dma.local [hbm:s9], s21  }
0xa2: {  	_ =	swait.ge [sflag:s23], s21  }
0xa3: {  	s8 =	ssub.s32 $0x0, s21;
	[sflag:s23] =	ssyncset.done $0x0  }
0xa4: {  	[sflag:s23] =	ssyncadd.s32 s8;
	_ =	sdelay $0x1  }
0xa5: {  	s24 =	simm.s32 $0x1B8B  }
0xa6: {  	_ =	swait.ge [sflag:s24], $0x1  }
0xa7: {  	[sflag:s24] =	ssyncset.done $0x0  }
0xa8: {  	s25 =	simm.s32 $0x1B8E;
	[sflag:s24] =	ssyncadd.s32 $0xFFFFFFFF  }
0xa9: {  	s26 =	simm.s32 $execute0_lowered;
	[smem:$0x3FD2] =	sst s25  }
0xaa: {  	s8 =	sshll.u32 s26, $0x1;
	_ =	strace $0x80000046;
	[dreg:$0x1] =	wrdreg $0xFFFFFFFF  }
0xab: {  	s28 =	simm.s32 $_size_execute0_lowered;
	s7 =	sadd.s32 s7, s8;
	[dreg:$0x0] =	wrdreg $0x0  }
0xac: {  	s8 =	sshll.u32 s28, $0x1;
	[dreg:$0x2] =	wrdreg s7  }
0xad: {  	[dreg:$0x3] =	wrdreg s8  }
0xae: {  	[dreg:$0x4] =	wrdreg $0xC0  }
0xaf: {  	_ =	task [dreg:s11], $0x5FFFF  }
0xb0: {  	[dreg:$0x1] =	wrdreg $0xFFFFFFFF  }
0xb1: {  	[dreg:$0x0] =	wrdreg $0x60  }
0xb2: {  	[dreg:$0x2] =	wrdreg s2  }
0xb3: {  	[dreg:$0x3] =	wrdreg s19  }
0xb4: {  	[dreg:$0x4] =	wrdreg s4  }
0xb5: {  	[dreg:$0x5] =	wrdreg s5  }
0xb6: {  	[dreg:$0x6] =	wrdreg s6  }
0xb7: {  	[dreg:$0x7] =	wrdreg $0x9  }
0xb8: {  	_ =	task.clear_ibuf [dreg:s11], $0x8FFFF;
	_ =	strace $0x90000046  }
0xb9: {  	s29 =	simm.s32 $0x9;
	_ =	strace $0x80000048  }
0xba: {  	_ =	swait.ge [sflag:s29], $0x1  }
0xbb: {  	[sflag:s29] =	ssyncadd.s32 $0xFFFFFFFF  }
0xbc: {  	_ =	strace $0x90000048  }
0xbd: {  	_ =	sfence  }
0xbe: {  	s30 =	sld [smem:$0x0];
	_ =	sdelay $0x2  }
0xbf: {  	s31 =	sshll.u32 s1, $0xD;
	s1 =	sshrl.u32 s1, $0x2  }
0xc0: {  	s3 =	sand.u32 $0x4000, s31;
	s1 =	sadd.s32 s1, s30  }
0xc1: {  	s0 =	sor.u32 s3, s0;
	s1 =	sshll.u32 s1, $0x11  }
0xc2: {  	s0 =	sor.u32 s1, s0  }
0xc3: {  	s0 =	sadd.s32 $0x8F2B, s0  }
0xc4: {  	[sflag:s0] =	ssyncadd.remote.s32 $0x1  }
0xc5: {  	_ =	sfence.sel $0xFFFF  }
0xc6: {  	[dreg:$0x0] =	wrdreg $0xFFFFFFFF;
	(pc) =	sbr.abs _section_cstart, $3  }
0xc7: {  	[dreg:$0x1] =	wrdreg $0xFFFFFFFF  }
0xc8: {  	_ =	task.clear_ibuf [dreg:s11], $0x2FFFF;
	_ =	strace $0x9FFFFFFF  }
0xc9: {  	(tm) =	ssettm $0x7FFFFFFF  }
tec
execute0_lowered:
.L_overlay_start_1:
0x0: {  	(tag) =	ssettag $0x1  }
0x1: {  	s0 =	rddreg [dreg:$0x0]  }
0x2: {  	s3 =	rddreg [dreg:$0x1]  }
0x3: {  	s1 =	rddreg [dreg:$0x2]  }
0x4: {  	s2 =	rddreg [dreg:$0x3]  }
0x5: {  	s4 =	rddreg [dreg:$0x4];
	s5 =	srdreg.scid  }
0x6: {  	s9 =	simm.s32 $0x0;
	s7 =	stileid.u32;
	s16 =	simm.s32 $0x500  }
0x7: {  	s17 =	simm.s32 $0x8500;
	s18 =	simm.s32 $0x1500;
	s19 =	simm.s32 $0x9500  }
0x8: {  	s20 =	simm.s32 $0x2500;
	s21 =	simm.s32 $0xA500;
	s22 =	simm.s32 $0x3500  }
0x9: {  	s23 =	simm.s32 $0xB500;
	s11 =	simm.s32 $0xD500;
	s12 =	simm.s32 $0x6500  }
0xa: {  	s28 =	simm.s32 $0xE500;
	s15 =	simm.s32 $0x7500;
	s29 =	simm.s32 $0xF500  }
0xb: {  	s30 =	simm.s32 $0x1;
	s31 =	simm.s32 $0x2;
	s10 =	simm.s32 $0x5  }
0xc: {  	s13 =	simm.s32 $0x0;
	s5 =	sand.u32 $0x1, s5;
	s7 =	sshll.u32 s7, $0x7  }
0xd: {  	[smem:$0x7FF] =	sst s9;
	s6 =	ssub.s32 $0x2, s5;
	s5 =	sshll.u32 s5, $0x6  }
0xe: {  	_ =	strace $0x80000047;
	s8 =	sshrl.u32 s6, $0x1;
	s5 =	sor.u32 s5, s7  }
0xf: {  	s7 =	simm.s32 $0x8;
	s6 =	ssub.s32 s6, s8;
	s0 =	sadd.s32 s0, s5  }
0x10: {  	s24 =	sadd.s32 s3, s5;
	s25 =	sadd.s32 s4, s5;
	[dreg:$0x6] =	wrdreg s0  }
0x11: {  	v0 =	vlaneseq.u32;
	vm0 =	vmmov $0x1;
	s8 =	simm.s32 $0x9;
	s3 =	simm.s32 $0x4;
	[dreg:$0x7] =	wrdreg s24  }
0x12: {  	vm1 =	vcmask $0x704;
	vm2 =	vcmask $0xB08;
	v0 =	vmul.u32 $0x80, v0;
	s5 =	simm.s32 $0x6;
	[dreg:$0x8] =	wrdreg s25;
	s26 =	smax.u32 s6, $0x1  }
0x13: {  	vm3 =	vcmask $0xF0C;
	vm4 =	vcmask $0x1310;
	vm5 =	vcmask $0x1714;
	s24 =	simm.s32 $0x4500;
	s25 =	simm.s32 $0xC500;
	s0 =	simm.s32 $0x3  }
0x14: {  	vm6 =	vcmask $0x1B18;
	vm7 =	vcmask $0x1F1C;
	v1 =	vor.u32 $0x800, v0;
	s6 =	simm.s32 $0x7;
	[dreg:$0x9] =	wrdreg s26;
	s26 =	simm.s32 $0x5500  }
.LBB2_1:
0x15: {  	[dreg:$0xa] =	wrdreg s13  }
0x16: {  	s4 =	rddreg [dreg:$0x6]  }
0x17: {  	[tilespmem:s9], [sflag:$0x9] =	stream.linear.gather [hbm4b:s4+s9], $0x200, $0x38;
	[tilespmem:$0x10780] =	vst v63  }
0x18: {  	_ =	swait.ge [sflag:s8], $0x200  }
0x19: {  	[sflag:s8] =	ssyncset.done $0x0  }
0x1a: {  	s14 =	simm.s32 $0x280;
	s13 =	rddreg [dreg:$0x7];
	[sflag:s8] =	ssyncadd.s32 $0xFFFFFE00  }
0x1b: {  	[tilespmem:s14], [sflag:$0x9] =	stream.linear.gather [hbm4b:s13+s9], $0x200, $0x38;
	[tilespmem:$0x10780] =	vst v63  }
0x1c: {  	_ =	swait.ge [sflag:s8], $0x200  }
0x1d: {  	[sflag:s8] =	ssyncset.done $0x0  }
0x1e: {  	[sflag:s8] =	ssyncadd.s32 $0xFFFFFE00  }
0x1f: {  	v2 =	vld [tilespmem:$0x0];
	_ =	sdelay $0x3  }
0x20: {  	v3 =	vld [tilespmem:$0x280]  }
0x21: {  	(v2sf) =	vpush v2, $0x0;
	_ =	sdelay $0x3  }
0x22: {  	(v2sf) =	vpush v3, $0x0;
	_ =	sdelay $0x1  }
0x23: {  	(v2sf) =	vpush v2, $0x1;
	_ =	sdelay $0x2  }
0x24: {  	(v2sf) =	vpush v3, $0x1;
	_ =	sdelay $0x5  }
0x25: {  	s14 =	spop (v2sf);
	(v2sf) =	vpush v2, $0x2  }
0x26: {  	s4 =	sand.u32 $0xFFFFF80, s14  }
0x27: {  	s9 =	simm.s32 $0x7A1400;
	s8 =	simm.s32 $0x400;
	s4 =	sadd.s32 s1, s4  }
0x28: {  	[tilespmem:s16], [sflag:$0x1] =	stream.strided.gather [hbm4b:s4+s8], $0x1000, s9, s8, $0x38;
	[tilespmem:$0x10780] =	vst v63  }
0x29: {  	s16 =	spop (v2sf);
	(v2sf) =	vpush v3, $0x2;
	_ =	sdelay $0x1  }
0x2a: {  	s13 =	spop (v2sf);
	(v2sf) =	vpush v2, $0x3;
	_ =	sdelay $0x2  }
0x2b: {  	s14 =	spop (v2sf);
	(v2sf) =	vpush v3, $0x3;
	_ =	sdelay $0x2  }
0x2c: {  	s4 =	sand.u32 $0xFFFFF80, s16  }
0x2d: {  	s4 =	sadd.s32 s2, s4  }
0x2e: {  	[tilespmem:s17], [sflag:$0x1] =	stream.strided.gather [hbm4b:s4+s8], $0x1000, s9, s8, $0x38;
	[tilespmem:$0x10780] =	vst v63  }
0x2f: {  	s4 =	sand.u32 $0xFFFFF80, s13;
	s16 =	spop (v2sf);
	(v2sf) =	vpush v2, $0x4  }
0x30: {  	s4 =	sadd.s32 s1, s4  }
0x31: {  	[tilespmem:s18], [sflag:$0x2] =	stream.strided.gather [hbm4b:s4+s8], $0x1000, s9, s8, $0x38;
	[tilespmem:$0x10780] =	vst v63  }
0x32: {  	s4 =	sand.u32 $0xFFFFF80, s14  }
0x33: {  	s4 =	sadd.s32 s2, s4;
	s17 =	spop (v2sf);
	(v2sf) =	vpush v3, $0x4  }
0x34: {  	[tilespmem:s19], [sflag:$0x2] =	stream.strided.gather [hbm4b:s4+s8], $0x1000, s9, s8, $0x38;
	[tilespmem:$0x10780] =	vst v63  }
0x35: {  	s4 =	sand.u32 $0xFFFFF80, s16;
	s18 =	spop (v2sf);
	(v2sf) =	vpush v2, $0x5  }
0x36: {  	s4 =	sadd.s32 s1, s4  }
0x37: {  	[tilespmem:s20], [sflag:$0x3] =	stream.strided.gather [hbm4b:s4+s8], $0x1000, s9, s8, $0x38;
	[tilespmem:$0x10780] =	vst v63  }
0x38: {  	s4 =	sand.u32 $0xFFFFF80, s17;
	s19 =	spop (v2sf);
	(v2sf) =	vpush v3, $0x5  }
0x39: {  	s4 =	sadd.s32 s2, s4  }
0x3a: {  	[tilespmem:s21], [sflag:$0x3] =	stream.strided.gather [hbm4b:s4+s8], $0x1000, s9, s8, $0x38;
	[tilespmem:$0x10780] =	vst v63  }
0x3b: {  	s4 =	sand.u32 $0xFFFFF80, s18  }
0x3c: {  	s4 =	sadd.s32 s1, s4  }
0x3d: {  	[tilespmem:s22], [sflag:$0x4] =	stream.strided.gather [hbm4b:s4+s8], $0x1000, s9, s8, $0x38;
	[tilespmem:$0x10780] =	vst v63  }
0x3e: {  	s4 =	sand.u32 $0xFFFFF80, s19;
	s20 =	spop (v2sf);
	(v2sf) =	vpush v2, $0x6  }
0x3f: {  	s4 =	sadd.s32 s2, s4  }
0x40: {  	[tilespmem:s23], [sflag:$0x4] =	stream.strided.gather [hbm4b:s4+s8], $0x1000, s9, s8, $0x38;
	[tilespmem:$0x10780] =	vst v63  }
0x41: {  	s4 =	sand.u32 $0xFFFFF80, s20  }
0x42: {  	s4 =	sadd.s32 s1, s4;
	s21 =	spop (v2sf);
	(v2sf) =	vpush v3, $0x6  }
0x43: {  	[tilespmem:s24], [sflag:$0x5] =	stream.strided.gather [hbm4b:s4+s8], $0x1000, s9, s8, $0x38;
	[tilespmem:$0x10780] =	vst v63  }
0x44: {  	s4 =	sand.u32 $0xFFFFF80, s21;
	s22 =	spop (v2sf);
	(v2sf) =	vpush v2, $0x7  }
0x45: {  	s4 =	sadd.s32 s2, s4  }
0x46: {  	[tilespmem:s25], [sflag:$0x5] =	stream.strided.gather [hbm4b:s4+s8], $0x1000, s9, s8, $0x38;
	[tilespmem:$0x10780] =	vst v63  }
0x47: {  	s23 =	spop (v2sf);
	(v2sf) =	vpush v3, $0x7;
	s4 =	sand.u32 $0xFFFFF80, s22  }
0x48: {  	s4 =	sadd.s32 s1, s4  }
0x49: {  	[tilespmem:s26], [sflag:$0x6] =	stream.strided.gather [hbm4b:s4+s8], $0x1000, s9, s8, $0x38;
	[tilespmem:$0x10780] =	vst v63  }
0x4a: {  	s4 =	sand.u32 $0xFFFFF80, s23  }
0x4b: {  	s4 =	sadd.s32 s2, s4  }
0x4c: {  	[tilespmem:s11], [sflag:$0x6] =	stream.strided.gather [hbm4b:s4+s8], $0x1000, s9, s8, $0x38;
	[tilespmem:$0x10780] =	vst v63  }
0x4d: {  	s24 =	spop (v2sf)  }
0x4e: {  	s4 =	sand.u32 $0xFFFFF80, s24  }
0x4f: {  	s4 =	sadd.s32 s1, s4  }
0x50: {  	[tilespmem:s12], [sflag:$0x7] =	stream.strided.gather [hbm4b:s4+s8], $0x1000, s9, s8, $0x38;
	[tilespmem:$0x10780] =	vst v63  }
0x51: {  	s25 =	spop (v2sf)  }
0x52: {  	s4 =	sand.u32 $0xFFFFF80, s25  }
0x53: {  	s26 =	spop (v2sf);
	s4 =	sadd.s32 s2, s4  }
0x54: {  	[tilespmem:s28], [sflag:$0x7] =	stream.strided.gather [hbm4b:s4+s8], $0x1000, s9, s8, $0x38;
	[tilespmem:$0x10780] =	vst v63  }
0x55: {  	s4 =	sand.u32 $0xFFFFF80, s26  }
0x56: {  	s28 =	spop (v2sf);
	s4 =	sadd.s32 s1, s4  }
0x57: {  	[tilespmem:s15], [sflag:$0x8] =	stream.strided.gather [hbm4b:s4+s8], $0x1000, s9, s8, $0x38;
	[tilespmem:$0x10780] =	vst v63  }
0x58: {  	s4 =	sand.u32 $0xFFFFF80, s28  }
0x59: {  	s4 =	sadd.s32 s2, s4  }
0x5a: {  	[tilespmem:s29], [sflag:$0x8] =	stream.strided.gather [hbm4b:s4+s8], $0x1000, s9, s8, $0x38;
	[tilespmem:$0x10780] =	vst v63  }
0x5b: {  	s4 =	simm.s32 $0x0  }
.LBB2_2:
0x5c: {  	s9 =	sshra.s32 s4, $0x2  }
0x5d: {  	v4 =	vld [tilespmem:s9+$0x0]  }
0x5e: {  	v5 =	vld [tilespmem:s9+$0x280]  }
0x5f: {  	v2 =	vld [tilespmem:s9+$0x8]  }
0x60: {  	v3 =	vld [tilespmem:s9+$0x288];
	_ =	swait.ge [sflag:s30], $0x1000  }
0x61: {  	[sflag:s30] =	ssyncset.done $0x0  }
0x62: {  	[sflag:s30] =	ssyncadd.s32 $0xFFFFF000  }
0x63: {  	_ =	swait.ge [sflag:s30], $0x1000  }
0x64: {  	(v2sf) =	vpush v4, $0x0;
	_ =	sdelay $0x1  }
0x65: {  	(v2sf) =	vpush v5, $0x0;
	_ =	sdelay $0xc  }
0x66: {  	s8 =	spop (v2sf)  }
0x67: {  	s8 =	sand.u32 $0x7F, s8  }
0x68: {  	s13 =	spop (v2sf);
	v6 =	vor.u32 s8, v0  }
0x69: {  	s13 =	sand.u32 $0x7F, s13;
	v7 =	vor.u32 s8, v1  }
0x6a: {  	v8 =	vor.u32 s13, v0  }
0x6b: {  	[sflag:s30] =	ssyncset.done $0x0;
	v9 =	vor.u32 s13, v1  }
0x6c: {  	p0 =	seq.s32 s4, $0x7E0;
	s19 =	simm.s32 $0x500;
	[sflag:s30] =	ssyncadd.s32 $0xFFFFF000  }
0x6d: {  	(v2sf) =	vpush @!p0 v2, $0x0;
	v6 =	vld.idx.msk [tilespmem:v6+s19+$0x0], $0xffff  }
0x6e: {  	s20 =	simm.s32 $0x8500;
	v7 =	vld.idx.msk [tilespmem:v7+s19+$0x0], $0xffff  }
0x6f: {  	v8 =	vld.idx.msk [tilespmem:v8+s20+$0x0], $0xffff  }
0x70: {  	v9 =	vld.idx.msk [tilespmem:v9+s20+$0x0], $0xffff  }
0x71: {  	(v2sf) =	vpush @!p0 v3, $0x0;
	_ =	sdelay $0x3  }
0x72: {  	v6 =	vmul.f32 v8, v6;
	v7 =	vmul.f32 v9, v7;
	_ =	sdelay $0x1  }
0x73: {  	v6 =	vadd.f32 v7, v6;
	_ =	sdelay $0x1  }
0x74: {  	(xrf2) =	vadd.scan.msk.f32 $0xffff, v6;
	_ =	sdelay $0x2  }
0x75: {  	s8 =	spop @!p0 (v2sf)  }
0x76: {  	s15 =	simm.s32 @!p0 $0x500;
	s8 =	sand.u32 @!p0 $0xFFFFF80, s8  }
0x77: {  	s13 =	simm.s32 @!p0 $0x7A1400;
	s14 =	sadd.s32 @!p0 s1, s8;
	s8 =	simm.s32 @!p0 $0x400  }
0x78: {  	[tilespmem:s15], [sflag:$0x1] =	stream.strided.gather @!p0 [hbm4b:s14+s8], $0x1000, s13, s8, $0x38;
	[tilespmem:$0x10780] =	vst v63  }
0x79: {  	s14 =	spop @!p0 (v2sf)  }
0x7a: {  	s14 =	sand.u32 @!p0 $0xFFFFF80, s14  }
0x7b: {  	s15 =	simm.s32 @!p0 $0x8500;
	s14 =	sadd.s32 @!p0 s2, s14  }
0x7c: {  	[tilespmem:s15], [sflag:$0x1] =	stream.strided.gather @!p0 [hbm4b:s14+s8], $0x1000, s13, s8, $0x38;
	v6, _, _ =	vpop (xrf2);
	[tilespmem:$0x10780] =	vst v63  }
0x7d: {  	_ =	swait.ge [sflag:s31], $0x1000  }
0x7e: {  	[sflag:s31] =	ssyncset.done $0x0  }
0x7f: {  	[sflag:s31] =	ssyncadd.s32 $0xFFFFF000  }
0x80: {  	_ =	swait.ge [sflag:s31], $0x1000  }
0x81: {  	(v2sf) =	vpush v4, $0x1;
	_ =	sdelay $0x1  }
0x82: {  	(v2sf) =	vpush v5, $0x1;
	_ =	sdelay $0xc  }
0x83: {  	s21 =	spop (v2sf)  }
0x84: {  	s14 =	sand.u32 $0x7F, s21  }
0x85: {  	s22 =	spop (v2sf);
	v7 =	vor.u32 s14, v0  }
0x86: {  	s15 =	sand.u32 $0x7F, s22;
	v45 =	vor.u32 s14, v1  }
0x87: {  	v46 =	vor.u32 s15, v0  }
0x88: {  	[sflag:s31] =	ssyncset.done $0x0;
	v10 =	vor.u32 s15, v1  }
0x89: {  	s23 =	simm.s32 $0x1500;
	[sflag:s31] =	ssyncadd.s32 $0xFFFFF000  }
0x8a: {  	(v2sf) =	vpush @!p0 v2, $0x1;
	v7 =	vld.idx.msk [tilespmem:v7+s23+$0x0], $0xffff  }
0x8b: {  	s24 =	simm.s32 $0x9500;
	v8 =	vld.idx.msk [tilespmem:v45+s23+$0x0], $0xffff  }
0x8c: {  	v9 =	vld.idx.msk [tilespmem:v46+s24+$0x0], $0xffff  }
0x8d: {  	v10 =	vld.idx.msk [tilespmem:v10+s24+$0x0], $0xffff  }
0x8e: {  	(v2sf) =	vpush @!p0 v3, $0x1;
	_ =	sdelay $0x3  }
0x8f: {  	v7 =	vmul.f32 v9, v7;
	v8 =	vmul.f32 v10, v8;
	_ =	sdelay $0x1  }
0x90: {  	v7 =	vadd.f32 v8, v7;
	_ =	sdelay $0x1  }
0x91: {  	(xrf2) =	vadd.scan.msk.f32 $0xffff, v7;
	_ =	sdelay $0x2  }
0x92: {  	s14 =	spop @!p0 (v2sf)  }
0x93: {  	s14 =	sand.u32 @!p0 $0xFFFFF80, s14  }
0x94: {  	s15 =	simm.s32 @!p0 $0x1500;
	s14 =	sadd.s32 @!p0 s1, s14  }
0x95: {  	[tilespmem:s15], [sflag:$0x2] =	stream.strided.gather @!p0 [hbm4b:s14+s8], $0x1000, s13, s8, $0x38;
	[tilespmem:$0x10780] =	vst v63  }
0x96: {  	s14 =	spop @!p0 (v2sf)  }
0x97: {  	s14 =	sand.u32 @!p0 $0xFFFFF80, s14  }
0x98: {  	s15 =	simm.s32 @!p0 $0x9500;
	s14 =	sadd.s32 @!p0 s2, s14  }
0x99: {  	[tilespmem:s15], [sflag:$0x2] =	stream.strided.gather @!p0 [hbm4b:s14+s8], $0x1000, s13, s8, $0x38;
	v7, _, _ =	vpop (xrf2);
	[tilespmem:$0x10780] =	vst v63  }
0x9a: {  	_ =	swait.ge [sflag:s0], $0x1000  }
0x9b: {  	[sflag:s0] =	ssyncset.done $0x0  }
0x9c: {  	[sflag:s0] =	ssyncadd.s32 $0xFFFFF000  }
0x9d: {  	_ =	swait.ge [sflag:s0], $0x1000  }
0x9e: {  	(v2sf) =	vpush v4, $0x2;
	_ =	sdelay $0x1  }
0x9f: {  	(v2sf) =	vpush v5, $0x2;
	_ =	sdelay $0xc  }
0xa0: {  	s25 =	spop (v2sf)  }
0xa1: {  	s14 =	sand.u32 $0x7F, s25  }
0xa2: {  	s26 =	spop (v2sf);
	v47 =	vor.u32 s14, v0  }
0xa3: {  	s15 =	sand.u32 $0x7F, s26;
	v48 =	vor.u32 s14, v1  }
0xa4: {  	v49 =	vor.u32 s15, v0  }
0xa5: {  	[sflag:s0] =	ssyncset.done $0x0;
	v11 =	vor.u32 s15, v1  }
0xa6: {  	s11 =	simm.s32 $0x2500;
	[sflag:s0] =	ssyncadd.s32 $0xFFFFF000  }
0xa7: {  	(v2sf) =	vpush @!p0 v2, $0x2;
	v8 =	vld.idx.msk [tilespmem:v47+s11+$0x0], $0xffff  }
0xa8: {  	s12 =	simm.s32 $0xA500;
	v9 =	vld.idx.msk [tilespmem:v48+s11+$0x0], $0xffff  }
0xa9: {  	v10 =	vld.idx.msk [tilespmem:v49+s12+$0x0], $0xffff  }
0xaa: {  	v11 =	vld.idx.msk [tilespmem:v11+s12+$0x0], $0xffff  }
0xab: {  	(v2sf) =	vpush @!p0 v3, $0x2;
	_ =	sdelay $0x3  }
0xac: {  	v8 =	vmul.f32 v10, v8;
	v9 =	vmul.f32 v11, v9;
	_ =	sdelay $0x1  }
0xad: {  	v8 =	vadd.f32 v9, v8;
	_ =	sdelay $0x1  }
0xae: {  	(xrf2) =	vadd.scan.msk.f32 $0xffff, v8;
	_ =	sdelay $0x2  }
0xaf: {  	s14 =	spop @!p0 (v2sf)  }
0xb0: {  	s14 =	sand.u32 @!p0 $0xFFFFF80, s14  }
0xb1: {  	s15 =	simm.s32 @!p0 $0x2500;
	s14 =	sadd.s32 @!p0 s1, s14  }
0xb2: {  	[tilespmem:s15], [sflag:$0x3] =	stream.strided.gather @!p0 [hbm4b:s14+s8], $0x1000, s13, s8, $0x38;
	[tilespmem:$0x10780] =	vst v63  }
0xb3: {  	s14 =	spop @!p0 (v2sf)  }
0xb4: {  	s14 =	sand.u32 @!p0 $0xFFFFF80, s14  }
0xb5: {  	s15 =	simm.s32 @!p0 $0xA500;
	s14 =	sadd.s32 @!p0 s2, s14  }
0xb6: {  	[tilespmem:s15], [sflag:$0x3] =	stream.strided.gather @!p0 [hbm4b:s14+s8], $0x1000, s13, s8, $0x38;
	v8, _, _ =	vpop (xrf2);
	[tilespmem:$0x10780] =	vst v63  }
0xb7: {  	_ =	swait.ge [sflag:s3], $0x1000  }
0xb8: {  	[sflag:s3] =	ssyncset.done $0x0  }
0xb9: {  	[sflag:s3] =	ssyncadd.s32 $0xFFFFF000  }
0xba: {  	_ =	swait.ge [sflag:s3], $0x1000  }
0xbb: {  	(v2sf) =	vpush v4, $0x3;
	_ =	sdelay $0x1  }
0xbc: {  	(v2sf) =	vpush v5, $0x3;
	_ =	sdelay $0xc  }
0xbd: {  	s15 =	spop (v2sf)  }
0xbe: {  	s14 =	sand.u32 $0x7F, s15  }
0xbf: {  	s22 =	spop (v2sf);
	v50 =	vor.u32 s14, v0  }
0xc0: {  	s15 =	sand.u32 $0x7F, s22;
	v51 =	vor.u32 s14, v1  }
0xc1: {  	v52 =	vor.u32 s15, v0  }
0xc2: {  	[sflag:s3] =	ssyncset.done $0x0;
	v12 =	vor.u32 s15, v1  }
0xc3: {  	s23 =	simm.s32 $0x3500;
	[sflag:s3] =	ssyncadd.s32 $0xFFFFF000  }
0xc4: {  	(v2sf) =	vpush @!p0 v2, $0x3;
	v9 =	vld.idx.msk [tilespmem:v50+s23+$0x0], $0xffff  }
0xc5: {  	s24 =	simm.s32 $0xB500;
	v10 =	vld.idx.msk [tilespmem:v51+s23+$0x0], $0xffff  }
0xc6: {  	v11 =	vld.idx.msk [tilespmem:v52+s24+$0x0], $0xffff  }
0xc7: {  	v12 =	vld.idx.msk [tilespmem:v12+s24+$0x0], $0xffff  }
0xc8: {  	(v2sf) =	vpush @!p0 v3, $0x3;
	_ =	sdelay $0x3  }
0xc9: {  	v9 =	vmul.f32 v11, v9;
	v10 =	vmul.f32 v12, v10;
	_ =	sdelay $0x1  }
0xca: {  	v9 =	vadd.f32 v10, v9;
	_ =	sdelay $0x1  }
0xcb: {  	(xrf2) =	vadd.scan.msk.f32 $0xffff, v9;
	_ =	sdelay $0x2  }
0xcc: {  	s14 =	spop @!p0 (v2sf)  }
0xcd: {  	s14 =	sand.u32 @!p0 $0xFFFFF80, s14  }
0xce: {  	s15 =	simm.s32 @!p0 $0x3500;
	s14 =	sadd.s32 @!p0 s1, s14  }
0xcf: {  	[tilespmem:s15], [sflag:$0x4] =	stream.strided.gather @!p0 [hbm4b:s14+s8], $0x1000, s13, s8, $0x38;
	[tilespmem:$0x10780] =	vst v63  }
0xd0: {  	s14 =	spop @!p0 (v2sf)  }
0xd1: {  	s14 =	sand.u32 @!p0 $0xFFFFF80, s14  }
0xd2: {  	s15 =	simm.s32 @!p0 $0xB500;
	s14 =	sadd.s32 @!p0 s2, s14  }
0xd3: {  	[tilespmem:s15], [sflag:$0x4] =	stream.strided.gather @!p0 [hbm4b:s14+s8], $0x1000, s13, s8, $0x38;
	v9, _, _ =	vpop (xrf2);
	[tilespmem:$0x10780] =	vst v63  }
0xd4: {  	_ =	swait.ge [sflag:s10], $0x1000  }
0xd5: {  	[sflag:s10] =	ssyncset.done $0x0  }
0xd6: {  	[sflag:s10] =	ssyncadd.s32 $0xFFFFF000  }
0xd7: {  	_ =	swait.ge [sflag:s10], $0x1000  }
0xd8: {  	(v2sf) =	vpush v4, $0x4;
	_ =	sdelay $0x1  }
0xd9: {  	(v2sf) =	vpush v5, $0x4;
	_ =	sdelay $0xc  }
0xda: {  	s25 =	spop (v2sf)  }
0xdb: {  	s14 =	sand.u32 $0x7F, s25  }
0xdc: {  	s26 =	spop (v2sf);
	v53 =	vor.u32 s14, v0  }
0xdd: {  	s15 =	sand.u32 $0x7F, s26;
	v54 =	vor.u32 s14, v1  }
0xde: {  	v55 =	vor.u32 s15, v0  }
0xdf: {  	[sflag:s10] =	ssyncset.done $0x0;
	v13 =	vor.u32 s15, v1  }
0xe0: {  	s11 =	simm.s32 $0x4500;
	[sflag:s10] =	ssyncadd.s32 $0xFFFFF000  }
0xe1: {  	(v2sf) =	vpush @!p0 v2, $0x4;
	v10 =	vld.idx.msk [tilespmem:v53+s11+$0x0], $0xffff  }
0xe2: {  	s12 =	simm.s32 $0xC500;
	v11 =	vld.idx.msk [tilespmem:v54+s11+$0x0], $0xffff  }
0xe3: {  	v12 =	vld.idx.msk [tilespmem:v55+s12+$0x0], $0xffff  }
0xe4: {  	v13 =	vld.idx.msk [tilespmem:v13+s12+$0x0], $0xffff  }
0xe5: {  	(v2sf) =	vpush @!p0 v3, $0x4;
	_ =	sdelay $0x3  }
0xe6: {  	v10 =	vmul.f32 v12, v10;
	v11 =	vmul.f32 v13, v11;
	_ =	sdelay $0x1  }
0xe7: {  	v10 =	vadd.f32 v11, v10;
	_ =	sdelay $0x1  }
0xe8: {  	(xrf2) =	vadd.scan.msk.f32 $0xffff, v10;
	_ =	sdelay $0x2  }
0xe9: {  	s14 =	spop @!p0 (v2sf)  }
0xea: {  	s14 =	sand.u32 @!p0 $0xFFFFF80, s14  }
0xeb: {  	s15 =	simm.s32 @!p0 $0x4500;
	s14 =	sadd.s32 @!p0 s1, s14  }
0xec: {  	[tilespmem:s15], [sflag:$0x5] =	stream.strided.gather @!p0 [hbm4b:s14+s8], $0x1000, s13, s8, $0x38;
	[tilespmem:$0x10780] =	vst v63  }
0xed: {  	s14 =	spop @!p0 (v2sf)  }
0xee: {  	s14 =	sand.u32 @!p0 $0xFFFFF80, s14  }
0xef: {  	s15 =	simm.s32 @!p0 $0xC500;
	s14 =	sadd.s32 @!p0 s2, s14  }
0xf0: {  	[tilespmem:s15], [sflag:$0x5] =	stream.strided.gather @!p0 [hbm4b:s14+s8], $0x1000, s13, s8, $0x38;
	v10, _, _ =	vpop (xrf2);
	[tilespmem:$0x10780] =	vst v63  }
0xf1: {  	_ =	swait.ge [sflag:s5], $0x1000  }
0xf2: {  	[sflag:s5] =	ssyncset.done $0x0  }
0xf3: {  	[sflag:s5] =	ssyncadd.s32 $0xFFFFF000  }
0xf4: {  	_ =	swait.ge [sflag:s5], $0x1000  }
0xf5: {  	(v2sf) =	vpush v4, $0x5;
	_ =	sdelay $0x1  }
0xf6: {  	(v2sf) =	vpush v5, $0x5;
	_ =	sdelay $0xc  }
0xf7: {  	s15 =	spop (v2sf)  }
0xf8: {  	s14 =	sand.u32 $0x7F, s15  }
0xf9: {  	s26 =	spop (v2sf);
	v56 =	vor.u32 s14, v0  }
0xfa: {  	s15 =	sand.u32 $0x7F, s26;
	v57 =	vor.u32 s14, v1  }
0xfb: {  	v58 =	vor.u32 s15, v0  }
0xfc: {  	[sflag:s5] =	ssyncset.done $0x0;
	v14 =	vor.u32 s15, v1  }
0xfd: {  	s11 =	simm.s32 $0x5500;
	[sflag:s5] =	ssyncadd.s32 $0xFFFFF000  }
0xfe: {  	(v2sf) =	vpush @!p0 v2, $0x5;
	v11 =	vld.idx.msk [tilespmem:v56+s11+$0x0], $0xffff  }
0xff: {  	s12 =	simm.s32 $0xD500;
	v12 =	vld.idx.msk [tilespmem:v57+s11+$0x0], $0xffff  }
0x100: {  	v13 =	vld.idx.msk [tilespmem:v58+s12+$0x0], $0xffff  }
0x101: {  	v14 =	vld.idx.msk [tilespmem:v14+s12+$0x0], $0xffff  }
0x102: {  	(v2sf) =	vpush @!p0 v3, $0x5;
	_ =	sdelay $0x3  }
0x103: {  	v11 =	vmul.f32 v13, v11;
	v12 =	vmul.f32 v14, v12;
	_ =	sdelay $0x1  }
0x104: {  	v11 =	vadd.f32 v12, v11;
	_ =	sdelay $0x1  }
0x105: {  	(xrf2) =	vadd.scan.msk.f32 $0xffff, v11;
	_ =	sdelay $0x2  }
0x106: {  	s14 =	spop @!p0 (v2sf)  }
0x107: {  	s14 =	sand.u32 @!p0 $0xFFFFF80, s14  }
0x108: {  	s15 =	simm.s32 @!p0 $0x5500;
	s14 =	sadd.s32 @!p0 s1, s14  }
0x109: {  	[tilespmem:s15], [sflag:$0x6] =	stream.strided.gather @!p0 [hbm4b:s14+s8], $0x1000, s13, s8, $0x38;
	[tilespmem:$0x10780] =	vst v63  }
0x10a: {  	s14 =	spop @!p0 (v2sf)  }
0x10b: {  	s14 =	sand.u32 @!p0 $0xFFFFF80, s14  }
0x10c: {  	s15 =	simm.s32 @!p0 $0xD500;
	s14 =	sadd.s32 @!p0 s2, s14  }
0x10d: {  	[tilespmem:s15], [sflag:$0x6] =	stream.strided.gather @!p0 [hbm4b:s14+s8], $0x1000, s13, s8, $0x38;
	v11, _, _ =	vpop (xrf2);
	[tilespmem:$0x10780] =	vst v63  }
0x10e: {  	_ =	swait.ge [sflag:s6], $0x1000  }
0x10f: {  	[sflag:s6] =	ssyncset.done $0x0  }
0x110: {  	[sflag:s6] =	ssyncadd.s32 $0xFFFFF000  }
0x111: {  	_ =	swait.ge [sflag:s6], $0x1000  }
0x112: {  	(v2sf) =	vpush v4, $0x6;
	_ =	sdelay $0x1  }
0x113: {  	(v2sf) =	vpush v5, $0x6;
	_ =	sdelay $0xc  }
0x114: {  	s15 =	spop (v2sf)  }
0x115: {  	s14 =	sand.u32 $0x7F, s15  }
0x116: {  	s12 =	spop (v2sf);
	v59 =	vor.u32 s14, v0  }
0x117: {  	s15 =	sand.u32 $0x7F, s12;
	v60 =	vor.u32 s14, v1  }
0x118: {  	v61 =	vor.u32 s15, v0  }
0x119: {  	[sflag:s6] =	ssyncset.done $0x0;
	v15 =	vor.u32 s15, v1  }
0x11a: {  	[sflag:s6] =	ssyncadd.s32 $0xFFFFF000;
	s15 =	simm.s32 $0x6500  }
0x11b: {  	(v2sf) =	vpush @!p0 v2, $0x6;
	v12 =	vld.idx.msk [tilespmem:v59+s15+$0x0], $0xffff  }
0x11c: {  	v13 =	vld.idx.msk [tilespmem:v60+s15+$0x0], $0xffff;
	s15 =	simm.s32 $0xE500  }
0x11d: {  	v14 =	vld.idx.msk [tilespmem:v61+s15+$0x0], $0xffff  }
0x11e: {  	v15 =	vld.idx.msk [tilespmem:v15+s15+$0x0], $0xffff  }
0x11f: {  	(v2sf) =	vpush @!p0 v3, $0x6;
	_ =	sdelay $0x3  }
0x120: {  	v12 =	vmul.f32 v14, v12;
	v13 =	vmul.f32 v15, v13;
	_ =	sdelay $0x1  }
0x121: {  	v12 =	vadd.f32 v13, v12;
	_ =	sdelay $0x1  }
0x122: {  	(xrf2) =	vadd.scan.msk.f32 $0xffff, v12;
	_ =	sdelay $0x2  }
0x123: {  	s14 =	spop @!p0 (v2sf)  }
0x124: {  	s14 =	sand.u32 @!p0 $0xFFFFF80, s14  }
0x125: {  	s15 =	simm.s32 @!p0 $0x6500;
	s14 =	sadd.s32 @!p0 s1, s14  }
0x126: {  	[tilespmem:s15], [sflag:$0x7] =	stream.strided.gather @!p0 [hbm4b:s14+s8], $0x1000, s13, s8, $0x38;
	[tilespmem:$0x10780] =	vst v63  }
0x127: {  	s14 =	spop @!p0 (v2sf)  }
0x128: {  	s14 =	sand.u32 @!p0 $0xFFFFF80, s14  }
0x129: {  	s15 =	simm.s32 @!p0 $0xE500;
	s14 =	sadd.s32 @!p0 s2, s14  }
0x12a: {  	[tilespmem:s15], [sflag:$0x7] =	stream.strided.gather @!p0 [hbm4b:s14+s8], $0x1000, s13, s8, $0x38;
	v12, _, _ =	vpop (xrf2);
	[tilespmem:$0x10780] =	vst v63  }
0x12b: {  	_ =	swait.ge [sflag:s7], $0x1000  }
0x12c: {  	[sflag:s7] =	ssyncset.done $0x0  }
0x12d: {  	[sflag:s7] =	ssyncadd.s32 $0xFFFFF000  }
0x12e: {  	_ =	swait.ge [sflag:s7], $0x1000  }
0x12f: {  	(v2sf) =	vpush v4, $0x7;
	_ =	sdelay $0x1  }
0x130: {  	(v2sf) =	vpush v5, $0x7;
	_ =	sdelay $0xc  }
0x131: {  	s13 =	spop (v2sf)  }
0x132: {  	s8 =	sand.u32 $0x7F, s13  }
0x133: {  	s14 =	spop (v2sf);
	v4 =	vor.u32 s8, v0  }
0x134: {  	v5 =	vor.u32 s8, v1;
	s14 =	sand.u32 $0x7F, s14  }
0x135: {  	v62 =	vor.u32 s14, v0  }
0x136: {  	[sflag:s7] =	ssyncset.done $0x0;
	v63 =	vor.u32 s14, v1  }
0x137: {  	s15 =	simm.s32 $0x7500;
	[sflag:s7] =	ssyncadd.s32 $0xFFFFF000  }
0x138: {  	v4 =	vld.idx.msk [tilespmem:v4+s15+$0x0], $0xffff  }
0x139: {  	v5 =	vld.idx.msk [tilespmem:v5+s15+$0x0], $0xffff  }
0x13a: {  	v13 =	vld.idx.msk [tilespmem:v62+s29+$0x0], $0xffff  }
0x13b: {  	v14 =	vld.idx.msk [tilespmem:v63+s29+$0x0], $0xffff;
	_ =	sdelay $0x4  }
0x13c: {  	v4 =	vmul.f32 v13, v4;
	v5 =	vmul.f32 v14, v5;
	_ =	sdelay $0x1  }
0x13d: {  	v4 =	vadd.f32 v5, v4;
	_ =	sdelay $0x1  }
0x13e: {  	(xrf2) =	vadd.scan.msk.f32 $0xffff, v4;
	_ =	sdelay $0x3  }
0x13f: {  	v4 =	vbroadcast v6, $0xF  }
0x140: {  	v5 =	vbroadcast v7, $0xF  }
0x141: {  	v6 =	vbroadcast v8, $0xF;
	v4 =	vnsel vm0, $0x0, v4  }
0x142: {  	v4 =	vsel vm1, v5, v4;
	v5 =	vbroadcast v9, $0xF  }
0x143: {  	p0 =	sne.s32 s4, $0x7E0;
	v4 =	vsel vm2, v6, v4;
	v6 =	vbroadcast v10, $0xF  }
.Ltmp0:
0x144: {  	s16 =	simm.s32 $0x500;
	s17 =	simm.s32 $0x8500;
	v4 =	vsel vm3, v5, v4;
	v5 =	vbroadcast v11, $0xF;
	(pc) =	sbr.rel @!p0 .LBB2_3-.Ltmp0, $4  }
0x145: {  	s18 =	simm.s32 $0x1500;
	s28 =	simm.s32 $0xE500;
	s19 =	simm.s32 $0x9500;
	v4 =	vsel vm4, v6, v4;
	v6 =	vbroadcast v12, $0xF;
	v7, _, _ =	vpop (xrf2)  }
0x146: {  	s20 =	simm.s32 $0x2500;
	s21 =	simm.s32 $0xA500;
	s22 =	simm.s32 $0x3500;
	v4 =	vsel vm5, v5, v4;
	v5 =	vbroadcast v7, $0xF  }
0x147: {  	s23 =	simm.s32 $0xB500;
	s24 =	simm.s32 $0x4500;
	s25 =	simm.s32 $0xC500;
	v4 =	vsel vm6, v6, v4  }
0x148: {  	s26 =	simm.s32 $0x5500;
	s11 =	simm.s32 $0xD500;
	s12 =	simm.s32 $0x6500;
	v4 =	vsel vm7, v5, v4  }
0x149: {  	(v2sf) =	vpush v2, $0x7;
	_ =	sdelay $0x3  }
0x14a: {  	(v2sf) =	vpush v3, $0x7;
	_ =	sdelay $0xa  }
0x14b: {  	s8 =	spop (v2sf)  }
0x14c: {  	s13 =	simm.s32 $0x400;
	s4 =	sadd.s32 $0x20, s4;
	s8 =	sand.u32 $0xFFFFF80, s8  }
0x14d: {  	s14 =	simm.s32 $0x7A1400;
	p0 =	sne.s32 s4, $0x800;
	s8 =	sadd.s32 s1, s8  }
0x14e: {  	[tilespmem:s15], [sflag:$0x8] =	stream.strided.gather [hbm4b:s8+s13], $0x1000, s14, s13, $0x38;
	[tilespmem:$0x10780] =	vst v63  }
.Ltmp1:
0x14f: {  	s8 =	spop (v2sf);
	(pc) =	sbr.rel @p0 .LBB2_2-.Ltmp1, $4  }
.Ltmp2:
0x150: {  	s8 =	sand.u32 $0xFFFFF80, s8;
	(pc) =	sbr.rel @!p0 .LBB2_5-.Ltmp2, $4  }
0x151: {  	s8 =	sadd.s32 s2, s8  }
0x152: {  	[tilespmem:s29], [sflag:$0x8] =	stream.strided.gather [hbm4b:s8+s13], $0x1000, s14, s13, $0x38;
	[tilespmem:$0x10780] =	vst v63  }
0x153: {  	[tilespmem:s9+$0x10500] =	vst v4  }
0x154: {  	_ = 	snop  }
.LBB2_3:
0x155: {  	[tilespmem:s9+$0x10500] =	vst v4  }
.LBB2_5:
0x156: {  	s4 =	simm.s32 $0x0;
	s8 =	simm.s32 $0x40;
	s13 =	rddreg [dreg:$0xa]  }
.LBB2_6:
0x157: {  	p0 =	sne.s32 s8, $0x7C0;
	v2 =	vld [tilespmem:s4+$0x10500];
	_ =	sdelay $0x4  }
0x158: {  	v2 =	vsub.f32 $0.0e+00, v2;
	_ =	sdelay $0x1  }
0x159: {  	v2 =	vmul.f32 $1.442695020e+00, v2;
	_ =	sdelay $0x1  }
0x15a: {  	(erf) = vpow2.f32 v2;
	_ =	sdelay $0x8  }
0x15b: {  	v2 =	vpop (erf)  }
0x15c: {  	v2 =	vadd.f32 $1.000000000e+00, v2;
	_ =	sdelay $0x1  }
0x15d: {  	(erf) = vrcp.f32 v2;
	_ =	sdelay $0x5  }
.Ltmp3:
0x15e: {  	(pc) =	sbr.rel @p0 .LBB2_6-.Ltmp3, $3  }
0x15f: {  	_ =	sdelay $0x1  }
0x160: {  	v2 =	vpop (erf)  }
0x161: {  	[tilespmem:s4+$0x10500] =	vst v2;
	s4 =	sshra.s32 s8, $0x2;
	s8 =	sadd.s32 $0x40, s8  }
0x162: {  	v2 =	vld [tilespmem:s4+$0x10500];
	_ =	sdelay $0x4  }
0x163: {  	v2 =	vsub.f32 $0.0e+00, v2;
	_ =	sdelay $0x1  }
0x164: {  	v2 =	vmul.f32 $1.442695020e+00, v2;
	_ =	sdelay $0x1  }
0x165: {  	(erf) = vpow2.f32 v2;
	_ =	sdelay $0x8  }
0x166: {  	v2 =	vpop (erf)  }
0x167: {  	v2 =	vadd.f32 $1.000000000e+00, v2;
	_ =	sdelay $0x1  }
0x168: {  	(erf) = vrcp.f32 v2;
	_ =	sdelay $0x8  }
0x169: {  	v2 =	vpop (erf)  }
0x16a: {  	s9 =	simm.s32 $0x0;
	s14 =	rddreg [dreg:$0x8];
	s8 =	simm.s32 $0x10500;
	[tilespmem:s4+$0x10500] =	vst v2  }
0x16b: {  	[hbm4b:s14+s9] =	stream.linear.scatter [tilespmem:s8], [sflag:$0x9], $0x200, $0x38;
	[tilespmem:$0x10780] =	vst v63  }
0x16c: {  	s8 =	simm.s32 $0x9  }
0x16d: {  	_ =	swait.ge [sflag:s8], $0x200  }
0x16e: {  	s13 =	sadd.s32 $0x1, s13;
	s14 =	rddreg [dreg:$0x9]  }
0x16f: {  	p0 =	sne.s32 s13, s14  }
.Ltmp4:
0x170: {  	_ = 	snop;
	(pc) =	sbr.rel @p0 .LBB2_1-.Ltmp4, $3  }
0x171: {  	_ =	sdelay $0x1  }
0x172: {  	[sflag:s8] =	ssyncset.done $0x0  }
0x173: {  	[sflag:s8] =	ssyncadd.s32 $0xFFFFFE00  }
0x174: {  	_ =	sfence.sel $0x180000  }
0x175: {  	[bflag:$0x0] =	sbarrier.arrive $0xFFFF  }
0x176: {  	_ =	strace $0x90000047  }
0x177: {  	s0 =	stileid.u32;
	[bflag:$0x2] =	sbarrier.arrive $0xFFFF  }
0x178: {  	p0 =	sne.s32 s0, $0x0;
	s0 =	rddreg [dreg:$0x5]  }
0x179: {  	s0 =	sadd.s32 @!p0 $0x100000, s0  }
0x17a: {  	[sflag:s0] =	ssyncadd.tile.s32 @!p0 $0x1;
	_ =	shalt  }
.Lfunc_end2:
_tile_overlayer_lowered:
.L_overlay_start_2:
0x17b: {  	(tag) =	ssettag $0x2  }
0x17c: {  	s0 =	rddreg [dreg:$0x0];
	s2 =	stileid.u32  }
0x17d: {  	s1 =	rddreg [dreg:$0x1];
	p0 =	sne.s32 s2, $0x0  }
0x17e: {  	s3 =	rddreg [dreg:$0x2];
	[bflag:$0x3] =	sbarrier.arrive $0xFFFF;
	s2 =	simm.s32 @!p0 $0x1C09  }
0x17f: {  	[timem:s3], [sflag:s2] =	dma.local @!p0 [hbm:s0], s1  }
0x180: {  	s0 =	simm.s32 @!p0 $0x9  }
0x181: {  	_ =	swait.ge @!p0 [sflag:s0], s1  }
0x182: {  	s1 =	ssub.s32 @!p0 $0x0, s1;
	[sflag:s0] =	ssyncset.done @!p0 $0x0  }
0x183: {  	[sflag:s0] =	ssyncadd.s32 @!p0 s1  }
0x184: {  	[bflag:$0x3] =	sbarrier.arrive $0xFFFF  }
0x185: {  	_ =	shalt  }

</sc_bundles>
